<compile_context>
chip_gen: v7x
topology: tpu7x:2x2x1
jax: 0.10.2.dev20260603
libtpu: 0.0.44.dev20260713+nightly
codegen_flags: <defaults>
</compile_context>

<pallas_src>
import functools

import jax
import jax.numpy as jnp
from jax import lax
from jax.experimental import pallas as pl
from jax.experimental.pallas import tpu as pltpu
from jax.experimental.pallas import tpu_sc as plsc

BATCH = 16384
D0 = 16
D1 = 32
NC = 2
NS = 16
NW = NC * NS
B_PER_W = BATCH // NW
CH = 32
NCHUNK = B_PER_W // CH
R0 = 128 // D0
R1 = 128 // D1
P0 = B_PER_W // R0
P1 = B_PER_W // R1


def _body(w0_hbm, w1_hbm, idx_hbm, out0_hbm, out1_hbm,
          idx_v, blk0_v, blk1_v, pack0_v, pack1_v, sem0, sem1):
    wid = lax.axis_index("s") * NC + lax.axis_index("c")
    base = pl.multiple_of(wid * B_PER_W, B_PER_W)
    pltpu.sync_copy(idx_hbm.at[pl.ds(base, B_PER_W)], idx_v)

    def do_chunk(ci, carry):
        c0 = ci * CH

        def fire(g, carry):
            v = idx_v[pl.ds(c0 + g * 16, 16)]
            for jj in range(16):
                t8 = pl.multiple_of(
                    jax.lax.shift_left(
                        jax.lax.shift_right_logical(v[jj], 3), 3), 8)
                j = g * 16 + jj
                pltpu.async_copy(w0_hbm.at[pl.ds(t8, 8)],
                                 blk0_v.at[pl.ds(j * 8, 8)], sem0)
                pltpu.async_copy(w1_hbm.at[pl.ds(t8, 8)],
                                 blk1_v.at[pl.ds(j * 8, 8)], sem1)
            return carry

        lax.fori_loop(0, CH // 16, fire, 0)

        pltpu.make_async_copy(w0_hbm.at[pl.ds(0, CH * 8)], blk0_v,
                              sem0).wait()
        pltpu.make_async_copy(w1_hbm.at[pl.ds(0, CH * 8)], blk1_v,
                              sem1).wait()

        def select(g, carry):
            v = idx_v[pl.ds(c0 + g * 16, 16)]
            for jj in range(16):
                j = g * 16 + jj
                r = jax.lax.bitwise_and(v[jj], 7)
                p = c0 + j
                row0 = jnp.maximum(blk0_v[j * 8 + r, :], 0.0)
                pack0_v[p // R0, pl.ds((p % R0) * D0, D0)] = row0
                for c in range(2):
                    h = jnp.maximum(blk1_v[j * 8 + r, pl.ds(c * 16, 16)], 0.0)
                    pack1_v[p // R1,
                            pl.ds((p % R1) * D1 + c * 16, 16)] = h
            return carry

        lax.fori_loop(0, CH // 16, select, 0)
        return carry

    lax.fori_loop(0, NCHUNK, do_chunk, 0)

    pltpu.sync_copy(
        pack0_v, out0_hbm.at[pl.ds(pl.multiple_of(wid * P0, P0), P0)])
    pltpu.sync_copy(
        pack1_v, out1_hbm.at[pl.ds(pl.multiple_of(wid * P1, P1), P1)])


@jax.jit
def _statenet_sc(w0, w1, idx):
    mesh = plsc.VectorSubcoreMesh(core_axis_name="c", subcore_axis_name="s")
    f = functools.partial(
        pl.kernel,
        mesh=mesh,
        out_type=(
            jax.ShapeDtypeStruct((BATCH // R0, 128), jnp.float32),
            jax.ShapeDtypeStruct((BATCH // R1, 128), jnp.float32),
        ),
        scratch_types=[
            pltpu.VMEM((B_PER_W,), jnp.int32),
            pltpu.VMEM((CH * 8, D0), jnp.float32),
            pltpu.VMEM((CH * 8, D1), jnp.float32),
            pltpu.VMEM((P0, 128), jnp.float32),
            pltpu.VMEM((P1, 128), jnp.float32),
            pltpu.SemaphoreType.DMA,
            pltpu.SemaphoreType.DMA,
        ],
        compiler_params=pltpu.CompilerParams(
            use_tc_tiling_on_sc=True, needs_layout_passes=False),
    )(_body)
    return f(w0, w1, idx)


def kernel(x0, W0, W1, indices):
    out0, out1 = _statenet_sc(W0, W1, indices.astype(jnp.int32))
    s0 = out0.reshape(BATCH, D0)
    s1 = out1.reshape(BATCH, D1)
    return (x0, s0, s1)

# --- scband reference (transcript-rebuilt; emitter-appended) ---
"""Pipeline reference for scband-state-net-29119878267447 (READ-ONLY COPY).

The authoritative reference and input builder live on the scoring server;
editing this copy changes nothing except your own understanding.
"""

import jax, jax.numpy as jnp
import numpy as np

DATASET_SIZE = 1000000
STATE_SIZES = [16, 32]
BATCH = 16384

def setup_inputs(seed: int = 0) -> dict:
    key = jax.random.key(seed)
    k_x0, k_idx, k_w0, k_w1 = jax.random.split(key, 4)
    x0 = jax.random.normal(k_x0, (BATCH, 16), dtype=jnp.float32)
    indices = jax.random.randint(k_idx, (BATCH,), 0, DATASET_SIZE, dtype=jnp.int64)
    W0 = jax.random.normal(k_w0, (DATASET_SIZE, STATE_SIZES[0]), dtype=jnp.float32) * 0.02
    W1 = jax.random.normal(k_w1, (DATASET_SIZE, STATE_SIZES[1]), dtype=jnp.float32) * 0.02
    return {"x0": x0, "W0": W0, "W1": W1, "indices": indices}

def reference(x0, W0, W1, indices):
    # StateNet.forward: [x0] + [ReLU(Embedding_i(indices)) for each TabularState]
    s0 = jax.nn.relu(jnp.take(W0, indices, axis=0))
    s1 = jax.nn.relu(jnp.take(W1, indices, axis=0))
    return (x0, s0, s1)

if __name__ == "__main__":
    import jax
    _d = setup_inputs()
    print(jax.jit(kernel)(*tuple(_d.values())))

</pallas_src>

<mosaic_0001>
#map = affine_map<(d0, d1) -> (0, 0)>
#map1 = affine_map<(d0, d1) -> (0)>
module attributes {stable_mosaic.version = 14 : i64} {
  func.func @_body(%arg0: i32, %arg1: i32, %arg2: memref<1000000x16xf32, #tpu.memory_space<hbm>>, %arg3: memref<1000000x32xf32, #tpu.memory_space<hbm>>, %arg4: memref<16384xi32, #tpu.memory_space<hbm>>, %arg5: memref<2048x128xf32, #tpu.memory_space<hbm>>, %arg6: memref<4096x128xf32, #tpu.memory_space<hbm>>, %arg7: memref<512xi32, #tpu.memory_space<vmem>>, %arg8: memref<256x16xf32, #tpu.memory_space<vmem>>, %arg9: memref<256x32xf32, #tpu.memory_space<vmem>>, %arg10: memref<64x128xf32, #tpu.memory_space<vmem>>, %arg11: memref<128x128xf32, #tpu.memory_space<vmem>>, %arg12: memref<!tpu.dma_semaphore, #tpu.memory_space<semaphore_mem>>, %arg13: memref<!tpu.dma_semaphore, #tpu.memory_space<semaphore_mem>>) attributes {dimension_semantics = [#tpu.dimension_semantics<core_parallel>, #tpu.dimension_semantics<subcore_parallel>], iteration_bounds = array<i64: 2, 16>, scalar_prefetch = 0 : i64, scratch_operands = 7 : i64, tpu.core_type = #tpu.core_type<sc_vector_subcore>, window_params = [{transform_indices = #map}, {transform_indices = #map}, {transform_indices = #map1}, {transform_indices = #map}, {transform_indices = #map}]} {
    %mul3A = arith.constant 2 : i32
    %mul3A_0 = arith.muli %arg1, %mul3A : i32
    %add3A = arith.addi %mul3A_0, %arg0 : i32
    %mul3A_1 = arith.constant 512 : i32
    %mul3A_2 = arith.muli %add3A, %mul3A_1 : i32
    %multiple_of3A = tpu.assume_multiple %mul3A_2, 512 : i32
    "tpu.region"() ({
      %run_scoped3A = tpu.sem_alloc : memref<!tpu.dma_semaphore, #tpu.memory_space<semaphore_mem>>
      %dma_start3A = tpu.memref_slice %arg4[%multiple_of3A] : memref<16384xi32, #tpu.memory_space<hbm>> -> memref<512xi32, #tpu.memory_space<hbm>>
      %dma_start3A_14 = tpu.memref_slice %arg4[%multiple_of3A] : memref<16384xi32, #tpu.memory_space<hbm>> -> memref<512xi32, #tpu.memory_space<hbm>>
      tpu.enqueue_dma source(%dma_start3A_14 : memref<512xi32, #tpu.memory_space<hbm>>) target(%arg7 : memref<512xi32, #tpu.memory_space<vmem>>) target_semaphore(%run_scoped3A : memref<!tpu.dma_semaphore, #tpu.memory_space<semaphore_mem>>)
      %dma_wait3A = tpu.memref_slice %arg4[%multiple_of3A] : memref<16384xi32, #tpu.memory_space<hbm>> -> memref<512xi32, #tpu.memory_space<hbm>>
      %dma_wait3A_15 = tpu.memref_slice %arg4[%multiple_of3A] : memref<16384xi32, #tpu.memory_space<hbm>> -> memref<512xi32, #tpu.memory_space<hbm>>
      tpu.wait_dma2 semaphore(%run_scoped3A : memref<!tpu.dma_semaphore, #tpu.memory_space<semaphore_mem>>) src(%dma_wait3A_15 : memref<512xi32, #tpu.memory_space<hbm>>) dst(%arg7 : memref<512xi32, #tpu.memory_space<vmem>>)
      tpu.yield
    }) : () -> ()
    %scan3A = arith.constant 0 : i32
    %scan3A_3 = arith.constant 0 : i32
    %scan3A_4 = arith.constant 16 : i32
    %scan3A_5 = arith.addi %scan3A_3, %scan3A_4 : i32
    %scan3A_6 = arith.constant 1 : i32
    scf.for %scan3A_14 = %scan3A_3 to %scan3A_5 step %scan3A_6  : i32 {
      %mul3A_15 = arith.constant 32 : i32
      %mul3A_16 = arith.muli %scan3A_14, %mul3A_15 : i32
      %scan3A_17 = arith.constant 0 : i32
      %scan3A_18 = arith.constant 0 : i32
      %scan3A_19 = arith.constant 2 : i32
      %scan3A_20 = arith.addi %scan3A_18, %scan3A_19 : i32
      %scan3A_21 = arith.constant 1 : i32
      scf.for %scan3A_40 = %scan3A_18 to %scan3A_20 step %scan3A_21  : i32 {
        %mul3A_41 = arith.constant 16 : i32
        %mul3A_42 = arith.muli %scan3A_40, %mul3A_41 : i32
        %add3A_43 = arith.addi %mul3A_16, %mul3A_42 : i32
        %get3A = arith.index_cast %add3A_43 : i32 to index
        %get3A_44 = tpu.vector_load %arg7[%get3A] {strides = array<i32>} : memref<512xi32, #tpu.memory_space<vmem>>, vector<16xi32>,
        %slice3A = vector.extract_strided_slice %get3A_44 {offsets = [0], sizes = [1], strides = [1]} : vector<16xi32> to vector<1xi32>
        %squeeze3A = vector.extract %slice3A[0] : i32 from vector<1xi32>
        %shift_right_logical3A = arith.constant 3 : i32
        %shift_right_logical3A_45 = arith.shrui %squeeze3A, %shift_right_logical3A : i32
        %shift_left3A = arith.constant 3 : i32
        %shift_left3A_46 = arith.shli %shift_right_logical3A_45, %shift_left3A : i32
        %multiple_of3A_47 = tpu.assume_multiple %shift_left3A_46, 8 : i32
        %mul3A_48 = arith.constant 16 : i32
        %mul3A_49 = arith.muli %scan3A_40, %mul3A_48 : i32
        %add3A_50 = arith.constant 0 : i32
        %add3A_51 = arith.addi %mul3A_49, %add3A_50 : i32
        %mul3A_52 = arith.constant 8 : i32
        %mul3A_53 = arith.muli %add3A_51, %mul3A_52 : i32
        %dma_start3A = arith.constant 0 : i32
        %dma_start3A_54 = tpu.memref_slice %arg8[%mul3A_53, %dma_start3A] : memref<256x16xf32, #tpu.memory_space<vmem>> -> memref<8x16xf32, #tpu.memory_space<vmem>>
        %dma_start3A_55 = arith.constant 0 : i32
        %dma_start3A_56 = tpu.memref_slice %arg2[%multiple_of3A_47, %dma_start3A_55] : memref<1000000x16xf32, #tpu.memory_space<hbm>> -> memref<8x16xf32, #tpu.memory_space<hbm>>
        %dma_start3A_57 = arith.constant 0 : i32
        %dma_start3A_58 = tpu.memref_slice %arg8[%mul3A_53, %dma_start3A_57] : memref<256x16xf32, #tpu.memory_space<vmem>> -> memref<8x16xf32, #tpu.memory_space<vmem>>
        %dma_start3A_59 = arith.constant 0 : i32
        %dma_start3A_60 = tpu.memref_slice %arg2[%multiple_of3A_47, %dma_start3A_59] : memref<1000000x16xf32, #tpu.memory_space<hbm>> -> memref<8x16xf32, #tpu.memory_space<hbm>>
        tpu.enqueue_dma source(%dma_start3A_60 : memref<8x16xf32, #tpu.memory_space<hbm>>) target(%dma_start3A_58 : memref<8x16xf32, #tpu.memory_space<vmem>>) target_semaphore(%arg12 : memref<!tpu.dma_semaphore, #tpu.memory_space<semaphore_mem>>)
        %mul3A_61 = arith.constant 8 : i32
        %mul3A_62 = arith.muli %add3A_51, %mul3A_61 : i32
        %dma_start3A_63 = arith.constant 0 : i32
        %dma_start3A_64 = tpu.memref_slice %arg9[%mul3A_62, %dma_start3A_63] : memref<256x32xf32, #tpu.memory_space<vmem>> -> memref<8x32xf32, #tpu.memory_space<vmem>>
        %dma_start3A_65 = arith.constant 0 : i32
        %dma_start3A_66 = tpu.memref_slice %arg3[%multiple_of3A_47, %dma_start3A_65] : memref<1000000x32xf32, #tpu.memory_space<hbm>> -> memref<8x32xf32, #tpu.memory_space<hbm>>
        %dma_start3A_67 = arith.constant 0 : i32
        %dma_start3A_68 = tpu.memref_slice %arg9[%mul3A_62, %dma_start3A_67] : memref<256x32xf32, #tpu.memory_space<vmem>> -> memref<8x32xf32, #tpu.memory_space<vmem>>
        %dma_start3A_69 = arith.constant 0 : i32
        %dma_start3A_70 = tpu.memref_slice %arg3[%multiple_of3A_47, %dma_start3A_69] : memref<1000000x32xf32, #tpu.memory_space<hbm>> -> memref<8x32xf32, #tpu.memory_space<hbm>>
        tpu.enqueue_dma source(%dma_start3A_70 : memref<8x32xf32, #tpu.memory_space<hbm>>) target(%dma_start3A_68 : memref<8x32xf32, #tpu.memory_space<vmem>>) target_semaphore(%arg13 : memref<!tpu.dma_semaphore, #tpu.memory_space<semaphore_mem>>)
        %slice3A_71 = vector.extract_strided_slice %get3A_44 {offsets = [1], sizes = [1], strides = [1]} : vector<16xi32> to vector<1xi32>
        %squeeze3A_72 = vector.extract %slice3A_71[0] : i32 from vector<1xi32>
        %shift_right_logical3A_73 = arith.constant 3 : i32
        %shift_right_logical3A_74 = arith.shrui %squeeze3A_72, %shift_right_logical3A_73 : i32
        %shift_left3A_75 = arith.constant 3 : i32
        %shift_left3A_76 = arith.shli %shift_right_logical3A_74, %shift_left3A_75 : i32
        %multiple_of3A_77 = tpu.assume_multiple %shift_left3A_76, 8 : i32
        %mul3A_78 = arith.constant 16 : i32
        %mul3A_79 = arith.muli %scan3A_40, %mul3A_78 : i32
        %add3A_80 = arith.constant 1 : i32
        %add3A_81 = arith.addi %mul3A_79, %add3A_80 : i32
        %mul3A_82 = arith.constant 8 : i32
        %mul3A_83 = arith.muli %add3A_81, %mul3A_82 : i32
        %dma_start3A_84 = arith.constant 0 : i32
        %dma_start3A_85 = tpu.memref_slice %arg8[%mul3A_83, %dma_start3A_84] : memref<256x16xf32, #tpu.memory_space<vmem>> -> memref<8x16xf32, #tpu.memory_space<vmem>>
        %dma_start3A_86 = arith.constant 0 : i32
        %dma_start3A_87 = tpu.memref_slice %arg2[%multiple_of3A_77, %dma_start3A_86] : memref<1000000x16xf32, #tpu.memory_space<hbm>> -> memref<8x16xf32, #tpu.memory_space<hbm>>
        %dma_start3A_88 = arith.constant 0 : i32
        %dma_start3A_89 = tpu.memref_slice %arg8[%mul3A_83, %dma_start3A_88] : memref<256x16xf32, #tpu.memory_space<vmem>> -> memref<8x16xf32, #tpu.memory_space<vmem>>
        %dma_start3A_90 = arith.constant 0 : i32
        %dma_start3A_91 = tpu.memref_slice %arg2[%multiple_of3A_77, %dma_start3A_90] : memref<1000000x16xf32, #tpu.memory_space<hbm>> -> memref<8x16xf32, #tpu.memory_space<hbm>>
        tpu.enqueue_dma source(%dma_start3A_91 : memref<8x16xf32, #tpu.memory_space<hbm>>) target(%dma_start3A_89 : memref<8x16xf32, #tpu.memory_space<vmem>>) target_semaphore(%arg12 : memref<!tpu.dma_semaphore, #tpu.memory_space<semaphore_mem>>)
        %mul3A_92 = arith.constant 8 : i32
        %mul3A_93 = arith.muli %add3A_81, %mul3A_92 : i32
        %dma_start3A_94 = arith.constant 0 : i32
        %dma_start3A_95 = tpu.memref_slice %arg9[%mul3A_93, %dma_start3A_94] : memref<256x32xf32, #tpu.memory_space<vmem>> -> memref<8x32xf32, #tpu.memory_space<vmem>>
        %dma_start3A_96 = arith.constant 0 : i32
        %dma_start3A_97 = tpu.memref_slice %arg3[%multiple_of3A_77, %dma_start3A_96] : memref<1000000x32xf32, #tpu.memory_space<hbm>> -> memref<8x32xf32, #tpu.memory_space<hbm>>
        %dma_start3A_98 = arith.constant 0 : i32
        %dma_start3A_99 = tpu.memref_slice %arg9[%mul3A_93, %dma_start3A_98] : memref<256x32xf32, #tpu.memory_space<vmem>> -> memref<8x32xf32, #tpu.memory_space<vmem>>
        %dma_start3A_100 = arith.constant 0 : i32
        %dma_start3A_101 = tpu.memref_slice %arg3[%multiple_of3A_77, %dma_start3A_100] : memref<1000000x32xf32, #tpu.memory_space<hbm>> -> memref<8x32xf32, #tpu.memory_space<hbm>>
        tpu.enqueue_dma source(%dma_start3A_101 : memref<8x32xf32, #tpu.memory_space<hbm>>) target(%dma_start3A_99 : memref<8x32xf32, #tpu.memory_space<vmem>>) target_semaphore(%arg13 : memref<!tpu.dma_semaphore, #tpu.memory_space<semaphore_mem>>)
        %slice3A_102 = vector.extract_strided_slice %get3A_44 {offsets = [2], sizes = [1], strides = [1]} : vector<16xi32> to vector<1xi32>
        %squeeze3A_103 = vector.extract %slice3A_102[0] : i32 from vector<1xi32>
        %shift_right_logical3A_104 = arith.constant 3 : i32
        %shift_right_logical3A_105 = arith.shrui %squeeze3A_103, %shift_right_logical3A_104 : i32
        %shift_left3A_106 = arith.constant 3 : i32
        %shift_left3A_107 = arith.shli %shift_right_logical3A_105, %shift_left3A_106 : i32
        %multiple_of3A_108 = tpu.assume_multiple %shift_left3A_107, 8 : i32
        %mul3A_109 = arith.constant 16 : i32
        %mul3A_110 = arith.muli %scan3A_40, %mul3A_109 : i32
        %add3A_111 = arith.constant 2 : i32
        %add3A_112 = arith.addi %mul3A_110, %add3A_111 : i32
        %mul3A_113 = arith.constant 8 : i32
        %mul3A_114 = arith.muli %add3A_112, %mul3A_113 : i32
        %dma_start3A_115 = arith.constant 0 : i32
        %dma_start3A_116 = tpu.memref_slice %arg8[%mul3A_114, %dma_start3A_115] : memref<256x16xf32, #tpu.memory_space<vmem>> -> memref<8x16xf32, #tpu.memory_space<vmem>>
        %dma_start3A_117 = arith.constant 0 : i32
        %dma_start3A_118 = tpu.memref_slice %arg2[%multiple_of3A_108, %dma_start3A_117] : memref<1000000x16xf32, #tpu.memory_space<hbm>> -> memref<8x16xf32, #tpu.memory_space<hbm>>
        %dma_start3A_119 = arith.constant 0 : i32
        %dma_start3A_120 = tpu.memref_slice %arg8[%mul3A_114, %dma_start3A_119] : memref<256x16xf32, #tpu.memory_space<vmem>> -> memref<8x16xf32, #tpu.memory_space<vmem>>
        %dma_start3A_121 = arith.constant 0 : i32
        %dma_start3A_122 = tpu.memref_slice %arg2[%multiple_of3A_108, %dma_start3A_121] : memref<1000000x16xf32, #tpu.memory_space<hbm>> -> memref<8x16xf32, #tpu.memory_space<hbm>>
        tpu.enqueue_dma source(%dma_start3A_122 : memref<8x16xf32, #tpu.memory_space<hbm>>) target(%dma_start3A_120 : memref<8x16xf32, #tpu.memory_space<vmem>>) target_semaphore(%arg12 : memref<!tpu.dma_semaphore, #tpu.memory_space<semaphore_mem>>)
        %mul3A_123 = arith.constant 8 : i32
        %mul3A_124 = arith.muli %add3A_112, %mul3A_123 : i32
        %dma_start3A_125 = arith.constant 0 : i32
        %dma_start3A_126 = tpu.memref_slice %arg9[%mul3A_124, %dma_start3A_125] : memref<256x32xf32, #tpu.memory_space<vmem>> -> memref<8x32xf32, #tpu.memory_space<vmem>>
        %dma_start3A_127 = arith.constant 0 : i32
        %dma_start3A_128 = tpu.memref_slice %arg3[%multiple_of3A_108, %dma_start3A_127] : memref<1000000x32xf32, #tpu.memory_space<hbm>> -> memref<8x32xf32, #tpu.memory_space<hbm>>
        %dma_start3A_129 = arith.constant 0 : i32
        %dma_start3A_130 = tpu.memref_slice %arg9[%mul3A_124, %dma_start3A_129] : memref<256x32xf32, #tpu.memory_space<vmem>> -> memref<8x32xf32, #tpu.memory_space<vmem>>
        %dma_start3A_131 = arith.constant 0 : i32
        %dma_start3A_132 = tpu.memref_slice %arg3[%multiple_of3A_108, %dma_start3A_131] : memref<1000000x32xf32, #tpu.memory_space<hbm>> -> memref<8x32xf32, #tpu.memory_space<hbm>>
        tpu.enqueue_dma source(%dma_start3A_132 : memref<8x32xf32, #tpu.memory_space<hbm>>) target(%dma_start3A_130 : memref<8x32xf32, #tpu.memory_space<vmem>>) target_semaphore(%arg13 : memref<!tpu.dma_semaphore, #tpu.memory_space<semaphore_mem>>)
        %slice3A_133 = vector.extract_strided_slice %get3A_44 {offsets = [3], sizes = [1], strides = [1]} : vector<16xi32> to vector<1xi32>
        %squeeze3A_134 = vector.extract %slice3A_133[0] : i32 from vector<1xi32>
        %shift_right_logical3A_135 = arith.constant 3 : i32
        %shift_right_logical3A_136 = arith.shrui %squeeze3A_134, %shift_right_logical3A_135 : i32
        %shift_left3A_137 = arith.constant 3 : i32
        %shift_left3A_138 = arith.shli %shift_right_logical3A_136, %shift_left3A_137 : i32
        %multiple_of3A_139 = tpu.assume_multiple %shift_left3A_138, 8 : i32
        %mul3A_140 = arith.constant 16 : i32
        %mul3A_141 = arith.muli %scan3A_40, %mul3A_140 : i32
        %add3A_142 = arith.constant 3 : i32
        %add3A_143 = arith.addi %mul3A_141, %add3A_142 : i32
        %mul3A_144 = arith.constant 8 : i32
        %mul3A_145 = arith.muli %add3A_143, %mul3A_144 : i32
        %dma_start3A_146 = arith.constant 0 : i32
        %dma_start3A_147 = tpu.memref_slice %arg8[%mul3A_145, %dma_start3A_146] : memref<256x16xf32, #tpu.memory_space<vmem>> -> memref<8x16xf32, #tpu.memory_space<vmem>>
        %dma_start3A_148 = arith.constant 0 : i32
        %dma_start3A_149 = tpu.memref_slice %arg2[%multiple_of3A_139, %dma_start3A_148] : memref<1000000x16xf32, #tpu.memory_space<hbm>> -> memref<8x16xf32, #tpu.memory_space<hbm>>
        %dma_start3A_150 = arith.constant 0 : i32
        %dma_start3A_151 = tpu.memref_slice %arg8[%mul3A_145, %dma_start3A_150] : memref<256x16xf32, #tpu.memory_space<vmem>> -> memref<8x16xf32, #tpu.memory_space<vmem>>
        %dma_start3A_152 = arith.constant 0 : i32
        %dma_start3A_153 = tpu.memref_slice %arg2[%multiple_of3A_139, %dma_start3A_152] : memref<1000000x16xf32, #tpu.memory_space<hbm>> -> memref<8x16xf32, #tpu.memory_space<hbm>>
        tpu.enqueue_dma source(%dma_start3A_153 : memref<8x16xf32, #tpu.memory_space<hbm>>) target(%dma_start3A_151 : memref<8x16xf32, #tpu.memory_space<vmem>>) target_semaphore(%arg12 : memref<!tpu.dma_semaphore, #tpu.memory_space<semaphore_mem>>)
        %mul3A_154 = arith.constant 8 : i32
        %mul3A_155 = arith.muli %add3A_143, %mul3A_154 : i32
        %dma_start3A_156 = arith.constant 0 : i32
        %dma_start3A_157 = tpu.memref_slice %arg9[%mul3A_155, %dma_start3A_156] : memref<256x32xf32, #tpu.memory_space<vmem>> -> memref<8x32xf32, #tpu.memory_space<vmem>>
        %dma_start3A_158 = arith.constant 0 : i32
        %dma_start3A_159 = tpu.memref_slice %arg3[%multiple_of3A_139, %dma_start3A_158] : memref<1000000x32xf32, #tpu.memory_space<hbm>> -> memref<8x32xf32, #tpu.memory_space<hbm>>
        %dma_start3A_160 = arith.constant 0 : i32
        %dma_start3A_161 = tpu.memref_slice %arg9[%mul3A_155, %dma_start3A_160] : memref<256x32xf32, #tpu.memory_space<vmem>> -> memref<8x32xf32, #tpu.memory_space<vmem>>
        %dma_start3A_162 = arith.constant 0 : i32
        %dma_start3A_163 = tpu.memref_slice %arg3[%multiple_of3A_139, %dma_start3A_162] : memref<1000000x32xf32, #tpu.memory_space<hbm>> -> memref<8x32xf32, #tpu.memory_space<hbm>>
        tpu.enqueue_dma source(%dma_start3A_163 : memref<8x32xf32, #tpu.memory_space<hbm>>) target(%dma_start3A_161 : memref<8x32xf32, #tpu.memory_space<vmem>>) target_semaphore(%arg13 : memref<!tpu.dma_semaphore, #tpu.memory_space<semaphore_mem>>)
        %slice3A_164 = vector.extract_strided_slice %get3A_44 {offsets = [4], sizes = [1], strides = [1]} : vector<16xi32> to vector<1xi32>
        %squeeze3A_165 = vector.extract %slice3A_164[0] : i32 from vector<1xi32>
        %shift_right_logical3A_166 = arith.constant 3 : i32
        %shift_right_logical3A_167 = arith.shrui %squeeze3A_165, %shift_right_logical3A_166 : i32
        %shift_left3A_168 = arith.constant 3 : i32
        %shift_left3A_169 = arith.shli %shift_right_logical3A_167, %shift_left3A_168 : i32
        %multiple_of3A_170 = tpu.assume_multiple %shift_left3A_169, 8 : i32
        %mul3A_171 = arith.constant 16 : i32
        %mul3A_172 = arith.muli %scan3A_40, %mul3A_171 : i32
        %add3A_173 = arith.constant 4 : i32
        %add3A_174 = arith.addi %mul3A_172, %add3A_173 : i32
        %mul3A_175 = arith.constant 8 : i32
        %mul3A_176 = arith.muli %add3A_174, %mul3A_175 : i32
        %dma_start3A_177 = arith.constant 0 : i32
        %dma_start3A_178 = tpu.memref_slice %arg8[%mul3A_176, %dma_start3A_177] : memref<256x16xf32, #tpu.memory_space<vmem>> -> memref<8x16xf32, #tpu.memory_space<vmem>>
        %dma_start3A_179 = arith.constant 0 : i32
        %dma_start3A_180 = tpu.memref_slice %arg2[%multiple_of3A_170, %dma_start3A_179] : memref<1000000x16xf32, #tpu.memory_space<hbm>> -> memref<8x16xf32, #tpu.memory_space<hbm>>
        %dma_start3A_181 = arith.constant 0 : i32
        %dma_start3A_182 = tpu.memref_slice %arg8[%mul3A_176, %dma_start3A_181] : memref<256x16xf32, #tpu.memory_space<vmem>> -> memref<8x16xf32, #tpu.memory_space<vmem>>
        %dma_start3A_183 = arith.constant 0 : i32
        %dma_start3A_184 = tpu.memref_slice %arg2[%multiple_of3A_170, %dma_start3A_183] : memref<1000000x16xf32, #tpu.memory_space<hbm>> -> memref<8x16xf32, #tpu.memory_space<hbm>>
        tpu.enqueue_dma source(%dma_start3A_184 : memref<8x16xf32, #tpu.memory_space<hbm>>) target(%dma_start3A_182 : memref<8x16xf32, #tpu.memory_space<vmem>>) target_semaphore(%arg12 : memref<!tpu.dma_semaphore, #tpu.memory_space<semaphore_mem>>)
        %mul3A_185 = arith.constant 8 : i32
        %mul3A_186 = arith.muli %add3A_174, %mul3A_185 : i32
        %dma_start3A_187 = arith.constant 0 : i32
        %dma_start3A_188 = tpu.memref_slice %arg9[%mul3A_186, %dma_start3A_187] : memref<256x32xf32, #tpu.memory_space<vmem>> -> memref<8x32xf32, #tpu.memory_space<vmem>>
        %dma_start3A_189 = arith.constant 0 : i32
        %dma_start3A_190 = tpu.memref_slice %arg3[%multiple_of3A_170, %dma_start3A_189] : memref<1000000x32xf32, #tpu.memory_space<hbm>> -> memref<8x32xf32, #tpu.memory_space<hbm>>
        %dma_start3A_191 = arith.constant 0 : i32
        %dma_start3A_192 = tpu.memref_slice %arg9[%mul3A_186, %dma_start3A_191] : memref<256x32xf32, #tpu.memory_space<vmem>> -> memref<8x32xf32, #tpu.memory_space<vmem>>
        %dma_start3A_193 = arith.constant 0 : i32
        %dma_start3A_194 = tpu.memref_slice %arg3[%multiple_of3A_170, %dma_start3A_193] : memref<1000000x32xf32, #tpu.memory_space<hbm>> -> memref<8x32xf32, #tpu.memory_space<hbm>>
        tpu.enqueue_dma source(%dma_start3A_194 : memref<8x32xf32, #tpu.memory_space<hbm>>) target(%dma_start3A_192 : memref<8x32xf32, #tpu.memory_space<vmem>>) target_semaphore(%arg13 : memref<!tpu.dma_semaphore, #tpu.memory_space<semaphore_mem>>)
        %slice3A_195 = vector.extract_strided_slice %get3A_44 {offsets = [5], sizes = [1], strides = [1]} : vector<16xi32> to vector<1xi32>
        %squeeze3A_196 = vector.extract %slice3A_195[0] : i32 from vector<1xi32>
        %shift_right_logical3A_197 = arith.constant 3 : i32
        %shift_right_logical3A_198 = arith.shrui %squeeze3A_196, %shift_right_logical3A_197 : i32
        %shift_left3A_199 = arith.constant 3 : i32
        %shift_left3A_200 = arith.shli %shift_right_logical3A_198, %shift_left3A_199 : i32
        %multiple_of3A_201 = tpu.assume_multiple %shift_left3A_200, 8 : i32
        %mul3A_202 = arith.constant 16 : i32
        %mul3A_203 = arith.muli %scan3A_40, %mul3A_202 : i32
        %add3A_204 = arith.constant 5 : i32
        %add3A_205 = arith.addi %mul3A_203, %add3A_204 : i32
        %mul3A_206 = arith.constant 8 : i32
        %mul3A_207 = arith.muli %add3A_205, %mul3A_206 : i32
        %dma_start3A_208 = arith.constant 0 : i32
        %dma_start3A_209 = tpu.memref_slice %arg8[%mul3A_207, %dma_start3A_208] : memref<256x16xf32, #tpu.memory_space<vmem>> -> memref<8x16xf32, #tpu.memory_space<vmem>>
        %dma_start3A_210 = arith.constant 0 : i32
        %dma_start3A_211 = tpu.memref_slice %arg2[%multiple_of3A_201, %dma_start3A_210] : memref<1000000x16xf32, #tpu.memory_space<hbm>> -> memref<8x16xf32, #tpu.memory_space<hbm>>
        %dma_start3A_212 = arith.constant 0 : i32
        %dma_start3A_213 = tpu.memref_slice %arg8[%mul3A_207, %dma_start3A_212] : memref<256x16xf32, #tpu.memory_space<vmem>> -> memref<8x16xf32, #tpu.memory_space<vmem>>
        %dma_start3A_214 = arith.constant 0 : i32
        %dma_start3A_215 = tpu.memref_slice %arg2[%multiple_of3A_201, %dma_start3A_214] : memref<1000000x16xf32, #tpu.memory_space<hbm>> -> memref<8x16xf32, #tpu.memory_space<hbm>>
        tpu.enqueue_dma source(%dma_start3A_215 : memref<8x16xf32, #tpu.memory_space<hbm>>) target(%dma_start3A_213 : memref<8x16xf32, #tpu.memory_space<vmem>>) target_semaphore(%arg12 : memref<!tpu.dma_semaphore, #tpu.memory_space<semaphore_mem>>)
        %mul3A_216 = arith.constant 8 : i32
        %mul3A_217 = arith.muli %add3A_205, %mul3A_216 : i32
        %dma_start3A_218 = arith.constant 0 : i32
        %dma_start3A_219 = tpu.memref_slice %arg9[%mul3A_217, %dma_start3A_218] : memref<256x32xf32, #tpu.memory_space<vmem>> -> memref<8x32xf32, #tpu.memory_space<vmem>>
        %dma_start3A_220 = arith.constant 0 : i32
        %dma_start3A_221 = tpu.memref_slice %arg3[%multiple_of3A_201, %dma_start3A_220] : memref<1000000x32xf32, #tpu.memory_space<hbm>> -> memref<8x32xf32, #tpu.memory_space<hbm>>
        %dma_start3A_222 = arith.constant 0 : i32
        %dma_start3A_223 = tpu.memref_slice %arg9[%mul3A_217, %dma_start3A_222] : memref<256x32xf32, #tpu.memory_space<vmem>> -> memref<8x32xf32, #tpu.memory_space<vmem>>
        %dma_start3A_224 = arith.constant 0 : i32
        %dma_start3A_225 = tpu.memref_slice %arg3[%multiple_of3A_201, %dma_start3A_224] : memref<1000000x32xf32, #tpu.memory_space<hbm>> -> memref<8x32xf32, #tpu.memory_space<hbm>>
        tpu.enqueue_dma source(%dma_start3A_225 : memref<8x32xf32, #tpu.memory_space<hbm>>) target(%dma_start3A_223 : memref<8x32xf32, #tpu.memory_space<vmem>>) target_semaphore(%arg13 : memref<!tpu.dma_semaphore, #tpu.memory_space<semaphore_mem>>)
        %slice3A_226 = vector.extract_strided_slice %get3A_44 {offsets = [6], sizes = [1], strides = [1]} : vector<16xi32> to vector<1xi32>
        %squeeze3A_227 = vector.extract %slice3A_226[0] : i32 from vector<1xi32>
        %shift_right_logical3A_228 = arith.constant 3 : i32
        %shift_right_logical3A_229 = arith.shrui %squeeze3A_227, %shift_right_logical3A_228 : i32
        %shift_left3A_230 = arith.constant 3 : i32
        %shift_left3A_231 = arith.shli %shift_right_logical3A_229, %shift_left3A_230 : i32
        %multiple_of3A_232 = tpu.assume_multiple %shift_left3A_231, 8 : i32
        %mul3A_233 = arith.constant 16 : i32
        %mul3A_234 = arith.muli %scan3A_40, %mul3A_233 : i32
        %add3A_235 = arith.constant 6 : i32
        %add3A_236 = arith.addi %mul3A_234, %add3A_235 : i32
        %mul3A_237 = arith.constant 8 : i32
        %mul3A_238 = arith.muli %add3A_236, %mul3A_237 : i32
        %dma_start3A_239 = arith.constant 0 : i32
        %dma_start3A_240 = tpu.memref_slice %arg8[%mul3A_238, %dma_start3A_239] : memref<256x16xf32, #tpu.memory_space<vmem>> -> memref<8x16xf32, #tpu.memory_space<vmem>>
        %dma_start3A_241 = arith.constant 0 : i32
        %dma_start3A_242 = tpu.memref_slice %arg2[%multiple_of3A_232, %dma_start3A_241] : memref<1000000x16xf32, #tpu.memory_space<hbm>> -> memref<8x16xf32, #tpu.memory_space<hbm>>
        %dma_start3A_243 = arith.constant 0 : i32
        %dma_start3A_244 = tpu.memref_slice %arg8[%mul3A_238, %dma_start3A_243] : memref<256x16xf32, #tpu.memory_space<vmem>> -> memref<8x16xf32, #tpu.memory_space<vmem>>
        %dma_start3A_245 = arith.constant 0 : i32
        %dma_start3A_246 = tpu.memref_slice %arg2[%multiple_of3A_232, %dma_start3A_245] : memref<1000000x16xf32, #tpu.memory_space<hbm>> -> memref<8x16xf32, #tpu.memory_space<hbm>>
        tpu.enqueue_dma source(%dma_start3A_246 : memref<8x16xf32, #tpu.memory_space<hbm>>) target(%dma_start3A_244 : memref<8x16xf32, #tpu.memory_space<vmem>>) target_semaphore(%arg12 : memref<!tpu.dma_semaphore, #tpu.memory_space<semaphore_mem>>)
        %mul3A_247 = arith.constant 8 : i32
        %mul3A_248 = arith.muli %add3A_236, %mul3A_247 : i32
        %dma_start3A_249 = arith.constant 0 : i32
        %dma_start3A_250 = tpu.memref_slice %arg9[%mul3A_248, %dma_start3A_249] : memref<256x32xf32, #tpu.memory_space<vmem>> -> memref<8x32xf32, #tpu.memory_space<vmem>>
        %dma_start3A_251 = arith.constant 0 : i32
        %dma_start3A_252 = tpu.memref_slice %arg3[%multiple_of3A_232, %dma_start3A_251] : memref<1000000x32xf32, #tpu.memory_space<hbm>> -> memref<8x32xf32, #tpu.memory_space<hbm>>
        %dma_start3A_253 = arith.constant 0 : i32
        %dma_start3A_254 = tpu.memref_slice %arg9[%mul3A_248, %dma_start3A_253] : memref<256x32xf32, #tpu.memory_space<vmem>> -> memref<8x32xf32, #tpu.memory_space<vmem>>
        %dma_start3A_255 = arith.constant 0 : i32
        %dma_start3A_256 = tpu.memref_slice %arg3[%multiple_of3A_232, %dma_start3A_255] : memref<1000000x32xf32, #tpu.memory_space<hbm>> -> memref<8x32xf32, #tpu.memory_space<hbm>>
        tpu.enqueue_dma source(%dma_start3A_256 : memref<8x32xf32, #tpu.memory_space<hbm>>) target(%dma_start3A_254 : memref<8x32xf32, #tpu.memory_space<vmem>>) target_semaphore(%arg13 : memref<!tpu.dma_semaphore, #tpu.memory_space<semaphore_mem>>)
        %slice3A_257 = vector.extract_strided_slice %get3A_44 {offsets = [7], sizes = [1], strides = [1]} : vector<16xi32> to vector<1xi32>
        %squeeze3A_258 = vector.extract %slice3A_257[0] : i32 from vector<1xi32>
        %shift_right_logical3A_259 = arith.constant 3 : i32
        %shift_right_logical3A_260 = arith.shrui %squeeze3A_258, %shift_right_logical3A_259 : i32
        %shift_left3A_261 = arith.constant 3 : i32
        %shift_left3A_262 = arith.shli %shift_right_logical3A_260, %shift_left3A_261 : i32
        %multiple_of3A_263 = tpu.assume_multiple %shift_left3A_262, 8 : i32
        %mul3A_264 = arith.constant 16 : i32
        %mul3A_265 = arith.muli %scan3A_40, %mul3A_264 : i32
        %add3A_266 = arith.constant 7 : i32
        %add3A_267 = arith.addi %mul3A_265, %add3A_266 : i32
        %mul3A_268 = arith.constant 8 : i32
        %mul3A_269 = arith.muli %add3A_267, %mul3A_268 : i32
        %dma_start3A_270 = arith.constant 0 : i32
        %dma_start3A_271 = tpu.memref_slice %arg8[%mul3A_269, %dma_start3A_270] : memref<256x16xf32, #tpu.memory_space<vmem>> -> memref<8x16xf32, #tpu.memory_space<vmem>>
        %dma_start3A_272 = arith.constant 0 : i32
        %dma_start3A_273 = tpu.memref_slice %arg2[%multiple_of3A_263, %dma_start3A_272] : memref<1000000x16xf32, #tpu.memory_space<hbm>> -> memref<8x16xf32, #tpu.memory_space<hbm>>
        %dma_start3A_274 = arith.constant 0 : i32
        %dma_start3A_275 = tpu.memref_slice %arg8[%mul3A_269, %dma_start3A_274] : memref<256x16xf32, #tpu.memory_space<vmem>> -> memref<8x16xf32, #tpu.memory_space<vmem>>
        %dma_start3A_276 = arith.constant 0 : i32
        %dma_start3A_277 = tpu.memref_slice %arg2[%multiple_of3A_263, %dma_start3A_276] : memref<1000000x16xf32, #tpu.memory_space<hbm>> -> memref<8x16xf32, #tpu.memory_space<hbm>>
        tpu.enqueue_dma source(%dma_start3A_277 : memref<8x16xf32, #tpu.memory_space<hbm>>) target(%dma_start3A_275 : memref<8x16xf32, #tpu.memory_space<vmem>>) target_semaphore(%arg12 : memref<!tpu.dma_semaphore, #tpu.memory_space<semaphore_mem>>)
        %mul3A_278 = arith.constant 8 : i32
        %mul3A_279 = arith.muli %add3A_267, %mul3A_278 : i32
        %dma_start3A_280 = arith.constant 0 : i32
        %dma_start3A_281 = tpu.memref_slice %arg9[%mul3A_279, %dma_start3A_280] : memref<256x32xf32, #tpu.memory_space<vmem>> -> memref<8x32xf32, #tpu.memory_space<vmem>>
        %dma_start3A_282 = arith.constant 0 : i32
        %dma_start3A_283 = tpu.memref_slice %arg3[%multiple_of3A_263, %dma_start3A_282] : memref<1000000x32xf32, #tpu.memory_space<hbm>> -> memref<8x32xf32, #tpu.memory_space<hbm>>
        %dma_start3A_284 = arith.constant 0 : i32
        %dma_start3A_285 = tpu.memref_slice %arg9[%mul3A_279, %dma_start3A_284] : memref<256x32xf32, #tpu.memory_space<vmem>> -> memref<8x32xf32, #tpu.memory_space<vmem>>
        %dma_start3A_286 = arith.constant 0 : i32
        %dma_start3A_287 = tpu.memref_slice %arg3[%multiple_of3A_263, %dma_start3A_286] : memref<1000000x32xf32, #tpu.memory_space<hbm>> -> memref<8x32xf32, #tpu.memory_space<hbm>>
        tpu.enqueue_dma source(%dma_start3A_287 : memref<8x32xf32, #tpu.memory_space<hbm>>) target(%dma_start3A_285 : memref<8x32xf32, #tpu.memory_space<vmem>>) target_semaphore(%arg13 : memref<!tpu.dma_semaphore, #tpu.memory_space<semaphore_mem>>)
        %slice3A_288 = vector.extract_strided_slice %get3A_44 {offsets = [8], sizes = [1], strides = [1]} : vector<16xi32> to vector<1xi32>
        %squeeze3A_289 = vector.extract %slice3A_288[0] : i32 from vector<1xi32>
        %shift_right_logical3A_290 = arith.constant 3 : i32
        %shift_right_logical3A_291 = arith.shrui %squeeze3A_289, %shift_right_logical3A_290 : i32
        %shift_left3A_292 = arith.constant 3 : i32
        %shift_left3A_293 = arith.shli %shift_right_logical3A_291, %shift_left3A_292 : i32
        %multiple_of3A_294 = tpu.assume_multiple %shift_left3A_293, 8 : i32
        %mul3A_295 = arith.constant 16 : i32
        %mul3A_296 = arith.muli %scan3A_40, %mul3A_295 : i32
        %add3A_297 = arith.constant 8 : i32
        %add3A_298 = arith.addi %mul3A_296, %add3A_297 : i32
        %mul3A_299 = arith.constant 8 : i32
        %mul3A_300 = arith.muli %add3A_298, %mul3A_299 : i32
        %dma_start3A_301 = arith.constant 0 : i32
        %dma_start3A_302 = tpu.memref_slice %arg8[%mul3A_300, %dma_start3A_301] : memref<256x16xf32, #tpu.memory_space<vmem>> -> memref<8x16xf32, #tpu.memory_space<vmem>>
        %dma_start3A_303 = arith.constant 0 : i32
        %dma_start3A_304 = tpu.memref_slice %arg2[%multiple_of3A_294, %dma_start3A_303] : memref<1000000x16xf32, #tpu.memory_space<hbm>> -> memref<8x16xf32, #tpu.memory_space<hbm>>
        %dma_start3A_305 = arith.constant 0 : i32
        %dma_start3A_306 = tpu.memref_slice %arg8[%mul3A_300, %dma_start3A_305] : memref<256x16xf32, #tpu.memory_space<vmem>> -> memref<8x16xf32, #tpu.memory_space<vmem>>
        %dma_start3A_307 = arith.constant 0 : i32
        %dma_start3A_308 = tpu.memref_slice %arg2[%multiple_of3A_294, %dma_start3A_307] : memref<1000000x16xf32, #tpu.memory_space<hbm>> -> memref<8x16xf32, #tpu.memory_space<hbm>>
        tpu.enqueue_dma source(%dma_start3A_308 : memref<8x16xf32, #tpu.memory_space<hbm>>) target(%dma_start3A_306 : memref<8x16xf32, #tpu.memory_space<vmem>>) target_semaphore(%arg12 : memref<!tpu.dma_semaphore, #tpu.memory_space<semaphore_mem>>)
        %mul3A_309 = arith.constant 8 : i32
        %mul3A_310 = arith.muli %add3A_298, %mul3A_309 : i32
        %dma_start3A_311 = arith.constant 0 : i32
        %dma_start3A_312 = tpu.memref_slice %arg9[%mul3A_310, %dma_start3A_311] : memref<256x32xf32, #tpu.memory_space<vmem>> -> memref<8x32xf32, #tpu.memory_space<vmem>>
        %dma_start3A_313 = arith.constant 0 : i32
        %dma_start3A_314 = tpu.memref_slice %arg3[%multiple_of3A_294, %dma_start3A_313] : memref<1000000x32xf32, #tpu.memory_space<hbm>> -> memref<8x32xf32, #tpu.memory_space<hbm>>
        %dma_start3A_315 = arith.constant 0 : i32
        %dma_start3A_316 = tpu.memref_slice %arg9[%mul3A_310, %dma_start3A_315] : memref<256x32xf32, #tpu.memory_space<vmem>> -> memref<8x32xf32, #tpu.memory_space<vmem>>
        %dma_start3A_317 = arith.constant 0 : i32
        %dma_start3A_318 = tpu.memref_slice %arg3[%multiple_of3A_294, %dma_start3A_317] : memref<1000000x32xf32, #tpu.memory_space<hbm>> -> memref<8x32xf32, #tpu.memory_space<hbm>>
        tpu.enqueue_dma source(%dma_start3A_318 : memref<8x32xf32, #tpu.memory_space<hbm>>) target(%dma_start3A_316 : memref<8x32xf32, #tpu.memory_space<vmem>>) target_semaphore(%arg13 : memref<!tpu.dma_semaphore, #tpu.memory_space<semaphore_mem>>)
        %slice3A_319 = vector.extract_strided_slice %get3A_44 {offsets = [9], sizes = [1], strides = [1]} : vector<16xi32> to vector<1xi32>
        %squeeze3A_320 = vector.extract %slice3A_319[0] : i32 from vector<1xi32>
        %shift_right_logical3A_321 = arith.constant 3 : i32
        %shift_right_logical3A_322 = arith.shrui %squeeze3A_320, %shift_right_logical3A_321 : i32
        %shift_left3A_323 = arith.constant 3 : i32
        %shift_left3A_324 = arith.shli %shift_right_logical3A_322, %shift_left3A_323 : i32
        %multiple_of3A_325 = tpu.assume_multiple %shift_left3A_324, 8 : i32
        %mul3A_326 = arith.constant 16 : i32
        %mul3A_327 = arith.muli %scan3A_40, %mul3A_326 : i32
        %add3A_328 = arith.constant 9 : i32
        %add3A_329 = arith.addi %mul3A_327, %add3A_328 : i32
        %mul3A_330 = arith.constant 8 : i32
        %mul3A_331 = arith.muli %add3A_329, %mul3A_330 : i32
        %dma_start3A_332 = arith.constant 0 : i32
        %dma_start3A_333 = tpu.memref_slice %arg8[%mul3A_331, %dma_start3A_332] : memref<256x16xf32, #tpu.memory_space<vmem>> -> memref<8x16xf32, #tpu.memory_space<vmem>>
        %dma_start3A_334 = arith.constant 0 : i32
        %dma_start3A_335 = tpu.memref_slice %arg2[%multiple_of3A_325, %dma_start3A_334] : memref<1000000x16xf32, #tpu.memory_space<hbm>> -> memref<8x16xf32, #tpu.memory_space<hbm>>
        %dma_start3A_336 = arith.constant 0 : i32
        %dma_start3A_337 = tpu.memref_slice %arg8[%mul3A_331, %dma_start3A_336] : memref<256x16xf32, #tpu.memory_space<vmem>> -> memref<8x16xf32, #tpu.memory_space<vmem>>
        %dma_start3A_338 = arith.constant 0 : i32
        %dma_start3A_339 = tpu.memref_slice %arg2[%multiple_of3A_325, %dma_start3A_338] : memref<1000000x16xf32, #tpu.memory_space<hbm>> -> memref<8x16xf32, #tpu.memory_space<hbm>>
        tpu.enqueue_dma source(%dma_start3A_339 : memref<8x16xf32, #tpu.memory_space<hbm>>) target(%dma_start3A_337 : memref<8x16xf32, #tpu.memory_space<vmem>>) target_semaphore(%arg12 : memref<!tpu.dma_semaphore, #tpu.memory_space<semaphore_mem>>)
        %mul3A_340 = arith.constant 8 : i32
        %mul3A_341 = arith.muli %add3A_329, %mul3A_340 : i32
        %dma_start3A_342 = arith.constant 0 : i32
        %dma_start3A_343 = tpu.memref_slice %arg9[%mul3A_341, %dma_start3A_342] : memref<256x32xf32, #tpu.memory_space<vmem>> -> memref<8x32xf32, #tpu.memory_space<vmem>>
        %dma_start3A_344 = arith.constant 0 : i32
        %dma_start3A_345 = tpu.memref_slice %arg3[%multiple_of3A_325, %dma_start3A_344] : memref<1000000x32xf32, #tpu.memory_space<hbm>> -> memref<8x32xf32, #tpu.memory_space<hbm>>
        %dma_start3A_346 = arith.constant 0 : i32
        %dma_start3A_347 = tpu.memref_slice %arg9[%mul3A_341, %dma_start3A_346] : memref<256x32xf32, #tpu.memory_space<vmem>> -> memref<8x32xf32, #tpu.memory_space<vmem>>
        %dma_start3A_348 = arith.constant 0 : i32
        %dma_start3A_349 = tpu.memref_slice %arg3[%multiple_of3A_325, %dma_start3A_348] : memref<1000000x32xf32, #tpu.memory_space<hbm>> -> memref<8x32xf32, #tpu.memory_space<hbm>>
        tpu.enqueue_dma source(%dma_start3A_349 : memref<8x32xf32, #tpu.memory_space<hbm>>) target(%dma_start3A_347 : memref<8x32xf32, #tpu.memory_space<vmem>>) target_semaphore(%arg13 : memref<!tpu.dma_semaphore, #tpu.memory_space<semaphore_mem>>)
        %slice3A_350 = vector.extract_strided_slice %get3A_44 {offsets = [10], sizes = [1], strides = [1]} : vector<16xi32> to vector<1xi32>
        %squeeze3A_351 = vector.extract %slice3A_350[0] : i32 from vector<1xi32>
        %shift_right_logical3A_352 = arith.constant 3 : i32
        %shift_right_logical3A_353 = arith.shrui %squeeze3A_351, %shift_right_logical3A_352 : i32
        %shift_left3A_354 = arith.constant 3 : i32
        %shift_left3A_355 = arith.shli %shift_right_logical3A_353, %shift_left3A_354 : i32
        %multiple_of3A_356 = tpu.assume_multiple %shift_left3A_355, 8 : i32
        %mul3A_357 = arith.constant 16 : i32
        %mul3A_358 = arith.muli %scan3A_40, %mul3A_357 : i32
        %add3A_359 = arith.constant 10 : i32
        %add3A_360 = arith.addi %mul3A_358, %add3A_359 : i32
        %mul3A_361 = arith.constant 8 : i32
        %mul3A_362 = arith.muli %add3A_360, %mul3A_361 : i32
        %dma_start3A_363 = arith.constant 0 : i32
        %dma_start3A_364 = tpu.memref_slice %arg8[%mul3A_362, %dma_start3A_363] : memref<256x16xf32, #tpu.memory_space<vmem>> -> memref<8x16xf32, #tpu.memory_space<vmem>>
        %dma_start3A_365 = arith.constant 0 : i32
        %dma_start3A_366 = tpu.memref_slice %arg2[%multiple_of3A_356, %dma_start3A_365] : memref<1000000x16xf32, #tpu.memory_space<hbm>> -> memref<8x16xf32, #tpu.memory_space<hbm>>
        %dma_start3A_367 = arith.constant 0 : i32
        %dma_start3A_368 = tpu.memref_slice %arg8[%mul3A_362, %dma_start3A_367] : memref<256x16xf32, #tpu.memory_space<vmem>> -> memref<8x16xf32, #tpu.memory_space<vmem>>
        %dma_start3A_369 = arith.constant 0 : i32
        %dma_start3A_370 = tpu.memref_slice %arg2[%multiple_of3A_356, %dma_start3A_369] : memref<1000000x16xf32, #tpu.memory_space<hbm>> -> memref<8x16xf32, #tpu.memory_space<hbm>>
        tpu.enqueue_dma source(%dma_start3A_370 : memref<8x16xf32, #tpu.memory_space<hbm>>) target(%dma_start3A_368 : memref<8x16xf32, #tpu.memory_space<vmem>>) target_semaphore(%arg12 : memref<!tpu.dma_semaphore, #tpu.memory_space<semaphore_mem>>)
        %mul3A_371 = arith.constant 8 : i32
        %mul3A_372 = arith.muli %add3A_360, %mul3A_371 : i32
        %dma_start3A_373 = arith.constant 0 : i32
        %dma_start3A_374 = tpu.memref_slice %arg9[%mul3A_372, %dma_start3A_373] : memref<256x32xf32, #tpu.memory_space<vmem>> -> memref<8x32xf32, #tpu.memory_space<vmem>>
        %dma_start3A_375 = arith.constant 0 : i32
        %dma_start3A_376 = tpu.memref_slice %arg3[%multiple_of3A_356, %dma_start3A_375] : memref<1000000x32xf32, #tpu.memory_space<hbm>> -> memref<8x32xf32, #tpu.memory_space<hbm>>
        %dma_start3A_377 = arith.constant 0 : i32
        %dma_start3A_378 = tpu.memref_slice %arg9[%mul3A_372, %dma_start3A_377] : memref<256x32xf32, #tpu.memory_space<vmem>> -> memref<8x32xf32, #tpu.memory_space<vmem>>
        %dma_start3A_379 = arith.constant 0 : i32
        %dma_start3A_380 = tpu.memref_slice %arg3[%multiple_of3A_356, %dma_start3A_379] : memref<1000000x32xf32, #tpu.memory_space<hbm>> -> memref<8x32xf32, #tpu.memory_space<hbm>>
        tpu.enqueue_dma source(%dma_start3A_380 : memref<8x32xf32, #tpu.memory_space<hbm>>) target(%dma_start3A_378 : memref<8x32xf32, #tpu.memory_space<vmem>>) target_semaphore(%arg13 : memref<!tpu.dma_semaphore, #tpu.memory_space<semaphore_mem>>)
        %slice3A_381 = vector.extract_strided_slice %get3A_44 {offsets = [11], sizes = [1], strides = [1]} : vector<16xi32> to vector<1xi32>
        %squeeze3A_382 = vector.extract %slice3A_381[0] : i32 from vector<1xi32>
        %shift_right_logical3A_383 = arith.constant 3 : i32
        %shift_right_logical3A_384 = arith.shrui %squeeze3A_382, %shift_right_logical3A_383 : i32
        %shift_left3A_385 = arith.constant 3 : i32
        %shift_left3A_386 = arith.shli %shift_right_logical3A_384, %shift_left3A_385 : i32
        %multiple_of3A_387 = tpu.assume_multiple %shift_left3A_386, 8 : i32
        %mul3A_388 = arith.constant 16 : i32
        %mul3A_389 = arith.muli %scan3A_40, %mul3A_388 : i32
        %add3A_390 = arith.constant 11 : i32
        %add3A_391 = arith.addi %mul3A_389, %add3A_390 : i32
        %mul3A_392 = arith.constant 8 : i32
        %mul3A_393 = arith.muli %add3A_391, %mul3A_392 : i32
        %dma_start3A_394 = arith.constant 0 : i32
        %dma_start3A_395 = tpu.memref_slice %arg8[%mul3A_393, %dma_start3A_394] : memref<256x16xf32, #tpu.memory_space<vmem>> -> memref<8x16xf32, #tpu.memory_space<vmem>>
        %dma_start3A_396 = arith.constant 0 : i32
        %dma_start3A_397 = tpu.memref_slice %arg2[%multiple_of3A_387, %dma_start3A_396] : memref<1000000x16xf32, #tpu.memory_space<hbm>> -> memref<8x16xf32, #tpu.memory_space<hbm>>
        %dma_start3A_398 = arith.constant 0 : i32
        %dma_start3A_399 = tpu.memref_slice %arg8[%mul3A_393, %dma_start3A_398] : memref<256x16xf32, #tpu.memory_space<vmem>> -> memref<8x16xf32, #tpu.memory_space<vmem>>
        %dma_start3A_400 = arith.constant 0 : i32
        %dma_start3A_401 = tpu.memref_slice %arg2[%multiple_of3A_387, %dma_start3A_400] : memref<1000000x16xf32, #tpu.memory_space<hbm>> -> memref<8x16xf32, #tpu.memory_space<hbm>>
        tpu.enqueue_dma source(%dma_start3A_401 : memref<8x16xf32, #tpu.memory_space<hbm>>) target(%dma_start3A_399 : memref<8x16xf32, #tpu.memory_space<vmem>>) target_semaphore(%arg12 : memref<!tpu.dma_semaphore, #tpu.memory_space<semaphore_mem>>)
        %mul3A_402 = arith.constant 8 : i32
        %mul3A_403 = arith.muli %add3A_391, %mul3A_402 : i32
        %dma_start3A_404 = arith.constant 0 : i32
        %dma_start3A_405 = tpu.memref_slice %arg9[%mul3A_403, %dma_start3A_404] : memref<256x32xf32, #tpu.memory_space<vmem>> -> memref<8x32xf32, #tpu.memory_space<vmem>>
        %dma_start3A_406 = arith.constant 0 : i32
        %dma_start3A_407 = tpu.memref_slice %arg3[%multiple_of3A_387, %dma_start3A_406] : memref<1000000x32xf32, #tpu.memory_space<hbm>> -> memref<8x32xf32, #tpu.memory_space<hbm>>
        %dma_start3A_408 = arith.constant 0 : i32
        %dma_start3A_409 = tpu.memref_slice %arg9[%mul3A_403, %dma_start3A_408] : memref<256x32xf32, #tpu.memory_space<vmem>> -> memref<8x32xf32, #tpu.memory_space<vmem>>
        %dma_start3A_410 = arith.constant 0 : i32
        %dma_start3A_411 = tpu.memref_slice %arg3[%multiple_of3A_387, %dma_start3A_410] : memref<1000000x32xf32, #tpu.memory_space<hbm>> -> memref<8x32xf32, #tpu.memory_space<hbm>>
        tpu.enqueue_dma source(%dma_start3A_411 : memref<8x32xf32, #tpu.memory_space<hbm>>) target(%dma_start3A_409 : memref<8x32xf32, #tpu.memory_space<vmem>>) target_semaphore(%arg13 : memref<!tpu.dma_semaphore, #tpu.memory_space<semaphore_mem>>)
        %slice3A_412 = vector.extract_strided_slice %get3A_44 {offsets = [12], sizes = [1], strides = [1]} : vector<16xi32> to vector<1xi32>
        %squeeze3A_413 = vector.extract %slice3A_412[0] : i32 from vector<1xi32>
        %shift_right_logical3A_414 = arith.constant 3 : i32
        %shift_right_logical3A_415 = arith.shrui %squeeze3A_413, %shift_right_logical3A_414 : i32
        %shift_left3A_416 = arith.constant 3 : i32
        %shift_left3A_417 = arith.shli %shift_right_logical3A_415, %shift_left3A_416 : i32
        %multiple_of3A_418 = tpu.assume_multiple %shift_left3A_417, 8 : i32
        %mul3A_419 = arith.constant 16 : i32
        %mul3A_420 = arith.muli %scan3A_40, %mul3A_419 : i32
        %add3A_421 = arith.constant 12 : i32
        %add3A_422 = arith.addi %mul3A_420, %add3A_421 : i32
        %mul3A_423 = arith.constant 8 : i32
        %mul3A_424 = arith.muli %add3A_422, %mul3A_423 : i32
        %dma_start3A_425 = arith.constant 0 : i32
        %dma_start3A_426 = tpu.memref_slice %arg8[%mul3A_424, %dma_start3A_425] : memref<256x16xf32, #tpu.memory_space<vmem>> -> memref<8x16xf32, #tpu.memory_space<vmem>>
        %dma_start3A_427 = arith.constant 0 : i32
        %dma_start3A_428 = tpu.memref_slice %arg2[%multiple_of3A_418, %dma_start3A_427] : memref<1000000x16xf32, #tpu.memory_space<hbm>> -> memref<8x16xf32, #tpu.memory_space<hbm>>
        %dma_start3A_429 = arith.constant 0 : i32
        %dma_start3A_430 = tpu.memref_slice %arg8[%mul3A_424, %dma_start3A_429] : memref<256x16xf32, #tpu.memory_space<vmem>> -> memref<8x16xf32, #tpu.memory_space<vmem>>
        %dma_start3A_431 = arith.constant 0 : i32
        %dma_start3A_432 = tpu.memref_slice %arg2[%multiple_of3A_418, %dma_start3A_431] : memref<1000000x16xf32, #tpu.memory_space<hbm>> -> memref<8x16xf32, #tpu.memory_space<hbm>>
        tpu.enqueue_dma source(%dma_start3A_432 : memref<8x16xf32, #tpu.memory_space<hbm>>) target(%dma_start3A_430 : memref<8x16xf32, #tpu.memory_space<vmem>>) target_semaphore(%arg12 : memref<!tpu.dma_semaphore, #tpu.memory_space<semaphore_mem>>)
        %mul3A_433 = arith.constant 8 : i32
        %mul3A_434 = arith.muli %add3A_422, %mul3A_433 : i32
        %dma_start3A_435 = arith.constant 0 : i32
        %dma_start3A_436 = tpu.memref_slice %arg9[%mul3A_434, %dma_start3A_435] : memref<256x32xf32, #tpu.memory_space<vmem>> -> memref<8x32xf32, #tpu.memory_space<vmem>>
        %dma_start3A_437 = arith.constant 0 : i32
        %dma_start3A_438 = tpu.memref_slice %arg3[%multiple_of3A_418, %dma_start3A_437] : memref<1000000x32xf32, #tpu.memory_space<hbm>> -> memref<8x32xf32, #tpu.memory_space<hbm>>
        %dma_start3A_439 = arith.constant 0 : i32
        %dma_start3A_440 = tpu.memref_slice %arg9[%mul3A_434, %dma_start3A_439] : memref<256x32xf32, #tpu.memory_space<vmem>> -> memref<8x32xf32, #tpu.memory_space<vmem>>
        %dma_start3A_441 = arith.constant 0 : i32
        %dma_start3A_442 = tpu.memref_slice %arg3[%multiple_of3A_418, %dma_start3A_441] : memref<1000000x32xf32, #tpu.memory_space<hbm>> -> memref<8x32xf32, #tpu.memory_space<hbm>>
        tpu.enqueue_dma source(%dma_start3A_442 : memref<8x32xf32, #tpu.memory_space<hbm>>) target(%dma_start3A_440 : memref<8x32xf32, #tpu.memory_space<vmem>>) target_semaphore(%arg13 : memref<!tpu.dma_semaphore, #tpu.memory_space<semaphore_mem>>)
        %slice3A_443 = vector.extract_strided_slice %get3A_44 {offsets = [13], sizes = [1], strides = [1]} : vector<16xi32> to vector<1xi32>
        %squeeze3A_444 = vector.extract %slice3A_443[0] : i32 from vector<1xi32>
        %shift_right_logical3A_445 = arith.constant 3 : i32
        %shift_right_logical3A_446 = arith.shrui %squeeze3A_444, %shift_right_logical3A_445 : i32
        %shift_left3A_447 = arith.constant 3 : i32
        %shift_left3A_448 = arith.shli %shift_right_logical3A_446, %shift_left3A_447 : i32
        %multiple_of3A_449 = tpu.assume_multiple %shift_left3A_448, 8 : i32
        %mul3A_450 = arith.constant 16 : i32
        %mul3A_451 = arith.muli %scan3A_40, %mul3A_450 : i32
        %add3A_452 = arith.constant 13 : i32
        %add3A_453 = arith.addi %mul3A_451, %add3A_452 : i32
        %mul3A_454 = arith.constant 8 : i32
        %mul3A_455 = arith.muli %add3A_453, %mul3A_454 : i32
        %dma_start3A_456 = arith.constant 0 : i32
        %dma_start3A_457 = tpu.memref_slice %arg8[%mul3A_455, %dma_start3A_456] : memref<256x16xf32, #tpu.memory_space<vmem>> -> memref<8x16xf32, #tpu.memory_space<vmem>>
        %dma_start3A_458 = arith.constant 0 : i32
        %dma_start3A_459 = tpu.memref_slice %arg2[%multiple_of3A_449, %dma_start3A_458] : memref<1000000x16xf32, #tpu.memory_space<hbm>> -> memref<8x16xf32, #tpu.memory_space<hbm>>
        %dma_start3A_460 = arith.constant 0 : i32
        %dma_start3A_461 = tpu.memref_slice %arg8[%mul3A_455, %dma_start3A_460] : memref<256x16xf32, #tpu.memory_space<vmem>> -> memref<8x16xf32, #tpu.memory_space<vmem>>
        %dma_start3A_462 = arith.constant 0 : i32
        %dma_start3A_463 = tpu.memref_slice %arg2[%multiple_of3A_449, %dma_start3A_462] : memref<1000000x16xf32, #tpu.memory_space<hbm>> -> memref<8x16xf32, #tpu.memory_space<hbm>>
        tpu.enqueue_dma source(%dma_start3A_463 : memref<8x16xf32, #tpu.memory_space<hbm>>) target(%dma_start3A_461 : memref<8x16xf32, #tpu.memory_space<vmem>>) target_semaphore(%arg12 : memref<!tpu.dma_semaphore, #tpu.memory_space<semaphore_mem>>)
        %mul3A_464 = arith.constant 8 : i32
        %mul3A_465 = arith.muli %add3A_453, %mul3A_464 : i32
        %dma_start3A_466 = arith.constant 0 : i32
        %dma_start3A_467 = tpu.memref_slice %arg9[%mul3A_465, %dma_start3A_466] : memref<256x32xf32, #tpu.memory_space<vmem>> -> memref<8x32xf32, #tpu.memory_space<vmem>>
        %dma_start3A_468 = arith.constant 0 : i32
        %dma_start3A_469 = tpu.memref_slice %arg3[%multiple_of3A_449, %dma_start3A_468] : memref<1000000x32xf32, #tpu.memory_space<hbm>> -> memref<8x32xf32, #tpu.memory_space<hbm>>
        %dma_start3A_470 = arith.constant 0 : i32
        %dma_start3A_471 = tpu.memref_slice %arg9[%mul3A_465, %dma_start3A_470] : memref<256x32xf32, #tpu.memory_space<vmem>> -> memref<8x32xf32, #tpu.memory_space<vmem>>
        %dma_start3A_472 = arith.constant 0 : i32
        %dma_start3A_473 = tpu.memref_slice %arg3[%multiple_of3A_449, %dma_start3A_472] : memref<1000000x32xf32, #tpu.memory_space<hbm>> -> memref<8x32xf32, #tpu.memory_space<hbm>>
        tpu.enqueue_dma source(%dma_start3A_473 : memref<8x32xf32, #tpu.memory_space<hbm>>) target(%dma_start3A_471 : memref<8x32xf32, #tpu.memory_space<vmem>>) target_semaphore(%arg13 : memref<!tpu.dma_semaphore, #tpu.memory_space<semaphore_mem>>)
        %slice3A_474 = vector.extract_strided_slice %get3A_44 {offsets = [14], sizes = [1], strides = [1]} : vector<16xi32> to vector<1xi32>
        %squeeze3A_475 = vector.extract %slice3A_474[0] : i32 from vector<1xi32>
        %shift_right_logical3A_476 = arith.constant 3 : i32
        %shift_right_logical3A_477 = arith.shrui %squeeze3A_475, %shift_right_logical3A_476 : i32
        %shift_left3A_478 = arith.constant 3 : i32
        %shift_left3A_479 = arith.shli %shift_right_logical3A_477, %shift_left3A_478 : i32
        %multiple_of3A_480 = tpu.assume_multiple %shift_left3A_479, 8 : i32
        %mul3A_481 = arith.constant 16 : i32
        %mul3A_482 = arith.muli %scan3A_40, %mul3A_481 : i32
        %add3A_483 = arith.constant 14 : i32
        %add3A_484 = arith.addi %mul3A_482, %add3A_483 : i32
        %mul3A_485 = arith.constant 8 : i32
        %mul3A_486 = arith.muli %add3A_484, %mul3A_485 : i32
        %dma_start3A_487 = arith.constant 0 : i32
        %dma_start3A_488 = tpu.memref_slice %arg8[%mul3A_486, %dma_start3A_487] : memref<256x16xf32, #tpu.memory_space<vmem>> -> memref<8x16xf32, #tpu.memory_space<vmem>>
        %dma_start3A_489 = arith.constant 0 : i32
        %dma_start3A_490 = tpu.memref_slice %arg2[%multiple_of3A_480, %dma_start3A_489] : memref<1000000x16xf32, #tpu.memory_space<hbm>> -> memref<8x16xf32, #tpu.memory_space<hbm>>
        %dma_start3A_491 = arith.constant 0 : i32
        %dma_start3A_492 = tpu.memref_slice %arg8[%mul3A_486, %dma_start3A_491] : memref<256x16xf32, #tpu.memory_space<vmem>> -> memref<8x16xf32, #tpu.memory_space<vmem>>
        %dma_start3A_493 = arith.constant 0 : i32
        %dma_start3A_494 = tpu.memref_slice %arg2[%multiple_of3A_480, %dma_start3A_493] : memref<1000000x16xf32, #tpu.memory_space<hbm>> -> memref<8x16xf32, #tpu.memory_space<hbm>>
        tpu.enqueue_dma source(%dma_start3A_494 : memref<8x16xf32, #tpu.memory_space<hbm>>) target(%dma_start3A_492 : memref<8x16xf32, #tpu.memory_space<vmem>>) target_semaphore(%arg12 : memref<!tpu.dma_semaphore, #tpu.memory_space<semaphore_mem>>)
        %mul3A_495 = arith.constant 8 : i32
        %mul3A_496 = arith.muli %add3A_484, %mul3A_495 : i32
        %dma_start3A_497 = arith.constant 0 : i32
        %dma_start3A_498 = tpu.memref_slice %arg9[%mul3A_496, %dma_start3A_497] : memref<256x32xf32, #tpu.memory_space<vmem>> -> memref<8x32xf32, #tpu.memory_space<vmem>>
        %dma_start3A_499 = arith.constant 0 : i32
        %dma_start3A_500 = tpu.memref_slice %arg3[%multiple_of3A_480, %dma_start3A_499] : memref<1000000x32xf32, #tpu.memory_space<hbm>> -> memref<8x32xf32, #tpu.memory_space<hbm>>
        %dma_start3A_501 = arith.constant 0 : i32
        %dma_start3A_502 = tpu.memref_slice %arg9[%mul3A_496, %dma_start3A_501] : memref<256x32xf32, #tpu.memory_space<vmem>> -> memref<8x32xf32, #tpu.memory_space<vmem>>
        %dma_start3A_503 = arith.constant 0 : i32
        %dma_start3A_504 = tpu.memref_slice %arg3[%multiple_of3A_480, %dma_start3A_503] : memref<1000000x32xf32, #tpu.memory_space<hbm>> -> memref<8x32xf32, #tpu.memory_space<hbm>>
        tpu.enqueue_dma source(%dma_start3A_504 : memref<8x32xf32, #tpu.memory_space<hbm>>) target(%dma_start3A_502 : memref<8x32xf32, #tpu.memory_space<vmem>>) target_semaphore(%arg13 : memref<!tpu.dma_semaphore, #tpu.memory_space<semaphore_mem>>)
        %slice3A_505 = vector.extract_strided_slice %get3A_44 {offsets = [15], sizes = [1], strides = [1]} : vector<16xi32> to vector<1xi32>
        %squeeze3A_506 = vector.extract %slice3A_505[0] : i32 from vector<1xi32>
        %shift_right_logical3A_507 = arith.constant 3 : i32
        %shift_right_logical3A_508 = arith.shrui %squeeze3A_506, %shift_right_logical3A_507 : i32
        %shift_left3A_509 = arith.constant 3 : i32
        %shift_left3A_510 = arith.shli %shift_right_logical3A_508, %shift_left3A_509 : i32
        %multiple_of3A_511 = tpu.assume_multiple %shift_left3A_510, 8 : i32
        %mul3A_512 = arith.constant 16 : i32
        %mul3A_513 = arith.muli %scan3A_40, %mul3A_512 : i32
        %add3A_514 = arith.constant 15 : i32
        %add3A_515 = arith.addi %mul3A_513, %add3A_514 : i32
        %mul3A_516 = arith.constant 8 : i32
        %mul3A_517 = arith.muli %add3A_515, %mul3A_516 : i32
        %dma_start3A_518 = arith.constant 0 : i32
        %dma_start3A_519 = tpu.memref_slice %arg8[%mul3A_517, %dma_start3A_518] : memref<256x16xf32, #tpu.memory_space<vmem>> -> memref<8x16xf32, #tpu.memory_space<vmem>>
        %dma_start3A_520 = arith.constant 0 : i32
        %dma_start3A_521 = tpu.memref_slice %arg2[%multiple_of3A_511, %dma_start3A_520] : memref<1000000x16xf32, #tpu.memory_space<hbm>> -> memref<8x16xf32, #tpu.memory_space<hbm>>
        %dma_start3A_522 = arith.constant 0 : i32
        %dma_start3A_523 = tpu.memref_slice %arg8[%mul3A_517, %dma_start3A_522] : memref<256x16xf32, #tpu.memory_space<vmem>> -> memref<8x16xf32, #tpu.memory_space<vmem>>
        %dma_start3A_524 = arith.constant 0 : i32
        %dma_start3A_525 = tpu.memref_slice %arg2[%multiple_of3A_511, %dma_start3A_524] : memref<1000000x16xf32, #tpu.memory_space<hbm>> -> memref<8x16xf32, #tpu.memory_space<hbm>>
        tpu.enqueue_dma source(%dma_start3A_525 : memref<8x16xf32, #tpu.memory_space<hbm>>) target(%dma_start3A_523 : memref<8x16xf32, #tpu.memory_space<vmem>>) target_semaphore(%arg12 : memref<!tpu.dma_semaphore, #tpu.memory_space<semaphore_mem>>)
        %mul3A_526 = arith.constant 8 : i32
        %mul3A_527 = arith.muli %add3A_515, %mul3A_526 : i32
        %dma_start3A_528 = arith.constant 0 : i32
        %dma_start3A_529 = tpu.memref_slice %arg9[%mul3A_527, %dma_start3A_528] : memref<256x32xf32, #tpu.memory_space<vmem>> -> memref<8x32xf32, #tpu.memory_space<vmem>>
        %dma_start3A_530 = arith.constant 0 : i32
        %dma_start3A_531 = tpu.memref_slice %arg3[%multiple_of3A_511, %dma_start3A_530] : memref<1000000x32xf32, #tpu.memory_space<hbm>> -> memref<8x32xf32, #tpu.memory_space<hbm>>
        %dma_start3A_532 = arith.constant 0 : i32
        %dma_start3A_533 = tpu.memref_slice %arg9[%mul3A_527, %dma_start3A_532] : memref<256x32xf32, #tpu.memory_space<vmem>> -> memref<8x32xf32, #tpu.memory_space<vmem>>
        %dma_start3A_534 = arith.constant 0 : i32
        %dma_start3A_535 = tpu.memref_slice %arg3[%multiple_of3A_511, %dma_start3A_534] : memref<1000000x32xf32, #tpu.memory_space<hbm>> -> memref<8x32xf32, #tpu.memory_space<hbm>>
        tpu.enqueue_dma source(%dma_start3A_535 : memref<8x32xf32, #tpu.memory_space<hbm>>) target(%dma_start3A_533 : memref<8x32xf32, #tpu.memory_space<vmem>>) target_semaphore(%arg13 : memref<!tpu.dma_semaphore, #tpu.memory_space<semaphore_mem>>)
      }
      %scan3A_22 = arith.constant 2 : i32
      %dma_wait3A = arith.constant 0 : i32
      %dma_wait3A_23 = arith.constant 0 : i32
      %dma_wait3A_24 = tpu.memref_slice %arg2[%dma_wait3A, %dma_wait3A_23] : memref<1000000x16xf32, #tpu.memory_space<hbm>> -> memref<256x16xf32, #tpu.memory_space<hbm>>
      %dma_wait3A_25 = arith.constant 0 : i32
      %dma_wait3A_26 = arith.constant 0 : i32
      %dma_wait3A_27 = tpu.memref_slice %arg2[%dma_wait3A_25, %dma_wait3A_26] : memref<1000000x16xf32, #tpu.memory_space<hbm>> -> memref<256x16xf32, #tpu.memory_space<hbm>>
      tpu.wait_dma2 semaphore(%arg12 : memref<!tpu.dma_semaphore, #tpu.memory_space<semaphore_mem>>) src(%dma_wait3A_27 : memref<256x16xf32, #tpu.memory_space<hbm>>) dst(%arg8 : memref<256x16xf32, #tpu.memory_space<vmem>>)
      %dma_wait3A_28 = arith.constant 0 : i32
      %dma_wait3A_29 = arith.constant 0 : i32
      %dma_wait3A_30 = tpu.memref_slice %arg3[%dma_wait3A_28, %dma_wait3A_29] : memref<1000000x32xf32, #tpu.memory_space<hbm>> -> memref<256x32xf32, #tpu.memory_space<hbm>>
      %dma_wait3A_31 = arith.constant 0 : i32
      %dma_wait3A_32 = arith.constant 0 : i32
      %dma_wait3A_33 = tpu.memref_slice %arg3[%dma_wait3A_31, %dma_wait3A_32] : memref<1000000x32xf32, #tpu.memory_space<hbm>> -> memref<256x32xf32, #tpu.memory_space<hbm>>
      tpu.wait_dma2 semaphore(%arg13 : memref<!tpu.dma_semaphore, #tpu.memory_space<semaphore_mem>>) src(%dma_wait3A_33 : memref<256x32xf32, #tpu.memory_space<hbm>>) dst(%arg9 : memref<256x32xf32, #tpu.memory_space<vmem>>)
      %scan3A_34 = arith.constant 0 : i32
      %scan3A_35 = arith.constant 0 : i32
      %scan3A_36 = arith.constant 2 : i32
      %scan3A_37 = arith.addi %scan3A_35, %scan3A_36 : i32
      %scan3A_38 = arith.constant 1 : i32
      scf.for %scan3A_40 = %scan3A_35 to %scan3A_37 step %scan3A_38  : i32 {
        %mul3A_41 = arith.constant 16 : i32
        %mul3A_42 = arith.muli %scan3A_40, %mul3A_41 : i32
        %add3A_43 = arith.addi %mul3A_16, %mul3A_42 : i32
        %get3A = arith.index_cast %add3A_43 : i32 to index
        %get3A_44 = tpu.vector_load %arg7[%get3A] {strides = array<i32>} : memref<512xi32, #tpu.memory_space<vmem>>, vector<16xi32>,
        %mul3A_45 = arith.constant 16 : i32
        %mul3A_46 = arith.muli %scan3A_40, %mul3A_45 : i32
        %add3A_47 = arith.constant 0 : i32
        %add3A_48 = arith.addi %mul3A_46, %add3A_47 : i32
        %slice3A = vector.extract_strided_slice %get3A_44 {offsets = [0], sizes = [1], strides = [1]} : vector<16xi32> to vector<1xi32>
        %squeeze3A = vector.extract %slice3A[0] : i32 from vector<1xi32>
        %and3A = arith.constant 7 : i32
        %and3A_49 = arith.andi %squeeze3A, %and3A : i32
        %add3A_50 = arith.addi %mul3A_16, %add3A_48 : i32
        %mul3A_51 = arith.constant 8 : i32
        %mul3A_52 = arith.muli %add3A_48, %mul3A_51 : i32
        %add3A_53 = arith.addi %mul3A_52, %and3A_49 : i32
        %get3A_54 = arith.index_cast %add3A_53 : i32 to index
        %get3A_55 = arith.constant 0 : index
        %get3A_56 = tpu.vector_load %arg8[%get3A_54, %get3A_55] {strides = array<i32>} : memref<256x16xf32, #tpu.memory_space<vmem>>, vector<16xf32>,
        %max3A = arith.constant 0.000000e+00 : f32
        %max3A_57 = vector.broadcast %max3A : f32 to vector<16xf32>
        %max3A_58 = arith.maximumf %get3A_56, %max3A_57 : vector<16xf32>
        %jit3A = arith.constant 8 : i32
        %div3A = arith.divsi %add3A_50, %jit3A : i32
        %sign3A = arith.constant 0 : i32
        %sign3A_59 = arith.cmpi sgt, %add3A_50, %sign3A : i32
        %sign3A_60 = arith.extui %sign3A_59 : i1 to i32
        %sign3A_61 = arith.constant 0 : i32
        %sign3A_62 = arith.cmpi slt, %add3A_50, %sign3A_61 : i32
        %sign3A_63 = arith.extui %sign3A_62 : i1 to i32
        %sign3A_64 = arith.subi %sign3A_60, %sign3A_63 : i32
        %sign3A_65 = arith.constant 0 : i32
        %sign3A_66 = arith.cmpi sgt, %jit3A, %sign3A_65 : i32
        %sign3A_67 = arith.extui %sign3A_66 : i1 to i32
        %sign3A_68 = arith.constant 0 : i32
        %sign3A_69 = arith.cmpi slt, %jit3A, %sign3A_68 : i32
        %sign3A_70 = arith.extui %sign3A_69 : i1 to i32
        %sign3A_71 = arith.subi %sign3A_67, %sign3A_70 : i32
        %ne3A = arith.cmpi ne, %sign3A_64, %sign3A_71 : i32
        %rem3A = arith.remsi %add3A_50, %jit3A : i32
        %ne3A_72 = arith.constant 0 : i32
        %ne3A_73 = arith.cmpi ne, %rem3A, %ne3A_72 : i32
        %and3A_74 = arith.andi %ne3A, %ne3A_73 : i1
        %sub3A = arith.constant 1 : i32
        %sub3A_75 = arith.subi %div3A, %sub3A : i32
        %select_n3A = arith.select %and3A_74, %sub3A_75, %div3A : i32
        %jit3A_76 = arith.constant 8 : i32
        %eq3A = arith.constant 0 : i32
        %eq3A_77 = arith.cmpi eq, %jit3A_76, %eq3A : i32
        %jit3A_78 = arith.constant 1 : i32
        %select_n3A_79 = arith.select %eq3A_77, %jit3A_78, %jit3A_76 : i32
        %rem3A_80 = arith.remsi %add3A_50, %select_n3A_79 : i32
        %ne3A_81 = arith.constant 0 : i32
        %ne3A_82 = arith.cmpi ne, %rem3A_80, %ne3A_81 : i32
        %lt3A = arith.constant 0 : i32
        %lt3A_83 = arith.cmpi slt, %rem3A_80, %lt3A : i32
        %lt3A_84 = arith.constant 0 : i32
        %lt3A_85 = arith.cmpi slt, %select_n3A_79, %lt3A_84 : i32
        %ne3A_86 = arith.xori %lt3A_83, %lt3A_85 : i1
        %and3A_87 = arith.andi %ne3A_86, %ne3A_82 : i1
        %add3A_88 = arith.addi %rem3A_80, %select_n3A_79 : i32
        %select_n3A_89 = arith.select %and3A_87, %add3A_88, %rem3A_80 : i32
        %mul3A_90 = arith.constant 16 : i32
        %mul3A_91 = arith.muli %select_n3A_89, %mul3A_90 : i32
        %swap3A = arith.index_cast %select_n3A : i32 to index
        %swap3A_92 = arith.index_cast %mul3A_91 : i32 to index
        %swap3A_93 = tpu.vector_load %arg10[%swap3A, %swap3A_92] {strides = array<i32>} : memref<64x128xf32, #tpu.memory_space<vmem>>, vector<16xf32>,
        tpu.vector_store %arg10[%swap3A, %swap3A_92], %max3A_58 {strides = array<i32>} : memref<64x128xf32, #tpu.memory_space<vmem>>, vector<16xf32>,
        %mul3A_94 = arith.constant 8 : i32
        %mul3A_95 = arith.muli %add3A_48, %mul3A_94 : i32
        %add3A_96 = arith.addi %mul3A_95, %and3A_49 : i32
        %get3A_97 = arith.index_cast %add3A_96 : i32 to index
        %get3A_98 = arith.constant 0 : index
        %get3A_99 = tpu.vector_load %arg9[%get3A_97, %get3A_98] {strides = array<i32>} : memref<256x32xf32, #tpu.memory_space<vmem>>, vector<16xf32>,
        %max3A_100 = arith.constant 0.000000e+00 : f32
        %max3A_101 = vector.broadcast %max3A_100 : f32 to vector<16xf32>
        %max3A_102 = arith.maximumf %get3A_99, %max3A_101 : vector<16xf32>
        %jit3A_103 = arith.constant 4 : i32
        %div3A_104 = arith.divsi %add3A_50, %jit3A_103 : i32
        %sign3A_105 = arith.constant 0 : i32
        %sign3A_106 = arith.cmpi sgt, %add3A_50, %sign3A_105 : i32
        %sign3A_107 = arith.extui %sign3A_106 : i1 to i32
        %sign3A_108 = arith.constant 0 : i32
        %sign3A_109 = arith.cmpi slt, %add3A_50, %sign3A_108 : i32
        %sign3A_110 = arith.extui %sign3A_109 : i1 to i32
        %sign3A_111 = arith.subi %sign3A_107, %sign3A_110 : i32
        %sign3A_112 = arith.constant 0 : i32
        %sign3A_113 = arith.cmpi sgt, %jit3A_103, %sign3A_112 : i32
        %sign3A_114 = arith.extui %sign3A_113 : i1 to i32
        %sign3A_115 = arith.constant 0 : i32
        %sign3A_116 = arith.cmpi slt, %jit3A_103, %sign3A_115 : i32
        %sign3A_117 = arith.extui %sign3A_116 : i1 to i32
        %sign3A_118 = arith.subi %sign3A_114, %sign3A_117 : i32
        %ne3A_119 = arith.cmpi ne, %sign3A_111, %sign3A_118 : i32
        %rem3A_120 = arith.remsi %add3A_50, %jit3A_103 : i32
        %ne3A_121 = arith.constant 0 : i32
        %ne3A_122 = arith.cmpi ne, %rem3A_120, %ne3A_121 : i32
        %and3A_123 = arith.andi %ne3A_119, %ne3A_122 : i1
        %sub3A_124 = arith.constant 1 : i32
        %sub3A_125 = arith.subi %div3A_104, %sub3A_124 : i32
        %select_n3A_126 = arith.select %and3A_123, %sub3A_125, %div3A_104 : i32
        %jit3A_127 = arith.constant 4 : i32
        %eq3A_128 = arith.constant 0 : i32
        %eq3A_129 = arith.cmpi eq, %jit3A_127, %eq3A_128 : i32
        %jit3A_130 = arith.constant 1 : i32
        %select_n3A_131 = arith.select %eq3A_129, %jit3A_130, %jit3A_127 : i32
        %rem3A_132 = arith.remsi %add3A_50, %select_n3A_131 : i32
        %ne3A_133 = arith.constant 0 : i32
        %ne3A_134 = arith.cmpi ne, %rem3A_132, %ne3A_133 : i32
        %lt3A_135 = arith.constant 0 : i32
        %lt3A_136 = arith.cmpi slt, %rem3A_132, %lt3A_135 : i32
        %lt3A_137 = arith.constant 0 : i32
        %lt3A_138 = arith.cmpi slt, %select_n3A_131, %lt3A_137 : i32
        %ne3A_139 = arith.xori %lt3A_136, %lt3A_138 : i1
        %and3A_140 = arith.andi %ne3A_139, %ne3A_134 : i1
        %add3A_141 = arith.addi %rem3A_132, %select_n3A_131 : i32
        %select_n3A_142 = arith.select %and3A_140, %add3A_141, %rem3A_132 : i32
        %mul3A_143 = arith.constant 32 : i32
        %mul3A_144 = arith.muli %select_n3A_142, %mul3A_143 : i32
        %add3A_145 = arith.constant 0 : i32
        %add3A_146 = arith.addi %mul3A_144, %add3A_145 : i32
        %swap3A_147 = arith.index_cast %select_n3A_126 : i32 to index
        %swap3A_148 = arith.index_cast %add3A_146 : i32 to index
        %swap3A_149 = tpu.vector_load %arg11[%swap3A_147, %swap3A_148] {strides = array<i32>} : memref<128x128xf32, #tpu.memory_space<vmem>>, vector<16xf32>,
        tpu.vector_store %arg11[%swap3A_147, %swap3A_148], %max3A_102 {strides = array<i32>} : memref<128x128xf32, #tpu.memory_space<vmem>>, vector<16xf32>,
        %mul3A_150 = arith.constant 8 : i32
        %mul3A_151 = arith.muli %add3A_48, %mul3A_150 : i32
        %add3A_152 = arith.addi %mul3A_151, %and3A_49 : i32
        %get3A_153 = arith.index_cast %add3A_152 : i32 to index
        %get3A_154 = arith.constant 16 : index
        %get3A_155 = tpu.vector_load %arg9[%get3A_153, %get3A_154] {strides = array<i32>} : memref<256x32xf32, #tpu.memory_space<vmem>>, vector<16xf32>,
        %max3A_156 = arith.constant 0.000000e+00 : f32
        %max3A_157 = vector.broadcast %max3A_156 : f32 to vector<16xf32>
        %max3A_158 = arith.maximumf %get3A_155, %max3A_157 : vector<16xf32>
        %jit3A_159 = arith.constant 4 : i32
        %div3A_160 = arith.divsi %add3A_50, %jit3A_159 : i32
        %sign3A_161 = arith.constant 0 : i32
        %sign3A_162 = arith.cmpi sgt, %add3A_50, %sign3A_161 : i32
        %sign3A_163 = arith.extui %sign3A_162 : i1 to i32
        %sign3A_164 = arith.constant 0 : i32
        %sign3A_165 = arith.cmpi slt, %add3A_50, %sign3A_164 : i32
        %sign3A_166 = arith.extui %sign3A_165 : i1 to i32
        %sign3A_167 = arith.subi %sign3A_163, %sign3A_166 : i32
        %sign3A_168 = arith.constant 0 : i32
        %sign3A_169 = arith.cmpi sgt, %jit3A_159, %sign3A_168 : i32
        %sign3A_170 = arith.extui %sign3A_169 : i1 to i32
        %sign3A_171 = arith.constant 0 : i32
        %sign3A_172 = arith.cmpi slt, %jit3A_159, %sign3A_171 : i32
        %sign3A_173 = arith.extui %sign3A_172 : i1 to i32
        %sign3A_174 = arith.subi %sign3A_170, %sign3A_173 : i32
        %ne3A_175 = arith.cmpi ne, %sign3A_167, %sign3A_174 : i32
        %rem3A_176 = arith.remsi %add3A_50, %jit3A_159 : i32
        %ne3A_177 = arith.constant 0 : i32
        %ne3A_178 = arith.cmpi ne, %rem3A_176, %ne3A_177 : i32
        %and3A_179 = arith.andi %ne3A_175, %ne3A_178 : i1
        %sub3A_180 = arith.constant 1 : i32
        %sub3A_181 = arith.subi %div3A_160, %sub3A_180 : i32
        %select_n3A_182 = arith.select %and3A_179, %sub3A_181, %div3A_160 : i32
        %jit3A_183 = arith.constant 4 : i32
        %eq3A_184 = arith.constant 0 : i32
        %eq3A_185 = arith.cmpi eq, %jit3A_183, %eq3A_184 : i32
        %jit3A_186 = arith.constant 1 : i32
        %select_n3A_187 = arith.select %eq3A_185, %jit3A_186, %jit3A_183 : i32
        %rem3A_188 = arith.remsi %add3A_50, %select_n3A_187 : i32
        %ne3A_189 = arith.constant 0 : i32
        %ne3A_190 = arith.cmpi ne, %rem3A_188, %ne3A_189 : i32
        %lt3A_191 = arith.constant 0 : i32
        %lt3A_192 = arith.cmpi slt, %rem3A_188, %lt3A_191 : i32
        %lt3A_193 = arith.constant 0 : i32
        %lt3A_194 = arith.cmpi slt, %select_n3A_187, %lt3A_193 : i32
        %ne3A_195 = arith.xori %lt3A_192, %lt3A_194 : i1
        %and3A_196 = arith.andi %ne3A_195, %ne3A_190 : i1
        %add3A_197 = arith.addi %rem3A_188, %select_n3A_187 : i32
        %select_n3A_198 = arith.select %and3A_196, %add3A_197, %rem3A_188 : i32
        %mul3A_199 = arith.constant 32 : i32
        %mul3A_200 = arith.muli %select_n3A_198, %mul3A_199 : i32
        %add3A_201 = arith.constant 16 : i32
        %add3A_202 = arith.addi %mul3A_200, %add3A_201 : i32
        %swap3A_203 = arith.index_cast %select_n3A_182 : i32 to index
        %swap3A_204 = arith.index_cast %add3A_202 : i32 to index
        %swap3A_205 = tpu.vector_load %arg11[%swap3A_203, %swap3A_204] {strides = array<i32>} : memref<128x128xf32, #tpu.memory_space<vmem>>, vector<16xf32>,
        tpu.vector_store %arg11[%swap3A_203, %swap3A_204], %max3A_158 {strides = array<i32>} : memref<128x128xf32, #tpu.memory_space<vmem>>, vector<16xf32>,
        %mul3A_206 = arith.constant 16 : i32
        %mul3A_207 = arith.muli %scan3A_40, %mul3A_206 : i32
        %add3A_208 = arith.constant 1 : i32
        %add3A_209 = arith.addi %mul3A_207, %add3A_208 : i32
        %slice3A_210 = vector.extract_strided_slice %get3A_44 {offsets = [1], sizes = [1], strides = [1]} : vector<16xi32> to vector<1xi32>
        %squeeze3A_211 = vector.extract %slice3A_210[0] : i32 from vector<1xi32>
        %and3A_212 = arith.constant 7 : i32
        %and3A_213 = arith.andi %squeeze3A_211, %and3A_212 : i32
        %add3A_214 = arith.addi %mul3A_16, %add3A_209 : i32
        %mul3A_215 = arith.constant 8 : i32
        %mul3A_216 = arith.muli %add3A_209, %mul3A_215 : i32
        %add3A_217 = arith.addi %mul3A_216, %and3A_213 : i32
        %get3A_218 = arith.index_cast %add3A_217 : i32 to index
        %get3A_219 = arith.constant 0 : index
        %get3A_220 = tpu.vector_load %arg8[%get3A_218, %get3A_219] {strides = array<i32>} : memref<256x16xf32, #tpu.memory_space<vmem>>, vector<16xf32>,
        %max3A_221 = arith.constant 0.000000e+00 : f32
        %max3A_222 = vector.broadcast %max3A_221 : f32 to vector<16xf32>
        %max3A_223 = arith.maximumf %get3A_220, %max3A_222 : vector<16xf32>
        %jit3A_224 = arith.constant 8 : i32
        %div3A_225 = arith.divsi %add3A_214, %jit3A_224 : i32
        %sign3A_226 = arith.constant 0 : i32
        %sign3A_227 = arith.cmpi sgt, %add3A_214, %sign3A_226 : i32
        %sign3A_228 = arith.extui %sign3A_227 : i1 to i32
        %sign3A_229 = arith.constant 0 : i32
        %sign3A_230 = arith.cmpi slt, %add3A_214, %sign3A_229 : i32
        %sign3A_231 = arith.extui %sign3A_230 : i1 to i32
        %sign3A_232 = arith.subi %sign3A_228, %sign3A_231 : i32
        %sign3A_233 = arith.constant 0 : i32
        %sign3A_234 = arith.cmpi sgt, %jit3A_224, %sign3A_233 : i32
        %sign3A_235 = arith.extui %sign3A_234 : i1 to i32
        %sign3A_236 = arith.constant 0 : i32
        %sign3A_237 = arith.cmpi slt, %jit3A_224, %sign3A_236 : i32
        %sign3A_238 = arith.extui %sign3A_237 : i1 to i32
        %sign3A_239 = arith.subi %sign3A_235, %sign3A_238 : i32
        %ne3A_240 = arith.cmpi ne, %sign3A_232, %sign3A_239 : i32
        %rem3A_241 = arith.remsi %add3A_214, %jit3A_224 : i32
        %ne3A_242 = arith.constant 0 : i32
        %ne3A_243 = arith.cmpi ne, %rem3A_241, %ne3A_242 : i32
        %and3A_244 = arith.andi %ne3A_240, %ne3A_243 : i1
        %sub3A_245 = arith.constant 1 : i32
        %sub3A_246 = arith.subi %div3A_225, %sub3A_245 : i32
        %select_n3A_247 = arith.select %and3A_244, %sub3A_246, %div3A_225 : i32
        %jit3A_248 = arith.constant 8 : i32
        %eq3A_249 = arith.constant 0 : i32
        %eq3A_250 = arith.cmpi eq, %jit3A_248, %eq3A_249 : i32
        %jit3A_251 = arith.constant 1 : i32
        %select_n3A_252 = arith.select %eq3A_250, %jit3A_251, %jit3A_248 : i32
        %rem3A_253 = arith.remsi %add3A_214, %select_n3A_252 : i32
        %ne3A_254 = arith.constant 0 : i32
        %ne3A_255 = arith.cmpi ne, %rem3A_253, %ne3A_254 : i32
        %lt3A_256 = arith.constant 0 : i32
        %lt3A_257 = arith.cmpi slt, %rem3A_253, %lt3A_256 : i32
        %lt3A_258 = arith.constant 0 : i32
        %lt3A_259 = arith.cmpi slt, %select_n3A_252, %lt3A_258 : i32
        %ne3A_260 = arith.xori %lt3A_257, %lt3A_259 : i1
        %and3A_261 = arith.andi %ne3A_260, %ne3A_255 : i1
        %add3A_262 = arith.addi %rem3A_253, %select_n3A_252 : i32
        %select_n3A_263 = arith.select %and3A_261, %add3A_262, %rem3A_253 : i32
        %mul3A_264 = arith.constant 16 : i32
        %mul3A_265 = arith.muli %select_n3A_263, %mul3A_264 : i32
        %swap3A_266 = arith.index_cast %select_n3A_247 : i32 to index
        %swap3A_267 = arith.index_cast %mul3A_265 : i32 to index
        %swap3A_268 = tpu.vector_load %arg10[%swap3A_266, %swap3A_267] {strides = array<i32>} : memref<64x128xf32, #tpu.memory_space<vmem>>, vector<16xf32>,
        tpu.vector_store %arg10[%swap3A_266, %swap3A_267], %max3A_223 {strides = array<i32>} : memref<64x128xf32, #tpu.memory_space<vmem>>, vector<16xf32>,
        %mul3A_269 = arith.constant 8 : i32
        %mul3A_270 = arith.muli %add3A_209, %mul3A_269 : i32
        %add3A_271 = arith.addi %mul3A_270, %and3A_213 : i32
        %get3A_272 = arith.index_cast %add3A_271 : i32 to index
        %get3A_273 = arith.constant 0 : index
        %get3A_274 = tpu.vector_load %arg9[%get3A_272, %get3A_273] {strides = array<i32>} : memref<256x32xf32, #tpu.memory_space<vmem>>, vector<16xf32>,
        %max3A_275 = arith.constant 0.000000e+00 : f32
        %max3A_276 = vector.broadcast %max3A_275 : f32 to vector<16xf32>
        %max3A_277 = arith.maximumf %get3A_274, %max3A_276 : vector<16xf32>
        %jit3A_278 = arith.constant 4 : i32
        %div3A_279 = arith.divsi %add3A_214, %jit3A_278 : i32
        %sign3A_280 = arith.constant 0 : i32
        %sign3A_281 = arith.cmpi sgt, %add3A_214, %sign3A_280 : i32
        %sign3A_282 = arith.extui %sign3A_281 : i1 to i32
        %sign3A_283 = arith.constant 0 : i32
        %sign3A_284 = arith.cmpi slt, %add3A_214, %sign3A_283 : i32
        %sign3A_285 = arith.extui %sign3A_284 : i1 to i32
        %sign3A_286 = arith.subi %sign3A_282, %sign3A_285 : i32
        %sign3A_287 = arith.constant 0 : i32
        %sign3A_288 = arith.cmpi sgt, %jit3A_278, %sign3A_287 : i32
        %sign3A_289 = arith.extui %sign3A_288 : i1 to i32
        %sign3A_290 = arith.constant 0 : i32
        %sign3A_291 = arith.cmpi slt, %jit3A_278, %sign3A_290 : i32
        %sign3A_292 = arith.extui %sign3A_291 : i1 to i32
        %sign3A_293 = arith.subi %sign3A_289, %sign3A_292 : i32
        %ne3A_294 = arith.cmpi ne, %sign3A_286, %sign3A_293 : i32
        %rem3A_295 = arith.remsi %add3A_214, %jit3A_278 : i32
        %ne3A_296 = arith.constant 0 : i32
        %ne3A_297 = arith.cmpi ne, %rem3A_295, %ne3A_296 : i32
        %and3A_298 = arith.andi %ne3A_294, %ne3A_297 : i1
        %sub3A_299 = arith.constant 1 : i32
        %sub3A_300 = arith.subi %div3A_279, %sub3A_299 : i32
        %select_n3A_301 = arith.select %and3A_298, %sub3A_300, %div3A_279 : i32
        %jit3A_302 = arith.constant 4 : i32
        %eq3A_303 = arith.constant 0 : i32
        %eq3A_304 = arith.cmpi eq, %jit3A_302, %eq3A_303 : i32
        %jit3A_305 = arith.constant 1 : i32
        %select_n3A_306 = arith.select %eq3A_304, %jit3A_305, %jit3A_302 : i32
        %rem3A_307 = arith.remsi %add3A_214, %select_n3A_306 : i32
        %ne3A_308 = arith.constant 0 : i32
        %ne3A_309 = arith.cmpi ne, %rem3A_307, %ne3A_308 : i32
        %lt3A_310 = arith.constant 0 : i32
        %lt3A_311 = arith.cmpi slt, %rem3A_307, %lt3A_310 : i32
        %lt3A_312 = arith.constant 0 : i32
        %lt3A_313 = arith.cmpi slt, %select_n3A_306, %lt3A_312 : i32
        %ne3A_314 = arith.xori %lt3A_311, %lt3A_313 : i1
        %and3A_315 = arith.andi %ne3A_314, %ne3A_309 : i1
        %add3A_316 = arith.addi %rem3A_307, %select_n3A_306 : i32
        %select_n3A_317 = arith.select %and3A_315, %add3A_316, %rem3A_307 : i32
        %mul3A_318 = arith.constant 32 : i32
        %mul3A_319 = arith.muli %select_n3A_317, %mul3A_318 : i32
        %add3A_320 = arith.constant 0 : i32
        %add3A_321 = arith.addi %mul3A_319, %add3A_320 : i32
        %swap3A_322 = arith.index_cast %select_n3A_301 : i32 to index
        %swap3A_323 = arith.index_cast %add3A_321 : i32 to index
        %swap3A_324 = tpu.vector_load %arg11[%swap3A_322, %swap3A_323] {strides = array<i32>} : memref<128x128xf32, #tpu.memory_space<vmem>>, vector<16xf32>,
        tpu.vector_store %arg11[%swap3A_322, %swap3A_323], %max3A_277 {strides = array<i32>} : memref<128x128xf32, #tpu.memory_space<vmem>>, vector<16xf32>,
        %mul3A_325 = arith.constant 8 : i32
        %mul3A_326 = arith.muli %add3A_209, %mul3A_325 : i32
        %add3A_327 = arith.addi %mul3A_326, %and3A_213 : i32
        %get3A_328 = arith.index_cast %add3A_327 : i32 to index
        %get3A_329 = arith.constant 16 : index
        %get3A_330 = tpu.vector_load %arg9[%get3A_328, %get3A_329] {strides = array<i32>} : memref<256x32xf32, #tpu.memory_space<vmem>>, vector<16xf32>,
        %max3A_331 = arith.constant 0.000000e+00 : f32
        %max3A_332 = vector.broadcast %max3A_331 : f32 to vector<16xf32>
        %max3A_333 = arith.maximumf %get3A_330, %max3A_332 : vector<16xf32>
        %jit3A_334 = arith.constant 4 : i32
        %div3A_335 = arith.divsi %add3A_214, %jit3A_334 : i32
        %sign3A_336 = arith.constant 0 : i32
        %sign3A_337 = arith.cmpi sgt, %add3A_214, %sign3A_336 : i32
        %sign3A_338 = arith.extui %sign3A_337 : i1 to i32
        %sign3A_339 = arith.constant 0 : i32
        %sign3A_340 = arith.cmpi slt, %add3A_214, %sign3A_339 : i32
        %sign3A_341 = arith.extui %sign3A_340 : i1 to i32
        %sign3A_342 = arith.subi %sign3A_338, %sign3A_341 : i32
        %sign3A_343 = arith.constant 0 : i32
        %sign3A_344 = arith.cmpi sgt, %jit3A_334, %sign3A_343 : i32
        %sign3A_345 = arith.extui %sign3A_344 : i1 to i32
        %sign3A_346 = arith.constant 0 : i32
        %sign3A_347 = arith.cmpi slt, %jit3A_334, %sign3A_346 : i32
        %sign3A_348 = arith.extui %sign3A_347 : i1 to i32
        %sign3A_349 = arith.subi %sign3A_345, %sign3A_348 : i32
        %ne3A_350 = arith.cmpi ne, %sign3A_342, %sign3A_349 : i32
        %rem3A_351 = arith.remsi %add3A_214, %jit3A_334 : i32
        %ne3A_352 = arith.constant 0 : i32
        %ne3A_353 = arith.cmpi ne, %rem3A_351, %ne3A_352 : i32
        %and3A_354 = arith.andi %ne3A_350, %ne3A_353 : i1
        %sub3A_355 = arith.constant 1 : i32
        %sub3A_356 = arith.subi %div3A_335, %sub3A_355 : i32
        %select_n3A_357 = arith.select %and3A_354, %sub3A_356, %div3A_335 : i32
        %jit3A_358 = arith.constant 4 : i32
        %eq3A_359 = arith.constant 0 : i32
        %eq3A_360 = arith.cmpi eq, %jit3A_358, %eq3A_359 : i32
        %jit3A_361 = arith.constant 1 : i32
        %select_n3A_362 = arith.select %eq3A_360, %jit3A_361, %jit3A_358 : i32
        %rem3A_363 = arith.remsi %add3A_214, %select_n3A_362 : i32
        %ne3A_364 = arith.constant 0 : i32
        %ne3A_365 = arith.cmpi ne, %rem3A_363, %ne3A_364 : i32
        %lt3A_366 = arith.constant 0 : i32
        %lt3A_367 = arith.cmpi slt, %rem3A_363, %lt3A_366 : i32
        %lt3A_368 = arith.constant 0 : i32
        %lt3A_369 = arith.cmpi slt, %select_n3A_362, %lt3A_368 : i32
        %ne3A_370 = arith.xori %lt3A_367, %lt3A_369 : i1
        %and3A_371 = arith.andi %ne3A_370, %ne3A_365 : i1
        %add3A_372 = arith.addi %rem3A_363, %select_n3A_362 : i32
        %select_n3A_373 = arith.select %and3A_371, %add3A_372, %rem3A_363 : i32
        %mul3A_374 = arith.constant 32 : i32
        %mul3A_375 = arith.muli %select_n3A_373, %mul3A_374 : i32
        %add3A_376 = arith.constant 16 : i32
        %add3A_377 = arith.addi %mul3A_375, %add3A_376 : i32
        %swap3A_378 = arith.index_cast %select_n3A_357 : i32 to index
        %swap3A_379 = arith.index_cast %add3A_377 : i32 to index
        %swap3A_380 = tpu.vector_load %arg11[%swap3A_378, %swap3A_379] {strides = array<i32>} : memref<128x128xf32, #tpu.memory_space<vmem>>, vector<16xf32>,
        tpu.vector_store %arg11[%swap3A_378, %swap3A_379], %max3A_333 {strides = array<i32>} : memref<128x128xf32, #tpu.memory_space<vmem>>, vector<16xf32>,
        %mul3A_381 = arith.constant 16 : i32
        %mul3A_382 = arith.muli %scan3A_40, %mul3A_381 : i32
        %add3A_383 = arith.constant 2 : i32
        %add3A_384 = arith.addi %mul3A_382, %add3A_383 : i32
        %slice3A_385 = vector.extract_strided_slice %get3A_44 {offsets = [2], sizes = [1], strides = [1]} : vector<16xi32> to vector<1xi32>
        %squeeze3A_386 = vector.extract %slice3A_385[0] : i32 from vector<1xi32>
        %and3A_387 = arith.constant 7 : i32
        %and3A_388 = arith.andi %squeeze3A_386, %and3A_387 : i32
        %add3A_389 = arith.addi %mul3A_16, %add3A_384 : i32
        %mul3A_390 = arith.constant 8 : i32
        %mul3A_391 = arith.muli %add3A_384, %mul3A_390 : i32
        %add3A_392 = arith.addi %mul3A_391, %and3A_388 : i32
        %get3A_393 = arith.index_cast %add3A_392 : i32 to index
        %get3A_394 = arith.constant 0 : index
        %get3A_395 = tpu.vector_load %arg8[%get3A_393, %get3A_394] {strides = array<i32>} : memref<256x16xf32, #tpu.memory_space<vmem>>, vector<16xf32>,
        %max3A_396 = arith.constant 0.000000e+00 : f32
        %max3A_397 = vector.broadcast %max3A_396 : f32 to vector<16xf32>
        %max3A_398 = arith.maximumf %get3A_395, %max3A_397 : vector<16xf32>
        %jit3A_399 = arith.constant 8 : i32
        %div3A_400 = arith.divsi %add3A_389, %jit3A_399 : i32
        %sign3A_401 = arith.constant 0 : i32
        %sign3A_402 = arith.cmpi sgt, %add3A_389, %sign3A_401 : i32
        %sign3A_403 = arith.extui %sign3A_402 : i1 to i32
        %sign3A_404 = arith.constant 0 : i32
        %sign3A_405 = arith.cmpi slt, %add3A_389, %sign3A_404 : i32
        %sign3A_406 = arith.extui %sign3A_405 : i1 to i32
        %sign3A_407 = arith.subi %sign3A_403, %sign3A_406 : i32
        %sign3A_408 = arith.constant 0 : i32
        %sign3A_409 = arith.cmpi sgt, %jit3A_399, %sign3A_408 : i32
        %sign3A_410 = arith.extui %sign3A_409 : i1 to i32
        %sign3A_411 = arith.constant 0 : i32
        %sign3A_412 = arith.cmpi slt, %jit3A_399, %sign3A_411 : i32
        %sign3A_413 = arith.extui %sign3A_412 : i1 to i32
        %sign3A_414 = arith.subi %sign3A_410, %sign3A_413 : i32
        %ne3A_415 = arith.cmpi ne, %sign3A_407, %sign3A_414 : i32
        %rem3A_416 = arith.remsi %add3A_389, %jit3A_399 : i32
        %ne3A_417 = arith.constant 0 : i32
        %ne3A_418 = arith.cmpi ne, %rem3A_416, %ne3A_417 : i32
        %and3A_419 = arith.andi %ne3A_415, %ne3A_418 : i1
        %sub3A_420 = arith.constant 1 : i32
        %sub3A_421 = arith.subi %div3A_400, %sub3A_420 : i32
        %select_n3A_422 = arith.select %and3A_419, %sub3A_421, %div3A_400 : i32
        %jit3A_423 = arith.constant 8 : i32
        %eq3A_424 = arith.constant 0 : i32
        %eq3A_425 = arith.cmpi eq, %jit3A_423, %eq3A_424 : i32
        %jit3A_426 = arith.constant 1 : i32
        %select_n3A_427 = arith.select %eq3A_425, %jit3A_426, %jit3A_423 : i32
        %rem3A_428 = arith.remsi %add3A_389, %select_n3A_427 : i32
        %ne3A_429 = arith.constant 0 : i32
        %ne3A_430 = arith.cmpi ne, %rem3A_428, %ne3A_429 : i32
        %lt3A_431 = arith.constant 0 : i32
        %lt3A_432 = arith.cmpi slt, %rem3A_428, %lt3A_431 : i32
        %lt3A_433 = arith.constant 0 : i32
        %lt3A_434 = arith.cmpi slt, %select_n3A_427, %lt3A_433 : i32
        %ne3A_435 = arith.xori %lt3A_432, %lt3A_434 : i1
        %and3A_436 = arith.andi %ne3A_435, %ne3A_430 : i1
        %add3A_437 = arith.addi %rem3A_428, %select_n3A_427 : i32
        %select_n3A_438 = arith.select %and3A_436, %add3A_437, %rem3A_428 : i32
        %mul3A_439 = arith.constant 16 : i32
        %mul3A_440 = arith.muli %select_n3A_438, %mul3A_439 : i32
        %swap3A_441 = arith.index_cast %select_n3A_422 : i32 to index
        %swap3A_442 = arith.index_cast %mul3A_440 : i32 to index
        %swap3A_443 = tpu.vector_load %arg10[%swap3A_441, %swap3A_442] {strides = array<i32>} : memref<64x128xf32, #tpu.memory_space<vmem>>, vector<16xf32>,
        tpu.vector_store %arg10[%swap3A_441, %swap3A_442], %max3A_398 {strides = array<i32>} : memref<64x128xf32, #tpu.memory_space<vmem>>, vector<16xf32>,
        %mul3A_444 = arith.constant 8 : i32
        %mul3A_445 = arith.muli %add3A_384, %mul3A_444 : i32
        %add3A_446 = arith.addi %mul3A_445, %and3A_388 : i32
        %get3A_447 = arith.index_cast %add3A_446 : i32 to index
        %get3A_448 = arith.constant 0 : index
        %get3A_449 = tpu.vector_load %arg9[%get3A_447, %get3A_448] {strides = array<i32>} : memref<256x32xf32, #tpu.memory_space<vmem>>, vector<16xf32>,
        %max3A_450 = arith.constant 0.000000e+00 : f32
        %max3A_451 = vector.broadcast %max3A_450 : f32 to vector<16xf32>
        %max3A_452 = arith.maximumf %get3A_449, %max3A_451 : vector<16xf32>
        %jit3A_453 = arith.constant 4 : i32
        %div3A_454 = arith.divsi %add3A_389, %jit3A_453 : i32
        %sign3A_455 = arith.constant 0 : i32
        %sign3A_456 = arith.cmpi sgt, %add3A_389, %sign3A_455 : i32
        %sign3A_457 = arith.extui %sign3A_456 : i1 to i32
        %sign3A_458 = arith.constant 0 : i32
        %sign3A_459 = arith.cmpi slt, %add3A_389, %sign3A_458 : i32
        %sign3A_460 = arith.extui %sign3A_459 : i1 to i32
        %sign3A_461 = arith.subi %sign3A_457, %sign3A_460 : i32
        %sign3A_462 = arith.constant 0 : i32
        %sign3A_463 = arith.cmpi sgt, %jit3A_453, %sign3A_462 : i32
        %sign3A_464 = arith.extui %sign3A_463 : i1 to i32
        %sign3A_465 = arith.constant 0 : i32
        %sign3A_466 = arith.cmpi slt, %jit3A_453, %sign3A_465 : i32
        %sign3A_467 = arith.extui %sign3A_466 : i1 to i32
        %sign3A_468 = arith.subi %sign3A_464, %sign3A_467 : i32
        %ne3A_469 = arith.cmpi ne, %sign3A_461, %sign3A_468 : i32
        %rem3A_470 = arith.remsi %add3A_389, %jit3A_453 : i32
        %ne3A_471 = arith.constant 0 : i32
        %ne3A_472 = arith.cmpi ne, %rem3A_470, %ne3A_471 : i32
        %and3A_473 = arith.andi %ne3A_469, %ne3A_472 : i1
        %sub3A_474 = arith.constant 1 : i32
        %sub3A_475 = arith.subi %div3A_454, %sub3A_474 : i32
        %select_n3A_476 = arith.select %and3A_473, %sub3A_475, %div3A_454 : i32
        %jit3A_477 = arith.constant 4 : i32
        %eq3A_478 = arith.constant 0 : i32
        %eq3A_479 = arith.cmpi eq, %jit3A_477, %eq3A_478 : i32
        %jit3A_480 = arith.constant 1 : i32
        %select_n3A_481 = arith.select %eq3A_479, %jit3A_480, %jit3A_477 : i32
        %rem3A_482 = arith.remsi %add3A_389, %select_n3A_481 : i32
        %ne3A_483 = arith.constant 0 : i32
        %ne3A_484 = arith.cmpi ne, %rem3A_482, %ne3A_483 : i32
        %lt3A_485 = arith.constant 0 : i32
        %lt3A_486 = arith.cmpi slt, %rem3A_482, %lt3A_485 : i32
        %lt3A_487 = arith.constant 0 : i32
        %lt3A_488 = arith.cmpi slt, %select_n3A_481, %lt3A_487 : i32
        %ne3A_489 = arith.xori %lt3A_486, %lt3A_488 : i1
        %and3A_490 = arith.andi %ne3A_489, %ne3A_484 : i1
        %add3A_491 = arith.addi %rem3A_482, %select_n3A_481 : i32
        %select_n3A_492 = arith.select %and3A_490, %add3A_491, %rem3A_482 : i32
        %mul3A_493 = arith.constant 32 : i32
        %mul3A_494 = arith.muli %select_n3A_492, %mul3A_493 : i32
        %add3A_495 = arith.constant 0 : i32
        %add3A_496 = arith.addi %mul3A_494, %add3A_495 : i32
        %swap3A_497 = arith.index_cast %select_n3A_476 : i32 to index
        %swap3A_498 = arith.index_cast %add3A_496 : i32 to index
        %swap3A_499 = tpu.vector_load %arg11[%swap3A_497, %swap3A_498] {strides = array<i32>} : memref<128x128xf32, #tpu.memory_space<vmem>>, vector<16xf32>,
        tpu.vector_store %arg11[%swap3A_497, %swap3A_498], %max3A_452 {strides = array<i32>} : memref<128x128xf32, #tpu.memory_space<vmem>>, vector<16xf32>,
        %mul3A_500 = arith.constant 8 : i32
        %mul3A_501 = arith.muli %add3A_384, %mul3A_500 : i32
        %add3A_502 = arith.addi %mul3A_501, %and3A_388 : i32
        %get3A_503 = arith.index_cast %add3A_502 : i32 to index
        %get3A_504 = arith.constant 16 : index
        %get3A_505 = tpu.vector_load %arg9[%get3A_503, %get3A_504] {strides = array<i32>} : memref<256x32xf32, #tpu.memory_space<vmem>>, vector<16xf32>,
        %max3A_506 = arith.constant 0.000000e+00 : f32
        %max3A_507 = vector.broadcast %max3A_506 : f32 to vector<16xf32>
        %max3A_508 = arith.maximumf %get3A_505, %max3A_507 : vector<16xf32>
        %jit3A_509 = arith.constant 4 : i32
        %div3A_510 = arith.divsi %add3A_389, %jit3A_509 : i32
        %sign3A_511 = arith.constant 0 : i32
        %sign3A_512 = arith.cmpi sgt, %add3A_389, %sign3A_511 : i32
        %sign3A_513 = arith.extui %sign3A_512 : i1 to i32
        %sign3A_514 = arith.constant 0 : i32
        %sign3A_515 = arith.cmpi slt, %add3A_389, %sign3A_514 : i32
        %sign3A_516 = arith.extui %sign3A_515 : i1 to i32
        %sign3A_517 = arith.subi %sign3A_513, %sign3A_516 : i32
        %sign3A_518 = arith.constant 0 : i32
        %sign3A_519 = arith.cmpi sgt, %jit3A_509, %sign3A_518 : i32
        %sign3A_520 = arith.extui %sign3A_519 : i1 to i32
        %sign3A_521 = arith.constant 0 : i32
        %sign3A_522 = arith.cmpi slt, %jit3A_509, %sign3A_521 : i32
        %sign3A_523 = arith.extui %sign3A_522 : i1 to i32
        %sign3A_524 = arith.subi %sign3A_520, %sign3A_523 : i32
        %ne3A_525 = arith.cmpi ne, %sign3A_517, %sign3A_524 : i32
        %rem3A_526 = arith.remsi %add3A_389, %jit3A_509 : i32
        %ne3A_527 = arith.constant 0 : i32
        %ne3A_528 = arith.cmpi ne, %rem3A_526, %ne3A_527 : i32
        %and3A_529 = arith.andi %ne3A_525, %ne3A_528 : i1
        %sub3A_530 = arith.constant 1 : i32
        %sub3A_531 = arith.subi %div3A_510, %sub3A_530 : i32
        %select_n3A_532 = arith.select %and3A_529, %sub3A_531, %div3A_510 : i32
        %jit3A_533 = arith.constant 4 : i32
        %eq3A_534 = arith.constant 0 : i32
        %eq3A_535 = arith.cmpi eq, %jit3A_533, %eq3A_534 : i32
        %jit3A_536 = arith.constant 1 : i32
        %select_n3A_537 = arith.select %eq3A_535, %jit3A_536, %jit3A_533 : i32
        %rem3A_538 = arith.remsi %add3A_389, %select_n3A_537 : i32
        %ne3A_539 = arith.constant 0 : i32
        %ne3A_540 = arith.cmpi ne, %rem3A_538, %ne3A_539 : i32
        %lt3A_541 = arith.constant 0 : i32
        %lt3A_542 = arith.cmpi slt, %rem3A_538, %lt3A_541 : i32
        %lt3A_543 = arith.constant 0 : i32
        %lt3A_544 = arith.cmpi slt, %select_n3A_537, %lt3A_543 : i32
        %ne3A_545 = arith.xori %lt3A_542, %lt3A_544 : i1
        %and3A_546 = arith.andi %ne3A_545, %ne3A_540 : i1
        %add3A_547 = arith.addi %rem3A_538, %select_n3A_537 : i32
        %select_n3A_548 = arith.select %and3A_546, %add3A_547, %rem3A_538 : i32
        %mul3A_549 = arith.constant 32 : i32
        %mul3A_550 = arith.muli %select_n3A_548, %mul3A_549 : i32
        %add3A_551 = arith.constant 16 : i32
        %add3A_552 = arith.addi %mul3A_550, %add3A_551 : i32
        %swap3A_553 = arith.index_cast %select_n3A_532 : i32 to index
        %swap3A_554 = arith.index_cast %add3A_552 : i32 to index
        %swap3A_555 = tpu.vector_load %arg11[%swap3A_553, %swap3A_554] {strides = array<i32>} : memref<128x128xf32, #tpu.memory_space<vmem>>, vector<16xf32>,
        tpu.vector_store %arg11[%swap3A_553, %swap3A_554], %max3A_508 {strides = array<i32>} : memref<128x128xf32, #tpu.memory_space<vmem>>, vector<16xf32>,
        %mul3A_556 = arith.constant 16 : i32
        %mul3A_557 = arith.muli %scan3A_40, %mul3A_556 : i32
        %add3A_558 = arith.constant 3 : i32
        %add3A_559 = arith.addi %mul3A_557, %add3A_558 : i32
        %slice3A_560 = vector.extract_strided_slice %get3A_44 {offsets = [3], sizes = [1], strides = [1]} : vector<16xi32> to vector<1xi32>
        %squeeze3A_561 = vector.extract %slice3A_560[0] : i32 from vector<1xi32>
        %and3A_562 = arith.constant 7 : i32
        %and3A_563 = arith.andi %squeeze3A_561, %and3A_562 : i32
        %add3A_564 = arith.addi %mul3A_16, %add3A_559 : i32
        %mul3A_565 = arith.constant 8 : i32
        %mul3A_566 = arith.muli %add3A_559, %mul3A_565 : i32
        %add3A_567 = arith.addi %mul3A_566, %and3A_563 : i32
        %get3A_568 = arith.index_cast %add3A_567 : i32 to index
        %get3A_569 = arith.constant 0 : index
        %get3A_570 = tpu.vector_load %arg8[%get3A_568, %get3A_569] {strides = array<i32>} : memref<256x16xf32, #tpu.memory_space<vmem>>, vector<16xf32>,
        %max3A_571 = arith.constant 0.000000e+00 : f32
        %max3A_572 = vector.broadcast %max3A_571 : f32 to vector<16xf32>
        %max3A_573 = arith.maximumf %get3A_570, %max3A_572 : vector<16xf32>
        %jit3A_574 = arith.constant 8 : i32
        %div3A_575 = arith.divsi %add3A_564, %jit3A_574 : i32
        %sign3A_576 = arith.constant 0 : i32
        %sign3A_577 = arith.cmpi sgt, %add3A_564, %sign3A_576 : i32
        %sign3A_578 = arith.extui %sign3A_577 : i1 to i32
        %sign3A_579 = arith.constant 0 : i32
        %sign3A_580 = arith.cmpi slt, %add3A_564, %sign3A_579 : i32
        %sign3A_581 = arith.extui %sign3A_580 : i1 to i32
        %sign3A_582 = arith.subi %sign3A_578, %sign3A_581 : i32
        %sign3A_583 = arith.constant 0 : i32
        %sign3A_584 = arith.cmpi sgt, %jit3A_574, %sign3A_583 : i32
        %sign3A_585 = arith.extui %sign3A_584 : i1 to i32
        %sign3A_586 = arith.constant 0 : i32
        %sign3A_587 = arith.cmpi slt, %jit3A_574, %sign3A_586 : i32
        %sign3A_588 = arith.extui %sign3A_587 : i1 to i32
        %sign3A_589 = arith.subi %sign3A_585, %sign3A_588 : i32
        %ne3A_590 = arith.cmpi ne, %sign3A_582, %sign3A_589 : i32
        %rem3A_591 = arith.remsi %add3A_564, %jit3A_574 : i32
        %ne3A_592 = arith.constant 0 : i32
        %ne3A_593 = arith.cmpi ne, %rem3A_591, %ne3A_592 : i32
        %and3A_594 = arith.andi %ne3A_590, %ne3A_593 : i1
        %sub3A_595 = arith.constant 1 : i32
        %sub3A_596 = arith.subi %div3A_575, %sub3A_595 : i32
        %select_n3A_597 = arith.select %and3A_594, %sub3A_596, %div3A_575 : i32
        %jit3A_598 = arith.constant 8 : i32
        %eq3A_599 = arith.constant 0 : i32
        %eq3A_600 = arith.cmpi eq, %jit3A_598, %eq3A_599 : i32
        %jit3A_601 = arith.constant 1 : i32
        %select_n3A_602 = arith.select %eq3A_600, %jit3A_601, %jit3A_598 : i32
        %rem3A_603 = arith.remsi %add3A_564, %select_n3A_602 : i32
        %ne3A_604 = arith.constant 0 : i32
        %ne3A_605 = arith.cmpi ne, %rem3A_603, %ne3A_604 : i32
        %lt3A_606 = arith.constant 0 : i32
        %lt3A_607 = arith.cmpi slt, %rem3A_603, %lt3A_606 : i32
        %lt3A_608 = arith.constant 0 : i32
        %lt3A_609 = arith.cmpi slt, %select_n3A_602, %lt3A_608 : i32
        %ne3A_610 = arith.xori %lt3A_607, %lt3A_609 : i1
        %and3A_611 = arith.andi %ne3A_610, %ne3A_605 : i1
        %add3A_612 = arith.addi %rem3A_603, %select_n3A_602 : i32
        %select_n3A_613 = arith.select %and3A_611, %add3A_612, %rem3A_603 : i32
        %mul3A_614 = arith.constant 16 : i32
        %mul3A_615 = arith.muli %select_n3A_613, %mul3A_614 : i32
        %swap3A_616 = arith.index_cast %select_n3A_597 : i32 to index
        %swap3A_617 = arith.index_cast %mul3A_615 : i32 to index
        %swap3A_618 = tpu.vector_load %arg10[%swap3A_616, %swap3A_617] {strides = array<i32>} : memref<64x128xf32, #tpu.memory_space<vmem>>, vector<16xf32>,
        tpu.vector_store %arg10[%swap3A_616, %swap3A_617], %max3A_573 {strides = array<i32>} : memref<64x128xf32, #tpu.memory_space<vmem>>, vector<16xf32>,
        %mul3A_619 = arith.constant 8 : i32
        %mul3A_620 = arith.muli %add3A_559, %mul3A_619 : i32
        %add3A_621 = arith.addi %mul3A_620, %and3A_563 : i32
        %get3A_622 = arith.index_cast %add3A_621 : i32 to index
        %get3A_623 = arith.constant 0 : index
        %get3A_624 = tpu.vector_load %arg9[%get3A_622, %get3A_623] {strides = array<i32>} : memref<256x32xf32, #tpu.memory_space<vmem>>, vector<16xf32>,
        %max3A_625 = arith.constant 0.000000e+00 : f32
        %max3A_626 = vector.broadcast %max3A_625 : f32 to vector<16xf32>
        %max3A_627 = arith.maximumf %get3A_624, %max3A_626 : vector<16xf32>
        %jit3A_628 = arith.constant 4 : i32
        %div3A_629 = arith.divsi %add3A_564, %jit3A_628 : i32
        %sign3A_630 = arith.constant 0 : i32
        %sign3A_631 = arith.cmpi sgt, %add3A_564, %sign3A_630 : i32
        %sign3A_632 = arith.extui %sign3A_631 : i1 to i32
        %sign3A_633 = arith.constant 0 : i32
        %sign3A_634 = arith.cmpi slt, %add3A_564, %sign3A_633 : i32
        %sign3A_635 = arith.extui %sign3A_634 : i1 to i32
        %sign3A_636 = arith.subi %sign3A_632, %sign3A_635 : i32
        %sign3A_637 = arith.constant 0 : i32
        %sign3A_638 = arith.cmpi sgt, %jit3A_628, %sign3A_637 : i32
        %sign3A_639 = arith.extui %sign3A_638 : i1 to i32
        %sign3A_640 = arith.constant 0 : i32
        %sign3A_641 = arith.cmpi slt, %jit3A_628, %sign3A_640 : i32
        %sign3A_642 = arith.extui %sign3A_641 : i1 to i32
        %sign3A_643 = arith.subi %sign3A_639, %sign3A_642 : i32
        %ne3A_644 = arith.cmpi ne, %sign3A_636, %sign3A_643 : i32
        %rem3A_645 = arith.remsi %add3A_564, %jit3A_628 : i32
        %ne3A_646 = arith.constant 0 : i32
        %ne3A_647 = arith.cmpi ne, %rem3A_645, %ne3A_646 : i32
        %and3A_648 = arith.andi %ne3A_644, %ne3A_647 : i1
        %sub3A_649 = arith.constant 1 : i32
        %sub3A_650 = arith.subi %div3A_629, %sub3A_649 : i32
        %select_n3A_651 = arith.select %and3A_648, %sub3A_650, %div3A_629 : i32
        %jit3A_652 = arith.constant 4 : i32
        %eq3A_653 = arith.constant 0 : i32
        %eq3A_654 = arith.cmpi eq, %jit3A_652, %eq3A_653 : i32
        %jit3A_655 = arith.constant 1 : i32
        %select_n3A_656 = arith.select %eq3A_654, %jit3A_655, %jit3A_652 : i32
        %rem3A_657 = arith.remsi %add3A_564, %select_n3A_656 : i32
        %ne3A_658 = arith.constant 0 : i32
        %ne3A_659 = arith.cmpi ne, %rem3A_657, %ne3A_658 : i32
        %lt3A_660 = arith.constant 0 : i32
        %lt3A_661 = arith.cmpi slt, %rem3A_657, %lt3A_660 : i32
        %lt3A_662 = arith.constant 0 : i32
        %lt3A_663 = arith.cmpi slt, %select_n3A_656, %lt3A_662 : i32
        %ne3A_664 = arith.xori %lt3A_661, %lt3A_663 : i1
        %and3A_665 = arith.andi %ne3A_664, %ne3A_659 : i1
        %add3A_666 = arith.addi %rem3A_657, %select_n3A_656 : i32
        %select_n3A_667 = arith.select %and3A_665, %add3A_666, %rem3A_657 : i32
        %mul3A_668 = arith.constant 32 : i32
        %mul3A_669 = arith.muli %select_n3A_667, %mul3A_668 : i32
        %add3A_670 = arith.constant 0 : i32
        %add3A_671 = arith.addi %mul3A_669, %add3A_670 : i32
        %swap3A_672 = arith.index_cast %select_n3A_651 : i32 to index
        %swap3A_673 = arith.index_cast %add3A_671 : i32 to index
        %swap3A_674 = tpu.vector_load %arg11[%swap3A_672, %swap3A_673] {strides = array<i32>} : memref<128x128xf32, #tpu.memory_space<vmem>>, vector<16xf32>,
        tpu.vector_store %arg11[%swap3A_672, %swap3A_673], %max3A_627 {strides = array<i32>} : memref<128x128xf32, #tpu.memory_space<vmem>>, vector<16xf32>,
        %mul3A_675 = arith.constant 8 : i32
        %mul3A_676 = arith.muli %add3A_559, %mul3A_675 : i32
        %add3A_677 = arith.addi %mul3A_676, %and3A_563 : i32
        %get3A_678 = arith.index_cast %add3A_677 : i32 to index
        %get3A_679 = arith.constant 16 : index
        %get3A_680 = tpu.vector_load %arg9[%get3A_678, %get3A_679] {strides = array<i32>} : memref<256x32xf32, #tpu.memory_space<vmem>>, vector<16xf32>,
        %max3A_681 = arith.constant 0.000000e+00 : f32
        %max3A_682 = vector.broadcast %max3A_681 : f32 to vector<16xf32>
        %max3A_683 = arith.maximumf %get3A_680, %max3A_682 : vector<16xf32>
        %jit3A_684 = arith.constant 4 : i32
        %div3A_685 = arith.divsi %add3A_564, %jit3A_684 : i32
        %sign3A_686 = arith.constant 0 : i32
        %sign3A_687 = arith.cmpi sgt, %add3A_564, %sign3A_686 : i32
        %sign3A_688 = arith.extui %sign3A_687 : i1 to i32
        %sign3A_689 = arith.constant 0 : i32
        %sign3A_690 = arith.cmpi slt, %add3A_564, %sign3A_689 : i32
        %sign3A_691 = arith.extui %sign3A_690 : i1 to i32
        %sign3A_692 = arith.subi %sign3A_688, %sign3A_691 : i32
        %sign3A_693 = arith.constant 0 : i32
        %sign3A_694 = arith.cmpi sgt, %jit3A_684, %sign3A_693 : i32
        %sign3A_695 = arith.extui %sign3A_694 : i1 to i32
        %sign3A_696 = arith.constant 0 : i32
        %sign3A_697 = arith.cmpi slt, %jit3A_684, %sign3A_696 : i32
        %sign3A_698 = arith.extui %sign3A_697 : i1 to i32
        %sign3A_699 = arith.subi %sign3A_695, %sign3A_698 : i32
        %ne3A_700 = arith.cmpi ne, %sign3A_692, %sign3A_699 : i32
        %rem3A_701 = arith.remsi %add3A_564, %jit3A_684 : i32
        %ne3A_702 = arith.constant 0 : i32
        %ne3A_703 = arith.cmpi ne, %rem3A_701, %ne3A_702 : i32
        %and3A_704 = arith.andi %ne3A_700, %ne3A_703 : i1
        %sub3A_705 = arith.constant 1 : i32
        %sub3A_706 = arith.subi %div3A_685, %sub3A_705 : i32
        %select_n3A_707 = arith.select %and3A_704, %sub3A_706, %div3A_685 : i32
        %jit3A_708 = arith.constant 4 : i32
        %eq3A_709 = arith.constant 0 : i32
        %eq3A_710 = arith.cmpi eq, %jit3A_708, %eq3A_709 : i32
        %jit3A_711 = arith.constant 1 : i32
        %select_n3A_712 = arith.select %eq3A_710, %jit3A_711, %jit3A_708 : i32
        %rem3A_713 = arith.remsi %add3A_564, %select_n3A_712 : i32
        %ne3A_714 = arith.constant 0 : i32
        %ne3A_715 = arith.cmpi ne, %rem3A_713, %ne3A_714 : i32
        %lt3A_716 = arith.constant 0 : i32
        %lt3A_717 = arith.cmpi slt, %rem3A_713, %lt3A_716 : i32
        %lt3A_718 = arith.constant 0 : i32
        %lt3A_719 = arith.cmpi slt, %select_n3A_712, %lt3A_718 : i32
        %ne3A_720 = arith.xori %lt3A_717, %lt3A_719 : i1
        %and3A_721 = arith.andi %ne3A_720, %ne3A_715 : i1
        %add3A_722 = arith.addi %rem3A_713, %select_n3A_712 : i32
        %select_n3A_723 = arith.select %and3A_721, %add3A_722, %rem3A_713 : i32
        %mul3A_724 = arith.constant 32 : i32
        %mul3A_725 = arith.muli %select_n3A_723, %mul3A_724 : i32
        %add3A_726 = arith.constant 16 : i32
        %add3A_727 = arith.addi %mul3A_725, %add3A_726 : i32
        %swap3A_728 = arith.index_cast %select_n3A_707 : i32 to index
        %swap3A_729 = arith.index_cast %add3A_727 : i32 to index
        %swap3A_730 = tpu.vector_load %arg11[%swap3A_728, %swap3A_729] {strides = array<i32>} : memref<128x128xf32, #tpu.memory_space<vmem>>, vector<16xf32>,
        tpu.vector_store %arg11[%swap3A_728, %swap3A_729], %max3A_683 {strides = array<i32>} : memref<128x128xf32, #tpu.memory_space<vmem>>, vector<16xf32>,
        %mul3A_731 = arith.constant 16 : i32
        %mul3A_732 = arith.muli %scan3A_40, %mul3A_731 : i32
        %add3A_733 = arith.constant 4 : i32
        %add3A_734 = arith.addi %mul3A_732, %add3A_733 : i32
        %slice3A_735 = vector.extract_strided_slice %get3A_44 {offsets = [4], sizes = [1], strides = [1]} : vector<16xi32> to vector<1xi32>
        %squeeze3A_736 = vector.extract %slice3A_735[0] : i32 from vector<1xi32>
        %and3A_737 = arith.constant 7 : i32
        %and3A_738 = arith.andi %squeeze3A_736, %and3A_737 : i32
        %add3A_739 = arith.addi %mul3A_16, %add3A_734 : i32
        %mul3A_740 = arith.constant 8 : i32
        %mul3A_741 = arith.muli %add3A_734, %mul3A_740 : i32
        %add3A_742 = arith.addi %mul3A_741, %and3A_738 : i32
        %get3A_743 = arith.index_cast %add3A_742 : i32 to index
        %get3A_744 = arith.constant 0 : index
        %get3A_745 = tpu.vector_load %arg8[%get3A_743, %get3A_744] {strides = array<i32>} : memref<256x16xf32, #tpu.memory_space<vmem>>, vector<16xf32>,
        %max3A_746 = arith.constant 0.000000e+00 : f32
        %max3A_747 = vector.broadcast %max3A_746 : f32 to vector<16xf32>
        %max3A_748 = arith.maximumf %get3A_745, %max3A_747 : vector<16xf32>
        %jit3A_749 = arith.constant 8 : i32
        %div3A_750 = arith.divsi %add3A_739, %jit3A_749 : i32
        %sign3A_751 = arith.constant 0 : i32
        %sign3A_752 = arith.cmpi sgt, %add3A_739, %sign3A_751 : i32
        %sign3A_753 = arith.extui %sign3A_752 : i1 to i32
        %sign3A_754 = arith.constant 0 : i32
        %sign3A_755 = arith.cmpi slt, %add3A_739, %sign3A_754 : i32
        %sign3A_756 = arith.extui %sign3A_755 : i1 to i32
        %sign3A_757 = arith.subi %sign3A_753, %sign3A_756 : i32
        %sign3A_758 = arith.constant 0 : i32
        %sign3A_759 = arith.cmpi sgt, %jit3A_749, %sign3A_758 : i32
        %sign3A_760 = arith.extui %sign3A_759 : i1 to i32
        %sign3A_761 = arith.constant 0 : i32
        %sign3A_762 = arith.cmpi slt, %jit3A_749, %sign3A_761 : i32
        %sign3A_763 = arith.extui %sign3A_762 : i1 to i32
        %sign3A_764 = arith.subi %sign3A_760, %sign3A_763 : i32
        %ne3A_765 = arith.cmpi ne, %sign3A_757, %sign3A_764 : i32
        %rem3A_766 = arith.remsi %add3A_739, %jit3A_749 : i32
        %ne3A_767 = arith.constant 0 : i32
        %ne3A_768 = arith.cmpi ne, %rem3A_766, %ne3A_767 : i32
        %and3A_769 = arith.andi %ne3A_765, %ne3A_768 : i1
        %sub3A_770 = arith.constant 1 : i32
        %sub3A_771 = arith.subi %div3A_750, %sub3A_770 : i32
        %select_n3A_772 = arith.select %and3A_769, %sub3A_771, %div3A_750 : i32
        %jit3A_773 = arith.constant 8 : i32
        %eq3A_774 = arith.constant 0 : i32
        %eq3A_775 = arith.cmpi eq, %jit3A_773, %eq3A_774 : i32
        %jit3A_776 = arith.constant 1 : i32
        %select_n3A_777 = arith.select %eq3A_775, %jit3A_776, %jit3A_773 : i32
        %rem3A_778 = arith.remsi %add3A_739, %select_n3A_777 : i32
        %ne3A_779 = arith.constant 0 : i32
        %ne3A_780 = arith.cmpi ne, %rem3A_778, %ne3A_779 : i32
        %lt3A_781 = arith.constant 0 : i32
        %lt3A_782 = arith.cmpi slt, %rem3A_778, %lt3A_781 : i32
        %lt3A_783 = arith.constant 0 : i32
        %lt3A_784 = arith.cmpi slt, %select_n3A_777, %lt3A_783 : i32
        %ne3A_785 = arith.xori %lt3A_782, %lt3A_784 : i1
        %and3A_786 = arith.andi %ne3A_785, %ne3A_780 : i1
        %add3A_787 = arith.addi %rem3A_778, %select_n3A_777 : i32
        %select_n3A_788 = arith.select %and3A_786, %add3A_787, %rem3A_778 : i32
        %mul3A_789 = arith.constant 16 : i32
        %mul3A_790 = arith.muli %select_n3A_788, %mul3A_789 : i32
        %swap3A_791 = arith.index_cast %select_n3A_772 : i32 to index
        %swap3A_792 = arith.index_cast %mul3A_790 : i32 to index
        %swap3A_793 = tpu.vector_load %arg10[%swap3A_791, %swap3A_792] {strides = array<i32>} : memref<64x128xf32, #tpu.memory_space<vmem>>, vector<16xf32>,
        tpu.vector_store %arg10[%swap3A_791, %swap3A_792], %max3A_748 {strides = array<i32>} : memref<64x128xf32, #tpu.memory_space<vmem>>, vector<16xf32>,
        %mul3A_794 = arith.constant 8 : i32
        %mul3A_795 = arith.muli %add3A_734, %mul3A_794 : i32
        %add3A_796 = arith.addi %mul3A_795, %and3A_738 : i32
        %get3A_797 = arith.index_cast %add3A_796 : i32 to index
        %get3A_798 = arith.constant 0 : index
        %get3A_799 = tpu.vector_load %arg9[%get3A_797, %get3A_798] {strides = array<i32>} : memref<256x32xf32, #tpu.memory_space<vmem>>, vector<16xf32>,
        %max3A_800 = arith.constant 0.000000e+00 : f32
        %max3A_801 = vector.broadcast %max3A_800 : f32 to vector<16xf32>
        %max3A_802 = arith.maximumf %get3A_799, %max3A_801 : vector<16xf32>
        %jit3A_803 = arith.constant 4 : i32
        %div3A_804 = arith.divsi %add3A_739, %jit3A_803 : i32
        %sign3A_805 = arith.constant 0 : i32
        %sign3A_806 = arith.cmpi sgt, %add3A_739, %sign3A_805 : i32
        %sign3A_807 = arith.extui %sign3A_806 : i1 to i32
        %sign3A_808 = arith.constant 0 : i32
        %sign3A_809 = arith.cmpi slt, %add3A_739, %sign3A_808 : i32
        %sign3A_810 = arith.extui %sign3A_809 : i1 to i32
        %sign3A_811 = arith.subi %sign3A_807, %sign3A_810 : i32
        %sign3A_812 = arith.constant 0 : i32
        %sign3A_813 = arith.cmpi sgt, %jit3A_803, %sign3A_812 : i32
        %sign3A_814 = arith.extui %sign3A_813 : i1 to i32
        %sign3A_815 = arith.constant 0 : i32
        %sign3A_816 = arith.cmpi slt, %jit3A_803, %sign3A_815 : i32
        %sign3A_817 = arith.extui %sign3A_816 : i1 to i32
        %sign3A_818 = arith.subi %sign3A_814, %sign3A_817 : i32
        %ne3A_819 = arith.cmpi ne, %sign3A_811, %sign3A_818 : i32
        %rem3A_820 = arith.remsi %add3A_739, %jit3A_803 : i32
        %ne3A_821 = arith.constant 0 : i32
        %ne3A_822 = arith.cmpi ne, %rem3A_820, %ne3A_821 : i32
        %and3A_823 = arith.andi %ne3A_819, %ne3A_822 : i1
        %sub3A_824 = arith.constant 1 : i32
        %sub3A_825 = arith.subi %div3A_804, %sub3A_824 : i32
        %select_n3A_826 = arith.select %and3A_823, %sub3A_825, %div3A_804 : i32
        %jit3A_827 = arith.constant 4 : i32
        %eq3A_828 = arith.constant 0 : i32
        %eq3A_829 = arith.cmpi eq, %jit3A_827, %eq3A_828 : i32
        %jit3A_830 = arith.constant 1 : i32
        %select_n3A_831 = arith.select %eq3A_829, %jit3A_830, %jit3A_827 : i32
        %rem3A_832 = arith.remsi %add3A_739, %select_n3A_831 : i32
        %ne3A_833 = arith.constant 0 : i32
        %ne3A_834 = arith.cmpi ne, %rem3A_832, %ne3A_833 : i32
        %lt3A_835 = arith.constant 0 : i32
        %lt3A_836 = arith.cmpi slt, %rem3A_832, %lt3A_835 : i32
        %lt3A_837 = arith.constant 0 : i32
        %lt3A_838 = arith.cmpi slt, %select_n3A_831, %lt3A_837 : i32
        %ne3A_839 = arith.xori %lt3A_836, %lt3A_838 : i1
        %and3A_840 = arith.andi %ne3A_839, %ne3A_834 : i1
        %add3A_841 = arith.addi %rem3A_832, %select_n3A_831 : i32
        %select_n3A_842 = arith.select %and3A_840, %add3A_841, %rem3A_832 : i32
        %mul3A_843 = arith.constant 32 : i32
        %mul3A_844 = arith.muli %select_n3A_842, %mul3A_843 : i32
        %add3A_845 = arith.constant 0 : i32
        %add3A_846 = arith.addi %mul3A_844, %add3A_845 : i32
        %swap3A_847 = arith.index_cast %select_n3A_826 : i32 to index
        %swap3A_848 = arith.index_cast %add3A_846 : i32 to index
        %swap3A_849 = tpu.vector_load %arg11[%swap3A_847, %swap3A_848] {strides = array<i32>} : memref<128x128xf32, #tpu.memory_space<vmem>>, vector<16xf32>,
        tpu.vector_store %arg11[%swap3A_847, %swap3A_848], %max3A_802 {strides = array<i32>} : memref<128x128xf32, #tpu.memory_space<vmem>>, vector<16xf32>,
        %mul3A_850 = arith.constant 8 : i32
        %mul3A_851 = arith.muli %add3A_734, %mul3A_850 : i32
        %add3A_852 = arith.addi %mul3A_851, %and3A_738 : i32
        %get3A_853 = arith.index_cast %add3A_852 : i32 to index
        %get3A_854 = arith.constant 16 : index
        %get3A_855 = tpu.vector_load %arg9[%get3A_853, %get3A_854] {strides = array<i32>} : memref<256x32xf32, #tpu.memory_space<vmem>>, vector<16xf32>,
        %max3A_856 = arith.constant 0.000000e+00 : f32
        %max3A_857 = vector.broadcast %max3A_856 : f32 to vector<16xf32>
        %max3A_858 = arith.maximumf %get3A_855, %max3A_857 : vector<16xf32>
        %jit3A_859 = arith.constant 4 : i32
        %div3A_860 = arith.divsi %add3A_739, %jit3A_859 : i32
        %sign3A_861 = arith.constant 0 : i32
        %sign3A_862 = arith.cmpi sgt, %add3A_739, %sign3A_861 : i32
        %sign3A_863 = arith.extui %sign3A_862 : i1 to i32
        %sign3A_864 = arith.constant 0 : i32
        %sign3A_865 = arith.cmpi slt, %add3A_739, %sign3A_864 : i32
        %sign3A_866 = arith.extui %sign3A_865 : i1 to i32
        %sign3A_867 = arith.subi %sign3A_863, %sign3A_866 : i32
        %sign3A_868 = arith.constant 0 : i32
        %sign3A_869 = arith.cmpi sgt, %jit3A_859, %sign3A_868 : i32
        %sign3A_870 = arith.extui %sign3A_869 : i1 to i32
        %sign3A_871 = arith.constant 0 : i32
        %sign3A_872 = arith.cmpi slt, %jit3A_859, %sign3A_871 : i32
        %sign3A_873 = arith.extui %sign3A_872 : i1 to i32
        %sign3A_874 = arith.subi %sign3A_870, %sign3A_873 : i32
        %ne3A_875 = arith.cmpi ne, %sign3A_867, %sign3A_874 : i32
        %rem3A_876 = arith.remsi %add3A_739, %jit3A_859 : i32
        %ne3A_877 = arith.constant 0 : i32
        %ne3A_878 = arith.cmpi ne, %rem3A_876, %ne3A_877 : i32
        %and3A_879 = arith.andi %ne3A_875, %ne3A_878 : i1
        %sub3A_880 = arith.constant 1 : i32
        %sub3A_881 = arith.subi %div3A_860, %sub3A_880 : i32
        %select_n3A_882 = arith.select %and3A_879, %sub3A_881, %div3A_860 : i32
        %jit3A_883 = arith.constant 4 : i32
        %eq3A_884 = arith.constant 0 : i32
        %eq3A_885 = arith.cmpi eq, %jit3A_883, %eq3A_884 : i32
        %jit3A_886 = arith.constant 1 : i32
        %select_n3A_887 = arith.select %eq3A_885, %jit3A_886, %jit3A_883 : i32
        %rem3A_888 = arith.remsi %add3A_739, %select_n3A_887 : i32
        %ne3A_889 = arith.constant 0 : i32
        %ne3A_890 = arith.cmpi ne, %rem3A_888, %ne3A_889 : i32
        %lt3A_891 = arith.constant 0 : i32
        %lt3A_892 = arith.cmpi slt, %rem3A_888, %lt3A_891 : i32
        %lt3A_893 = arith.constant 0 : i32
        %lt3A_894 = arith.cmpi slt, %select_n3A_887, %lt3A_893 : i32
        %ne3A_895 = arith.xori %lt3A_892, %lt3A_894 : i1
        %and3A_896 = arith.andi %ne3A_895, %ne3A_890 : i1
        %add3A_897 = arith.addi %rem3A_888, %select_n3A_887 : i32
        %select_n3A_898 = arith.select %and3A_896, %add3A_897, %rem3A_888 : i32
        %mul3A_899 = arith.constant 32 : i32
        %mul3A_900 = arith.muli %select_n3A_898, %mul3A_899 : i32
        %add3A_901 = arith.constant 16 : i32
        %add3A_902 = arith.addi %mul3A_900, %add3A_901 : i32
        %swap3A_903 = arith.index_cast %select_n3A_882 : i32 to index
        %swap3A_904 = arith.index_cast %add3A_902 : i32 to index
        %swap3A_905 = tpu.vector_load %arg11[%swap3A_903, %swap3A_904] {strides = array<i32>} : memref<128x128xf32, #tpu.memory_space<vmem>>, vector<16xf32>,
        tpu.vector_store %arg11[%swap3A_903, %swap3A_904], %max3A_858 {strides = array<i32>} : memref<128x128xf32, #tpu.memory_space<vmem>>, vector<16xf32>,
        %mul3A_906 = arith.constant 16 : i32
        %mul3A_907 = arith.muli %scan3A_40, %mul3A_906 : i32
        %add3A_908 = arith.constant 5 : i32
        %add3A_909 = arith.addi %mul3A_907, %add3A_908 : i32
        %slice3A_910 = vector.extract_strided_slice %get3A_44 {offsets = [5], sizes = [1], strides = [1]} : vector<16xi32> to vector<1xi32>
        %squeeze3A_911 = vector.extract %slice3A_910[0] : i32 from vector<1xi32>
        %and3A_912 = arith.constant 7 : i32
        %and3A_913 = arith.andi %squeeze3A_911, %and3A_912 : i32
        %add3A_914 = arith.addi %mul3A_16, %add3A_909 : i32
        %mul3A_915 = arith.constant 8 : i32
        %mul3A_916 = arith.muli %add3A_909, %mul3A_915 : i32
        %add3A_917 = arith.addi %mul3A_916, %and3A_913 : i32
        %get3A_918 = arith.index_cast %add3A_917 : i32 to index
        %get3A_919 = arith.constant 0 : index
        %get3A_920 = tpu.vector_load %arg8[%get3A_918, %get3A_919] {strides = array<i32>} : memref<256x16xf32, #tpu.memory_space<vmem>>, vector<16xf32>,
        %max3A_921 = arith.constant 0.000000e+00 : f32
        %max3A_922 = vector.broadcast %max3A_921 : f32 to vector<16xf32>
        %max3A_923 = arith.maximumf %get3A_920, %max3A_922 : vector<16xf32>
        %jit3A_924 = arith.constant 8 : i32
        %div3A_925 = arith.divsi %add3A_914, %jit3A_924 : i32
        %sign3A_926 = arith.constant 0 : i32
        %sign3A_927 = arith.cmpi sgt, %add3A_914, %sign3A_926 : i32
        %sign3A_928 = arith.extui %sign3A_927 : i1 to i32
        %sign3A_929 = arith.constant 0 : i32
        %sign3A_930 = arith.cmpi slt, %add3A_914, %sign3A_929 : i32
        %sign3A_931 = arith.extui %sign3A_930 : i1 to i32
        %sign3A_932 = arith.subi %sign3A_928, %sign3A_931 : i32
        %sign3A_933 = arith.constant 0 : i32
        %sign3A_934 = arith.cmpi sgt, %jit3A_924, %sign3A_933 : i32
        %sign3A_935 = arith.extui %sign3A_934 : i1 to i32
        %sign3A_936 = arith.constant 0 : i32
        %sign3A_937 = arith.cmpi slt, %jit3A_924, %sign3A_936 : i32
        %sign3A_938 = arith.extui %sign3A_937 : i1 to i32
        %sign3A_939 = arith.subi %sign3A_935, %sign3A_938 : i32
        %ne3A_940 = arith.cmpi ne, %sign3A_932, %sign3A_939 : i32
        %rem3A_941 = arith.remsi %add3A_914, %jit3A_924 : i32
        %ne3A_942 = arith.constant 0 : i32
        %ne3A_943 = arith.cmpi ne, %rem3A_941, %ne3A_942 : i32
        %and3A_944 = arith.andi %ne3A_940, %ne3A_943 : i1
        %sub3A_945 = arith.constant 1 : i32
        %sub3A_946 = arith.subi %div3A_925, %sub3A_945 : i32
        %select_n3A_947 = arith.select %and3A_944, %sub3A_946, %div3A_925 : i32
        %jit3A_948 = arith.constant 8 : i32
        %eq3A_949 = arith.constant 0 : i32
        %eq3A_950 = arith.cmpi eq, %jit3A_948, %eq3A_949 : i32
        %jit3A_951 = arith.constant 1 : i32
        %select_n3A_952 = arith.select %eq3A_950, %jit3A_951, %jit3A_948 : i32
        %rem3A_953 = arith.remsi %add3A_914, %select_n3A_952 : i32
        %ne3A_954 = arith.constant 0 : i32
        %ne3A_955 = arith.cmpi ne, %rem3A_953, %ne3A_954 : i32
        %lt3A_956 = arith.constant 0 : i32
        %lt3A_957 = arith.cmpi slt, %rem3A_953, %lt3A_956 : i32
        %lt3A_958 = arith.constant 0 : i32
        %lt3A_959 = arith.cmpi slt, %select_n3A_952, %lt3A_958 : i32
        %ne3A_960 = arith.xori %lt3A_957, %lt3A_959 : i1
        %and3A_961 = arith.andi %ne3A_960, %ne3A_955 : i1
        %add3A_962 = arith.addi %rem3A_953, %select_n3A_952 : i32
        %select_n3A_963 = arith.select %and3A_961, %add3A_962, %rem3A_953 : i32
        %mul3A_964 = arith.constant 16 : i32
        %mul3A_965 = arith.muli %select_n3A_963, %mul3A_964 : i32
        %swap3A_966 = arith.index_cast %select_n3A_947 : i32 to index
        %swap3A_967 = arith.index_cast %mul3A_965 : i32 to index
        %swap3A_968 = tpu.vector_load %arg10[%swap3A_966, %swap3A_967] {strides = array<i32>} : memref<64x128xf32, #tpu.memory_space<vmem>>, vector<16xf32>,
        tpu.vector_store %arg10[%swap3A_966, %swap3A_967], %max3A_923 {strides = array<i32>} : memref<64x128xf32, #tpu.memory_space<vmem>>, vector<16xf32>,
        %mul3A_969 = arith.constant 8 : i32
        %mul3A_970 = arith.muli %add3A_909, %mul3A_969 : i32
        %add3A_971 = arith.addi %mul3A_970, %and3A_913 : i32
        %get3A_972 = arith.index_cast %add3A_971 : i32 to index
        %get3A_973 = arith.constant 0 : index
        %get3A_974 = tpu.vector_load %arg9[%get3A_972, %get3A_973] {strides = array<i32>} : memref<256x32xf32, #tpu.memory_space<vmem>>, vector<16xf32>,
        %max3A_975 = arith.constant 0.000000e+00 : f32
        %max3A_976 = vector.broadcast %max3A_975 : f32 to vector<16xf32>
        %max3A_977 = arith.maximumf %get3A_974, %max3A_976 : vector<16xf32>
        %jit3A_978 = arith.constant 4 : i32
        %div3A_979 = arith.divsi %add3A_914, %jit3A_978 : i32
        %sign3A_980 = arith.constant 0 : i32
        %sign3A_981 = arith.cmpi sgt, %add3A_914, %sign3A_980 : i32
        %sign3A_982 = arith.extui %sign3A_981 : i1 to i32
        %sign3A_983 = arith.constant 0 : i32
        %sign3A_984 = arith.cmpi slt, %add3A_914, %sign3A_983 : i32
        %sign3A_985 = arith.extui %sign3A_984 : i1 to i32
        %sign3A_986 = arith.subi %sign3A_982, %sign3A_985 : i32
        %sign3A_987 = arith.constant 0 : i32
        %sign3A_988 = arith.cmpi sgt, %jit3A_978, %sign3A_987 : i32
        %sign3A_989 = arith.extui %sign3A_988 : i1 to i32
        %sign3A_990 = arith.constant 0 : i32
        %sign3A_991 = arith.cmpi slt, %jit3A_978, %sign3A_990 : i32
        %sign3A_992 = arith.extui %sign3A_991 : i1 to i32
        %sign3A_993 = arith.subi %sign3A_989, %sign3A_992 : i32
        %ne3A_994 = arith.cmpi ne, %sign3A_986, %sign3A_993 : i32
        %rem3A_995 = arith.remsi %add3A_914, %jit3A_978 : i32
        %ne3A_996 = arith.constant 0 : i32
        %ne3A_997 = arith.cmpi ne, %rem3A_995, %ne3A_996 : i32
        %and3A_998 = arith.andi %ne3A_994, %ne3A_997 : i1
        %sub3A_999 = arith.constant 1 : i32
        %sub3A_1000 = arith.subi %div3A_979, %sub3A_999 : i32
        %select_n3A_1001 = arith.select %and3A_998, %sub3A_1000, %div3A_979 : i32
        %jit3A_1002 = arith.constant 4 : i32
        %eq3A_1003 = arith.constant 0 : i32
        %eq3A_1004 = arith.cmpi eq, %jit3A_1002, %eq3A_1003 : i32
        %jit3A_1005 = arith.constant 1 : i32
        %select_n3A_1006 = arith.select %eq3A_1004, %jit3A_1005, %jit3A_1002 : i32
        %rem3A_1007 = arith.remsi %add3A_914, %select_n3A_1006 : i32
        %ne3A_1008 = arith.constant 0 : i32
        %ne3A_1009 = arith.cmpi ne, %rem3A_1007, %ne3A_1008 : i32
        %lt3A_1010 = arith.constant 0 : i32
        %lt3A_1011 = arith.cmpi slt, %rem3A_1007, %lt3A_1010 : i32
        %lt3A_1012 = arith.constant 0 : i32
        %lt3A_1013 = arith.cmpi slt, %select_n3A_1006, %lt3A_1012 : i32
        %ne3A_1014 = arith.xori %lt3A_1011, %lt3A_1013 : i1
        %and3A_1015 = arith.andi %ne3A_1014, %ne3A_1009 : i1
        %add3A_1016 = arith.addi %rem3A_1007, %select_n3A_1006 : i32
        %select_n3A_1017 = arith.select %and3A_1015, %add3A_1016, %rem3A_1007 : i32
        %mul3A_1018 = arith.constant 32 : i32
        %mul3A_1019 = arith.muli %select_n3A_1017, %mul3A_1018 : i32
        %add3A_1020 = arith.constant 0 : i32
        %add3A_1021 = arith.addi %mul3A_1019, %add3A_1020 : i32
        %swap3A_1022 = arith.index_cast %select_n3A_1001 : i32 to index
        %swap3A_1023 = arith.index_cast %add3A_1021 : i32 to index
        %swap3A_1024 = tpu.vector_load %arg11[%swap3A_1022, %swap3A_1023] {strides = array<i32>} : memref<128x128xf32, #tpu.memory_space<vmem>>, vector<16xf32>,
        tpu.vector_store %arg11[%swap3A_1022, %swap3A_1023], %max3A_977 {strides = array<i32>} : memref<128x128xf32, #tpu.memory_space<vmem>>, vector<16xf32>,
        %mul3A_1025 = arith.constant 8 : i32
        %mul3A_1026 = arith.muli %add3A_909, %mul3A_1025 : i32
        %add3A_1027 = arith.addi %mul3A_1026, %and3A_913 : i32
        %get3A_1028 = arith.index_cast %add3A_1027 : i32 to index
        %get3A_1029 = arith.constant 16 : index
        %get3A_1030 = tpu.vector_load %arg9[%get3A_1028, %get3A_1029] {strides = array<i32>} : memref<256x32xf32, #tpu.memory_space<vmem>>, vector<16xf32>,
        %max3A_1031 = arith.constant 0.000000e+00 : f32
        %max3A_1032 = vector.broadcast %max3A_1031 : f32 to vector<16xf32>
        %max3A_1033 = arith.maximumf %get3A_1030, %max3A_1032 : vector<16xf32>
        %jit3A_1034 = arith.constant 4 : i32
        %div3A_1035 = arith.divsi %add3A_914, %jit3A_1034 : i32
        %sign3A_1036 = arith.constant 0 : i32
        %sign3A_1037 = arith.cmpi sgt, %add3A_914, %sign3A_1036 : i32
        %sign3A_1038 = arith.extui %sign3A_1037 : i1 to i32
        %sign3A_1039 = arith.constant 0 : i32
        %sign3A_1040 = arith.cmpi slt, %add3A_914, %sign3A_1039 : i32
        %sign3A_1041 = arith.extui %sign3A_1040 : i1 to i32
        %sign3A_1042 = arith.subi %sign3A_1038, %sign3A_1041 : i32
        %sign3A_1043 = arith.constant 0 : i32
        %sign3A_1044 = arith.cmpi sgt, %jit3A_1034, %sign3A_1043 : i32
        %sign3A_1045 = arith.extui %sign3A_1044 : i1 to i32
        %sign3A_1046 = arith.constant 0 : i32
        %sign3A_1047 = arith.cmpi slt, %jit3A_1034, %sign3A_1046 : i32
        %sign3A_1048 = arith.extui %sign3A_1047 : i1 to i32
        %sign3A_1049 = arith.subi %sign3A_1045, %sign3A_1048 : i32
        %ne3A_1050 = arith.cmpi ne, %sign3A_1042, %sign3A_1049 : i32
        %rem3A_1051 = arith.remsi %add3A_914, %jit3A_1034 : i32
        %ne3A_1052 = arith.constant 0 : i32
        %ne3A_1053 = arith.cmpi ne, %rem3A_1051, %ne3A_1052 : i32
        %and3A_1054 = arith.andi %ne3A_1050, %ne3A_1053 : i1
        %sub3A_1055 = arith.constant 1 : i32
        %sub3A_1056 = arith.subi %div3A_1035, %sub3A_1055 : i32
        %select_n3A_1057 = arith.select %and3A_1054, %sub3A_1056, %div3A_1035 : i32
        %jit3A_1058 = arith.constant 4 : i32
        %eq3A_1059 = arith.constant 0 : i32
        %eq3A_1060 = arith.cmpi eq, %jit3A_1058, %eq3A_1059 : i32
        %jit3A_1061 = arith.constant 1 : i32
        %select_n3A_1062 = arith.select %eq3A_1060, %jit3A_1061, %jit3A_1058 : i32
        %rem3A_1063 = arith.remsi %add3A_914, %select_n3A_1062 : i32
        %ne3A_1064 = arith.constant 0 : i32
        %ne3A_1065 = arith.cmpi ne, %rem3A_1063, %ne3A_1064 : i32
        %lt3A_1066 = arith.constant 0 : i32
        %lt3A_1067 = arith.cmpi slt, %rem3A_1063, %lt3A_1066 : i32
        %lt3A_1068 = arith.constant 0 : i32
        %lt3A_1069 = arith.cmpi slt, %select_n3A_1062, %lt3A_1068 : i32
        %ne3A_1070 = arith.xori %lt3A_1067, %lt3A_1069 : i1
        %and3A_1071 = arith.andi %ne3A_1070, %ne3A_1065 : i1
        %add3A_1072 = arith.addi %rem3A_1063, %select_n3A_1062 : i32
        %select_n3A_1073 = arith.select %and3A_1071, %add3A_1072, %rem3A_1063 : i32
        %mul3A_1074 = arith.constant 32 : i32
        %mul3A_1075 = arith.muli %select_n3A_1073, %mul3A_1074 : i32
        %add3A_1076 = arith.constant 16 : i32
        %add3A_1077 = arith.addi %mul3A_1075, %add3A_1076 : i32
        %swap3A_1078 = arith.index_cast %select_n3A_1057 : i32 to index
        %swap3A_1079 = arith.index_cast %add3A_1077 : i32 to index
        %swap3A_1080 = tpu.vector_load %arg11[%swap3A_1078, %swap3A_1079] {strides = array<i32>} : memref<128x128xf32, #tpu.memory_space<vmem>>, vector<16xf32>,
        tpu.vector_store %arg11[%swap3A_1078, %swap3A_1079], %max3A_1033 {strides = array<i32>} : memref<128x128xf32, #tpu.memory_space<vmem>>, vector<16xf32>,
        %mul3A_1081 = arith.constant 16 : i32
        %mul3A_1082 = arith.muli %scan3A_40, %mul3A_1081 : i32
        %add3A_1083 = arith.constant 6 : i32
        %add3A_1084 = arith.addi %mul3A_1082, %add3A_1083 : i32
        %slice3A_1085 = vector.extract_strided_slice %get3A_44 {offsets = [6], sizes = [1], strides = [1]} : vector<16xi32> to vector<1xi32>
        %squeeze3A_1086 = vector.extract %slice3A_1085[0] : i32 from vector<1xi32>
        %and3A_1087 = arith.constant 7 : i32
        %and3A_1088 = arith.andi %squeeze3A_1086, %and3A_1087 : i32
        %add3A_1089 = arith.addi %mul3A_16, %add3A_1084 : i32
        %mul3A_1090 = arith.constant 8 : i32
        %mul3A_1091 = arith.muli %add3A_1084, %mul3A_1090 : i32
        %add3A_1092 = arith.addi %mul3A_1091, %and3A_1088 : i32
        %get3A_1093 = arith.index_cast %add3A_1092 : i32 to index
        %get3A_1094 = arith.constant 0 : index
        %get3A_1095 = tpu.vector_load %arg8[%get3A_1093, %get3A_1094] {strides = array<i32>} : memref<256x16xf32, #tpu.memory_space<vmem>>, vector<16xf32>,
        %max3A_1096 = arith.constant 0.000000e+00 : f32
        %max3A_1097 = vector.broadcast %max3A_1096 : f32 to vector<16xf32>
        %max3A_1098 = arith.maximumf %get3A_1095, %max3A_1097 : vector<16xf32>
        %jit3A_1099 = arith.constant 8 : i32
        %div3A_1100 = arith.divsi %add3A_1089, %jit3A_1099 : i32
        %sign3A_1101 = arith.constant 0 : i32
        %sign3A_1102 = arith.cmpi sgt, %add3A_1089, %sign3A_1101 : i32
        %sign3A_1103 = arith.extui %sign3A_1102 : i1 to i32
        %sign3A_1104 = arith.constant 0 : i32
        %sign3A_1105 = arith.cmpi slt, %add3A_1089, %sign3A_1104 : i32
        %sign3A_1106 = arith.extui %sign3A_1105 : i1 to i32
        %sign3A_1107 = arith.subi %sign3A_1103, %sign3A_1106 : i32
        %sign3A_1108 = arith.constant 0 : i32
        %sign3A_1109 = arith.cmpi sgt, %jit3A_1099, %sign3A_1108 : i32
        %sign3A_1110 = arith.extui %sign3A_1109 : i1 to i32
        %sign3A_1111 = arith.constant 0 : i32
        %sign3A_1112 = arith.cmpi slt, %jit3A_1099, %sign3A_1111 : i32
        %sign3A_1113 = arith.extui %sign3A_1112 : i1 to i32
        %sign3A_1114 = arith.subi %sign3A_1110, %sign3A_1113 : i32
        %ne3A_1115 = arith.cmpi ne, %sign3A_1107, %sign3A_1114 : i32
        %rem3A_1116 = arith.remsi %add3A_1089, %jit3A_1099 : i32
        %ne3A_1117 = arith.constant 0 : i32
        %ne3A_1118 = arith.cmpi ne, %rem3A_1116, %ne3A_1117 : i32
        %and3A_1119 = arith.andi %ne3A_1115, %ne3A_1118 : i1
        %sub3A_1120 = arith.constant 1 : i32
        %sub3A_1121 = arith.subi %div3A_1100, %sub3A_1120 : i32
        %select_n3A_1122 = arith.select %and3A_1119, %sub3A_1121, %div3A_1100 : i32
        %jit3A_1123 = arith.constant 8 : i32
        %eq3A_1124 = arith.constant 0 : i32
        %eq3A_1125 = arith.cmpi eq, %jit3A_1123, %eq3A_1124 : i32
        %jit3A_1126 = arith.constant 1 : i32
        %select_n3A_1127 = arith.select %eq3A_1125, %jit3A_1126, %jit3A_1123 : i32
        %rem3A_1128 = arith.remsi %add3A_1089, %select_n3A_1127 : i32
        %ne3A_1129 = arith.constant 0 : i32
        %ne3A_1130 = arith.cmpi ne, %rem3A_1128, %ne3A_1129 : i32
        %lt3A_1131 = arith.constant 0 : i32
        %lt3A_1132 = arith.cmpi slt, %rem3A_1128, %lt3A_1131 : i32
        %lt3A_1133 = arith.constant 0 : i32
        %lt3A_1134 = arith.cmpi slt, %select_n3A_1127, %lt3A_1133 : i32
        %ne3A_1135 = arith.xori %lt3A_1132, %lt3A_1134 : i1
        %and3A_1136 = arith.andi %ne3A_1135, %ne3A_1130 : i1
        %add3A_1137 = arith.addi %rem3A_1128, %select_n3A_1127 : i32
        %select_n3A_1138 = arith.select %and3A_1136, %add3A_1137, %rem3A_1128 : i32
        %mul3A_1139 = arith.constant 16 : i32
        %mul3A_1140 = arith.muli %select_n3A_1138, %mul3A_1139 : i32
        %swap3A_1141 = arith.index_cast %select_n3A_1122 : i32 to index
        %swap3A_1142 = arith.index_cast %mul3A_1140 : i32 to index
        %swap3A_1143 = tpu.vector_load %arg10[%swap3A_1141, %swap3A_1142] {strides = array<i32>} : memref<64x128xf32, #tpu.memory_space<vmem>>, vector<16xf32>,
        tpu.vector_store %arg10[%swap3A_1141, %swap3A_1142], %max3A_1098 {strides = array<i32>} : memref<64x128xf32, #tpu.memory_space<vmem>>, vector<16xf32>,
        %mul3A_1144 = arith.constant 8 : i32
        %mul3A_1145 = arith.muli %add3A_1084, %mul3A_1144 : i32
        %add3A_1146 = arith.addi %mul3A_1145, %and3A_1088 : i32
        %get3A_1147 = arith.index_cast %add3A_1146 : i32 to index
        %get3A_1148 = arith.constant 0 : index
        %get3A_1149 = tpu.vector_load %arg9[%get3A_1147, %get3A_1148] {strides = array<i32>} : memref<256x32xf32, #tpu.memory_space<vmem>>, vector<16xf32>,
        %max3A_1150 = arith.constant 0.000000e+00 : f32
        %max3A_1151 = vector.broadcast %max3A_1150 : f32 to vector<16xf32>
        %max3A_1152 = arith.maximumf %get3A_1149, %max3A_1151 : vector<16xf32>
        %jit3A_1153 = arith.constant 4 : i32
        %div3A_1154 = arith.divsi %add3A_1089, %jit3A_1153 : i32
        %sign3A_1155 = arith.constant 0 : i32
        %sign3A_1156 = arith.cmpi sgt, %add3A_1089, %sign3A_1155 : i32
        %sign3A_1157 = arith.extui %sign3A_1156 : i1 to i32
        %sign3A_1158 = arith.constant 0 : i32
        %sign3A_1159 = arith.cmpi slt, %add3A_1089, %sign3A_1158 : i32
        %sign3A_1160 = arith.extui %sign3A_1159 : i1 to i32
        %sign3A_1161 = arith.subi %sign3A_1157, %sign3A_1160 : i32
        %sign3A_1162 = arith.constant 0 : i32
        %sign3A_1163 = arith.cmpi sgt, %jit3A_1153, %sign3A_1162 : i32
        %sign3A_1164 = arith.extui %sign3A_1163 : i1 to i32
        %sign3A_1165 = arith.constant 0 : i32
        %sign3A_1166 = arith.cmpi slt, %jit3A_1153, %sign3A_1165 : i32
        %sign3A_1167 = arith.extui %sign3A_1166 : i1 to i32
        %sign3A_1168 = arith.subi %sign3A_1164, %sign3A_1167 : i32
        %ne3A_1169 = arith.cmpi ne, %sign3A_1161, %sign3A_1168 : i32
        %rem3A_1170 = arith.remsi %add3A_1089, %jit3A_1153 : i32
        %ne3A_1171 = arith.constant 0 : i32
        %ne3A_1172 = arith.cmpi ne, %rem3A_1170, %ne3A_1171 : i32
        %and3A_1173 = arith.andi %ne3A_1169, %ne3A_1172 : i1
        %sub3A_1174 = arith.constant 1 : i32
        %sub3A_1175 = arith.subi %div3A_1154, %sub3A_1174 : i32
        %select_n3A_1176 = arith.select %and3A_1173, %sub3A_1175, %div3A_1154 : i32
        %jit3A_1177 = arith.constant 4 : i32
        %eq3A_1178 = arith.constant 0 : i32
        %eq3A_1179 = arith.cmpi eq, %jit3A_1177, %eq3A_1178 : i32
        %jit3A_1180 = arith.constant 1 : i32
        %select_n3A_1181 = arith.select %eq3A_1179, %jit3A_1180, %jit3A_1177 : i32
        %rem3A_1182 = arith.remsi %add3A_1089, %select_n3A_1181 : i32
        %ne3A_1183 = arith.constant 0 : i32
        %ne3A_1184 = arith.cmpi ne, %rem3A_1182, %ne3A_1183 : i32
        %lt3A_1185 = arith.constant 0 : i32
        %lt3A_1186 = arith.cmpi slt, %rem3A_1182, %lt3A_1185 : i32
        %lt3A_1187 = arith.constant 0 : i32
        %lt3A_1188 = arith.cmpi slt, %select_n3A_1181, %lt3A_1187 : i32
        %ne3A_1189 = arith.xori %lt3A_1186, %lt3A_1188 : i1
        %and3A_1190 = arith.andi %ne3A_1189, %ne3A_1184 : i1
        %add3A_1191 = arith.addi %rem3A_1182, %select_n3A_1181 : i32
        %select_n3A_1192 = arith.select %and3A_1190, %add3A_1191, %rem3A_1182 : i32
        %mul3A_1193 = arith.constant 32 : i32
        %mul3A_1194 = arith.muli %select_n3A_1192, %mul3A_1193 : i32
        %add3A_1195 = arith.constant 0 : i32
        %add3A_1196 = arith.addi %mul3A_1194, %add3A_1195 : i32
        %swap3A_1197 = arith.index_cast %select_n3A_1176 : i32 to index
        %swap3A_1198 = arith.index_cast %add3A_1196 : i32 to index
        %swap3A_1199 = tpu.vector_load %arg11[%swap3A_1197, %swap3A_1198] {strides = array<i32>} : memref<128x128xf32, #tpu.memory_space<vmem>>, vector<16xf32>,
        tpu.vector_store %arg11[%swap3A_1197, %swap3A_1198], %max3A_1152 {strides = array<i32>} : memref<128x128xf32, #tpu.memory_space<vmem>>, vector<16xf32>,
        %mul3A_1200 = arith.constant 8 : i32
        %mul3A_1201 = arith.muli %add3A_1084, %mul3A_1200 : i32
        %add3A_1202 = arith.addi %mul3A_1201, %and3A_1088 : i32
        %get3A_1203 = arith.index_cast %add3A_1202 : i32 to index
        %get3A_1204 = arith.constant 16 : index
        %get3A_1205 = tpu.vector_load %arg9[%get3A_1203, %get3A_1204] {strides = array<i32>} : memref<256x32xf32, #tpu.memory_space<vmem>>, vector<16xf32>,
        %max3A_1206 = arith.constant 0.000000e+00 : f32
        %max3A_1207 = vector.broadcast %max3A_1206 : f32 to vector<16xf32>
        %max3A_1208 = arith.maximumf %get3A_1205, %max3A_1207 : vector<16xf32>
        %jit3A_1209 = arith.constant 4 : i32
        %div3A_1210 = arith.divsi %add3A_1089, %jit3A_1209 : i32
        %sign3A_1211 = arith.constant 0 : i32
        %sign3A_1212 = arith.cmpi sgt, %add3A_1089, %sign3A_1211 : i32
        %sign3A_1213 = arith.extui %sign3A_1212 : i1 to i32
        %sign3A_1214 = arith.constant 0 : i32
        %sign3A_1215 = arith.cmpi slt, %add3A_1089, %sign3A_1214 : i32
        %sign3A_1216 = arith.extui %sign3A_1215 : i1 to i32
        %sign3A_1217 = arith.subi %sign3A_1213, %sign3A_1216 : i32
        %sign3A_1218 = arith.constant 0 : i32
        %sign3A_1219 = arith.cmpi sgt, %jit3A_1209, %sign3A_1218 : i32
        %sign3A_1220 = arith.extui %sign3A_1219 : i1 to i32
        %sign3A_1221 = arith.constant 0 : i32
        %sign3A_1222 = arith.cmpi slt, %jit3A_1209, %sign3A_1221 : i32
        %sign3A_1223 = arith.extui %sign3A_1222 : i1 to i32
        %sign3A_1224 = arith.subi %sign3A_1220, %sign3A_1223 : i32
        %ne3A_1225 = arith.cmpi ne, %sign3A_1217, %sign3A_1224 : i32
        %rem3A_1226 = arith.remsi %add3A_1089, %jit3A_1209 : i32
        %ne3A_1227 = arith.constant 0 : i32
        %ne3A_1228 = arith.cmpi ne, %rem3A_1226, %ne3A_1227 : i32
        %and3A_1229 = arith.andi %ne3A_1225, %ne3A_1228 : i1
        %sub3A_1230 = arith.constant 1 : i32
        %sub3A_1231 = arith.subi %div3A_1210, %sub3A_1230 : i32
        %select_n3A_1232 = arith.select %and3A_1229, %sub3A_1231, %div3A_1210 : i32
        %jit3A_1233 = arith.constant 4 : i32
        %eq3A_1234 = arith.constant 0 : i32
        %eq3A_1235 = arith.cmpi eq, %jit3A_1233, %eq3A_1234 : i32
        %jit3A_1236 = arith.constant 1 : i32
        %select_n3A_1237 = arith.select %eq3A_1235, %jit3A_1236, %jit3A_1233 : i32
        %rem3A_1238 = arith.remsi %add3A_1089, %select_n3A_1237 : i32
        %ne3A_1239 = arith.constant 0 : i32
        %ne3A_1240 = arith.cmpi ne, %rem3A_1238, %ne3A_1239 : i32
        %lt3A_1241 = arith.constant 0 : i32
        %lt3A_1242 = arith.cmpi slt, %rem3A_1238, %lt3A_1241 : i32
        %lt3A_1243 = arith.constant 0 : i32
        %lt3A_1244 = arith.cmpi slt, %select_n3A_1237, %lt3A_1243 : i32
        %ne3A_1245 = arith.xori %lt3A_1242, %lt3A_1244 : i1
        %and3A_1246 = arith.andi %ne3A_1245, %ne3A_1240 : i1
        %add3A_1247 = arith.addi %rem3A_1238, %select_n3A_1237 : i32
        %select_n3A_1248 = arith.select %and3A_1246, %add3A_1247, %rem3A_1238 : i32
        %mul3A_1249 = arith.constant 32 : i32
        %mul3A_1250 = arith.muli %select_n3A_1248, %mul3A_1249 : i32
        %add3A_1251 = arith.constant 16 : i32
        %add3A_1252 = arith.addi %mul3A_1250, %add3A_1251 : i32
        %swap3A_1253 = arith.index_cast %select_n3A_1232 : i32 to index
        %swap3A_1254 = arith.index_cast %add3A_1252 : i32 to index
        %swap3A_1255 = tpu.vector_load %arg11[%swap3A_1253, %swap3A_1254] {strides = array<i32>} : memref<128x128xf32, #tpu.memory_space<vmem>>, vector<16xf32>,
        tpu.vector_store %arg11[%swap3A_1253, %swap3A_1254], %max3A_1208 {strides = array<i32>} : memref<128x128xf32, #tpu.memory_space<vmem>>, vector<16xf32>,
        %mul3A_1256 = arith.constant 16 : i32
        %mul3A_1257 = arith.muli %scan3A_40, %mul3A_1256 : i32
        %add3A_1258 = arith.constant 7 : i32
        %add3A_1259 = arith.addi %mul3A_1257, %add3A_1258 : i32
        %slice3A_1260 = vector.extract_strided_slice %get3A_44 {offsets = [7], sizes = [1], strides = [1]} : vector<16xi32> to vector<1xi32>
        %squeeze3A_1261 = vector.extract %slice3A_1260[0] : i32 from vector<1xi32>
        %and3A_1262 = arith.constant 7 : i32
        %and3A_1263 = arith.andi %squeeze3A_1261, %and3A_1262 : i32
        %add3A_1264 = arith.addi %mul3A_16, %add3A_1259 : i32
        %mul3A_1265 = arith.constant 8 : i32
        %mul3A_1266 = arith.muli %add3A_1259, %mul3A_1265 : i32
        %add3A_1267 = arith.addi %mul3A_1266, %and3A_1263 : i32
        %get3A_1268 = arith.index_cast %add3A_1267 : i32 to index
        %get3A_1269 = arith.constant 0 : index
        %get3A_1270 = tpu.vector_load %arg8[%get3A_1268, %get3A_1269] {strides = array<i32>} : memref<256x16xf32, #tpu.memory_space<vmem>>, vector<16xf32>,
        %max3A_1271 = arith.constant 0.000000e+00 : f32
        %max3A_1272 = vector.broadcast %max3A_1271 : f32 to vector<16xf32>
        %max3A_1273 = arith.maximumf %get3A_1270, %max3A_1272 : vector<16xf32>
        %jit3A_1274 = arith.constant 8 : i32
        %div3A_1275 = arith.divsi %add3A_1264, %jit3A_1274 : i32
        %sign3A_1276 = arith.constant 0 : i32
        %sign3A_1277 = arith.cmpi sgt, %add3A_1264, %sign3A_1276 : i32
        %sign3A_1278 = arith.extui %sign3A_1277 : i1 to i32
        %sign3A_1279 = arith.constant 0 : i32
        %sign3A_1280 = arith.cmpi slt, %add3A_1264, %sign3A_1279 : i32
        %sign3A_1281 = arith.extui %sign3A_1280 : i1 to i32
        %sign3A_1282 = arith.subi %sign3A_1278, %sign3A_1281 : i32
        %sign3A_1283 = arith.constant 0 : i32
        %sign3A_1284 = arith.cmpi sgt, %jit3A_1274, %sign3A_1283 : i32
        %sign3A_1285 = arith.extui %sign3A_1284 : i1 to i32
        %sign3A_1286 = arith.constant 0 : i32
        %sign3A_1287 = arith.cmpi slt, %jit3A_1274, %sign3A_1286 : i32
        %sign3A_1288 = arith.extui %sign3A_1287 : i1 to i32
        %sign3A_1289 = arith.subi %sign3A_1285, %sign3A_1288 : i32
        %ne3A_1290 = arith.cmpi ne, %sign3A_1282, %sign3A_1289 : i32
        %rem3A_1291 = arith.remsi %add3A_1264, %jit3A_1274 : i32
        %ne3A_1292 = arith.constant 0 : i32
        %ne3A_1293 = arith.cmpi ne, %rem3A_1291, %ne3A_1292 : i32
        %and3A_1294 = arith.andi %ne3A_1290, %ne3A_1293 : i1
        %sub3A_1295 = arith.constant 1 : i32
        %sub3A_1296 = arith.subi %div3A_1275, %sub3A_1295 : i32
        %select_n3A_1297 = arith.select %and3A_1294, %sub3A_1296, %div3A_1275 : i32
        %jit3A_1298 = arith.constant 8 : i32
        %eq3A_1299 = arith.constant 0 : i32
        %eq3A_1300 = arith.cmpi eq, %jit3A_1298, %eq3A_1299 : i32
        %jit3A_1301 = arith.constant 1 : i32
        %select_n3A_1302 = arith.select %eq3A_1300, %jit3A_1301, %jit3A_1298 : i32
        %rem3A_1303 = arith.remsi %add3A_1264, %select_n3A_1302 : i32
        %ne3A_1304 = arith.constant 0 : i32
        %ne3A_1305 = arith.cmpi ne, %rem3A_1303, %ne3A_1304 : i32
        %lt3A_1306 = arith.constant 0 : i32
        %lt3A_1307 = arith.cmpi slt, %rem3A_1303, %lt3A_1306 : i32
        %lt3A_1308 = arith.constant 0 : i32
        %lt3A_1309 = arith.cmpi slt, %select_n3A_1302, %lt3A_1308 : i32
        %ne3A_1310 = arith.xori %lt3A_1307, %lt3A_1309 : i1
        %and3A_1311 = arith.andi %ne3A_1310, %ne3A_1305 : i1
        %add3A_1312 = arith.addi %rem3A_1303, %select_n3A_1302 : i32
        %select_n3A_1313 = arith.select %and3A_1311, %add3A_1312, %rem3A_1303 : i32
        %mul3A_1314 = arith.constant 16 : i32
        %mul3A_1315 = arith.muli %select_n3A_1313, %mul3A_1314 : i32
        %swap3A_1316 = arith.index_cast %select_n3A_1297 : i32 to index
        %swap3A_1317 = arith.index_cast %mul3A_1315 : i32 to index
        %swap3A_1318 = tpu.vector_load %arg10[%swap3A_1316, %swap3A_1317] {strides = array<i32>} : memref<64x128xf32, #tpu.memory_space<vmem>>, vector<16xf32>,
        tpu.vector_store %arg10[%swap3A_1316, %swap3A_1317], %max3A_1273 {strides = array<i32>} : memref<64x128xf32, #tpu.memory_space<vmem>>, vector<16xf32>,
        %mul3A_1319 = arith.constant 8 : i32
        %mul3A_1320 = arith.muli %add3A_1259, %mul3A_1319 : i32
        %add3A_1321 = arith.addi %mul3A_1320, %and3A_1263 : i32
        %get3A_1322 = arith.index_cast %add3A_1321 : i32 to index
        %get3A_1323 = arith.constant 0 : index
        %get3A_1324 = tpu.vector_load %arg9[%get3A_1322, %get3A_1323] {strides = array<i32>} : memref<256x32xf32, #tpu.memory_space<vmem>>, vector<16xf32>,
        %max3A_1325 = arith.constant 0.000000e+00 : f32
        %max3A_1326 = vector.broadcast %max3A_1325 : f32 to vector<16xf32>
        %max3A_1327 = arith.maximumf %get3A_1324, %max3A_1326 : vector<16xf32>
        %jit3A_1328 = arith.constant 4 : i32
        %div3A_1329 = arith.divsi %add3A_1264, %jit3A_1328 : i32
        %sign3A_1330 = arith.constant 0 : i32
        %sign3A_1331 = arith.cmpi sgt, %add3A_1264, %sign3A_1330 : i32
        %sign3A_1332 = arith.extui %sign3A_1331 : i1 to i32
        %sign3A_1333 = arith.constant 0 : i32
        %sign3A_1334 = arith.cmpi slt, %add3A_1264, %sign3A_1333 : i32
        %sign3A_1335 = arith.extui %sign3A_1334 : i1 to i32
        %sign3A_1336 = arith.subi %sign3A_1332, %sign3A_1335 : i32
        %sign3A_1337 = arith.constant 0 : i32
        %sign3A_1338 = arith.cmpi sgt, %jit3A_1328, %sign3A_1337 : i32
        %sign3A_1339 = arith.extui %sign3A_1338 : i1 to i32
        %sign3A_1340 = arith.constant 0 : i32
        %sign3A_1341 = arith.cmpi slt, %jit3A_1328, %sign3A_1340 : i32
        %sign3A_1342 = arith.extui %sign3A_1341 : i1 to i32
        %sign3A_1343 = arith.subi %sign3A_1339, %sign3A_1342 : i32
        %ne3A_1344 = arith.cmpi ne, %sign3A_1336, %sign3A_1343 : i32
        %rem3A_1345 = arith.remsi %add3A_1264, %jit3A_1328 : i32
        %ne3A_1346 = arith.constant 0 : i32
        %ne3A_1347 = arith.cmpi ne, %rem3A_1345, %ne3A_1346 : i32
        %and3A_1348 = arith.andi %ne3A_1344, %ne3A_1347 : i1
        %sub3A_1349 = arith.constant 1 : i32
        %sub3A_1350 = arith.subi %div3A_1329, %sub3A_1349 : i32
        %select_n3A_1351 = arith.select %and3A_1348, %sub3A_1350, %div3A_1329 : i32
        %jit3A_1352 = arith.constant 4 : i32
        %eq3A_1353 = arith.constant 0 : i32
        %eq3A_1354 = arith.cmpi eq, %jit3A_1352, %eq3A_1353 : i32
        %jit3A_1355 = arith.constant 1 : i32
        %select_n3A_1356 = arith.select %eq3A_1354, %jit3A_1355, %jit3A_1352 : i32
        %rem3A_1357 = arith.remsi %add3A_1264, %select_n3A_1356 : i32
        %ne3A_1358 = arith.constant 0 : i32
        %ne3A_1359 = arith.cmpi ne, %rem3A_1357, %ne3A_1358 : i32
        %lt3A_1360 = arith.constant 0 : i32
        %lt3A_1361 = arith.cmpi slt, %rem3A_1357, %lt3A_1360 : i32
        %lt3A_1362 = arith.constant 0 : i32
        %lt3A_1363 = arith.cmpi slt, %select_n3A_1356, %lt3A_1362 : i32
        %ne3A_1364 = arith.xori %lt3A_1361, %lt3A_1363 : i1
        %and3A_1365 = arith.andi %ne3A_1364, %ne3A_1359 : i1
        %add3A_1366 = arith.addi %rem3A_1357, %select_n3A_1356 : i32
        %select_n3A_1367 = arith.select %and3A_1365, %add3A_1366, %rem3A_1357 : i32
        %mul3A_1368 = arith.constant 32 : i32
        %mul3A_1369 = arith.muli %select_n3A_1367, %mul3A_1368 : i32
        %add3A_1370 = arith.constant 0 : i32
        %add3A_1371 = arith.addi %mul3A_1369, %add3A_1370 : i32
        %swap3A_1372 = arith.index_cast %select_n3A_1351 : i32 to index
        %swap3A_1373 = arith.index_cast %add3A_1371 : i32 to index
        %swap3A_1374 = tpu.vector_load %arg11[%swap3A_1372, %swap3A_1373] {strides = array<i32>} : memref<128x128xf32, #tpu.memory_space<vmem>>, vector<16xf32>,
        tpu.vector_store %arg11[%swap3A_1372, %swap3A_1373], %max3A_1327 {strides = array<i32>} : memref<128x128xf32, #tpu.memory_space<vmem>>, vector<16xf32>,
        %mul3A_1375 = arith.constant 8 : i32
        %mul3A_1376 = arith.muli %add3A_1259, %mul3A_1375 : i32
        %add3A_1377 = arith.addi %mul3A_1376, %and3A_1263 : i32
        %get3A_1378 = arith.index_cast %add3A_1377 : i32 to index
        %get3A_1379 = arith.constant 16 : index
        %get3A_1380 = tpu.vector_load %arg9[%get3A_1378, %get3A_1379] {strides = array<i32>} : memref<256x32xf32, #tpu.memory_space<vmem>>, vector<16xf32>,
        %max3A_1381 = arith.constant 0.000000e+00 : f32
        %max3A_1382 = vector.broadcast %max3A_1381 : f32 to vector<16xf32>
        %max3A_1383 = arith.maximumf %get3A_1380, %max3A_1382 : vector<16xf32>
        %jit3A_1384 = arith.constant 4 : i32
        %div3A_1385 = arith.divsi %add3A_1264, %jit3A_1384 : i32
        %sign3A_1386 = arith.constant 0 : i32
        %sign3A_1387 = arith.cmpi sgt, %add3A_1264, %sign3A_1386 : i32
        %sign3A_1388 = arith.extui %sign3A_1387 : i1 to i32
        %sign3A_1389 = arith.constant 0 : i32
        %sign3A_1390 = arith.cmpi slt, %add3A_1264, %sign3A_1389 : i32
        %sign3A_1391 = arith.extui %sign3A_1390 : i1 to i32
        %sign3A_1392 = arith.subi %sign3A_1388, %sign3A_1391 : i32
        %sign3A_1393 = arith.constant 0 : i32
        %sign3A_1394 = arith.cmpi sgt, %jit3A_1384, %sign3A_1393 : i32
        %sign3A_1395 = arith.extui %sign3A_1394 : i1 to i32
        %sign3A_1396 = arith.constant 0 : i32
        %sign3A_1397 = arith.cmpi slt, %jit3A_1384, %sign3A_1396 : i32
        %sign3A_1398 = arith.extui %sign3A_1397 : i1 to i32
        %sign3A_1399 = arith.subi %sign3A_1395, %sign3A_1398 : i32
        %ne3A_1400 = arith.cmpi ne, %sign3A_1392, %sign3A_1399 : i32
        %rem3A_1401 = arith.remsi %add3A_1264, %jit3A_1384 : i32
        %ne3A_1402 = arith.constant 0 : i32
        %ne3A_1403 = arith.cmpi ne, %rem3A_1401, %ne3A_1402 : i32
        %and3A_1404 = arith.andi %ne3A_1400, %ne3A_1403 : i1
        %sub3A_1405 = arith.constant 1 : i32
        %sub3A_1406 = arith.subi %div3A_1385, %sub3A_1405 : i32
        %select_n3A_1407 = arith.select %and3A_1404, %sub3A_1406, %div3A_1385 : i32
        %jit3A_1408 = arith.constant 4 : i32
        %eq3A_1409 = arith.constant 0 : i32
        %eq3A_1410 = arith.cmpi eq, %jit3A_1408, %eq3A_1409 : i32
        %jit3A_1411 = arith.constant 1 : i32
        %select_n3A_1412 = arith.select %eq3A_1410, %jit3A_1411, %jit3A_1408 : i32
        %rem3A_1413 = arith.remsi %add3A_1264, %select_n3A_1412 : i32
        %ne3A_1414 = arith.constant 0 : i32
        %ne3A_1415 = arith.cmpi ne, %rem3A_1413, %ne3A_1414 : i32
        %lt3A_1416 = arith.constant 0 : i32
        %lt3A_1417 = arith.cmpi slt, %rem3A_1413, %lt3A_1416 : i32
        %lt3A_1418 = arith.constant 0 : i32
        %lt3A_1419 = arith.cmpi slt, %select_n3A_1412, %lt3A_1418 : i32
        %ne3A_1420 = arith.xori %lt3A_1417, %lt3A_1419 : i1
        %and3A_1421 = arith.andi %ne3A_1420, %ne3A_1415 : i1
        %add3A_1422 = arith.addi %rem3A_1413, %select_n3A_1412 : i32
        %select_n3A_1423 = arith.select %and3A_1421, %add3A_1422, %rem3A_1413 : i32
        %mul3A_1424 = arith.constant 32 : i32
        %mul3A_1425 = arith.muli %select_n3A_1423, %mul3A_1424 : i32
        %add3A_1426 = arith.constant 16 : i32
        %add3A_1427 = arith.addi %mul3A_1425, %add3A_1426 : i32
        %swap3A_1428 = arith.index_cast %select_n3A_1407 : i32 to index
        %swap3A_1429 = arith.index_cast %add3A_1427 : i32 to index
        %swap3A_1430 = tpu.vector_load %arg11[%swap3A_1428, %swap3A_1429] {strides = array<i32>} : memref<128x128xf32, #tpu.memory_space<vmem>>, vector<16xf32>,
        tpu.vector_store %arg11[%swap3A_1428, %swap3A_1429], %max3A_1383 {strides = array<i32>} : memref<128x128xf32, #tpu.memory_space<vmem>>, vector<16xf32>,
        %mul3A_1431 = arith.constant 16 : i32
        %mul3A_1432 = arith.muli %scan3A_40, %mul3A_1431 : i32
        %add3A_1433 = arith.constant 8 : i32
        %add3A_1434 = arith.addi %mul3A_1432, %add3A_1433 : i32
        %slice3A_1435 = vector.extract_strided_slice %get3A_44 {offsets = [8], sizes = [1], strides = [1]} : vector<16xi32> to vector<1xi32>
        %squeeze3A_1436 = vector.extract %slice3A_1435[0] : i32 from vector<1xi32>
        %and3A_1437 = arith.constant 7 : i32
        %and3A_1438 = arith.andi %squeeze3A_1436, %and3A_1437 : i32
        %add3A_1439 = arith.addi %mul3A_16, %add3A_1434 : i32
        %mul3A_1440 = arith.constant 8 : i32
        %mul3A_1441 = arith.muli %add3A_1434, %mul3A_1440 : i32
        %add3A_1442 = arith.addi %mul3A_1441, %and3A_1438 : i32
        %get3A_1443 = arith.index_cast %add3A_1442 : i32 to index
        %get3A_1444 = arith.constant 0 : index
        %get3A_1445 = tpu.vector_load %arg8[%get3A_1443, %get3A_1444] {strides = array<i32>} : memref<256x16xf32, #tpu.memory_space<vmem>>, vector<16xf32>,
        %max3A_1446 = arith.constant 0.000000e+00 : f32
        %max3A_1447 = vector.broadcast %max3A_1446 : f32 to vector<16xf32>
        %max3A_1448 = arith.maximumf %get3A_1445, %max3A_1447 : vector<16xf32>
        %jit3A_1449 = arith.constant 8 : i32
        %div3A_1450 = arith.divsi %add3A_1439, %jit3A_1449 : i32
        %sign3A_1451 = arith.constant 0 : i32
        %sign3A_1452 = arith.cmpi sgt, %add3A_1439, %sign3A_1451 : i32
        %sign3A_1453 = arith.extui %sign3A_1452 : i1 to i32
        %sign3A_1454 = arith.constant 0 : i32
        %sign3A_1455 = arith.cmpi slt, %add3A_1439, %sign3A_1454 : i32
        %sign3A_1456 = arith.extui %sign3A_1455 : i1 to i32
        %sign3A_1457 = arith.subi %sign3A_1453, %sign3A_1456 : i32
        %sign3A_1458 = arith.constant 0 : i32
        %sign3A_1459 = arith.cmpi sgt, %jit3A_1449, %sign3A_1458 : i32
        %sign3A_1460 = arith.extui %sign3A_1459 : i1 to i32
        %sign3A_1461 = arith.constant 0 : i32
        %sign3A_1462 = arith.cmpi slt, %jit3A_1449, %sign3A_1461 : i32
        %sign3A_1463 = arith.extui %sign3A_1462 : i1 to i32
        %sign3A_1464 = arith.subi %sign3A_1460, %sign3A_1463 : i32
        %ne3A_1465 = arith.cmpi ne, %sign3A_1457, %sign3A_1464 : i32
        %rem3A_1466 = arith.remsi %add3A_1439, %jit3A_1449 : i32
        %ne3A_1467 = arith.constant 0 : i32
        %ne3A_1468 = arith.cmpi ne, %rem3A_1466, %ne3A_1467 : i32
        %and3A_1469 = arith.andi %ne3A_1465, %ne3A_1468 : i1
        %sub3A_1470 = arith.constant 1 : i32
        %sub3A_1471 = arith.subi %div3A_1450, %sub3A_1470 : i32
        %select_n3A_1472 = arith.select %and3A_1469, %sub3A_1471, %div3A_1450 : i32
        %jit3A_1473 = arith.constant 8 : i32
        %eq3A_1474 = arith.constant 0 : i32
        %eq3A_1475 = arith.cmpi eq, %jit3A_1473, %eq3A_1474 : i32
        %jit3A_1476 = arith.constant 1 : i32
        %select_n3A_1477 = arith.select %eq3A_1475, %jit3A_1476, %jit3A_1473 : i32
        %rem3A_1478 = arith.remsi %add3A_1439, %select_n3A_1477 : i32
        %ne3A_1479 = arith.constant 0 : i32
        %ne3A_1480 = arith.cmpi ne, %rem3A_1478, %ne3A_1479 : i32
        %lt3A_1481 = arith.constant 0 : i32
        %lt3A_1482 = arith.cmpi slt, %rem3A_1478, %lt3A_1481 : i32
        %lt3A_1483 = arith.constant 0 : i32
        %lt3A_1484 = arith.cmpi slt, %select_n3A_1477, %lt3A_1483 : i32
        %ne3A_1485 = arith.xori %lt3A_1482, %lt3A_1484 : i1
        %and3A_1486 = arith.andi %ne3A_1485, %ne3A_1480 : i1
        %add3A_1487 = arith.addi %rem3A_1478, %select_n3A_1477 : i32
        %select_n3A_1488 = arith.select %and3A_1486, %add3A_1487, %rem3A_1478 : i32
        %mul3A_1489 = arith.constant 16 : i32
        %mul3A_1490 = arith.muli %select_n3A_1488, %mul3A_1489 : i32
        %swap3A_1491 = arith.index_cast %select_n3A_1472 : i32 to index
        %swap3A_1492 = arith.index_cast %mul3A_1490 : i32 to index
        %swap3A_1493 = tpu.vector_load %arg10[%swap3A_1491, %swap3A_1492] {strides = array<i32>} : memref<64x128xf32, #tpu.memory_space<vmem>>, vector<16xf32>,
        tpu.vector_store %arg10[%swap3A_1491, %swap3A_1492], %max3A_1448 {strides = array<i32>} : memref<64x128xf32, #tpu.memory_space<vmem>>, vector<16xf32>,
        %mul3A_1494 = arith.constant 8 : i32
        %mul3A_1495 = arith.muli %add3A_1434, %mul3A_1494 : i32
        %add3A_1496 = arith.addi %mul3A_1495, %and3A_1438 : i32
        %get3A_1497 = arith.index_cast %add3A_1496 : i32 to index
        %get3A_1498 = arith.constant 0 : index
        %get3A_1499 = tpu.vector_load %arg9[%get3A_1497, %get3A_1498] {strides = array<i32>} : memref<256x32xf32, #tpu.memory_space<vmem>>, vector<16xf32>,
        %max3A_1500 = arith.constant 0.000000e+00 : f32
        %max3A_1501 = vector.broadcast %max3A_1500 : f32 to vector<16xf32>
        %max3A_1502 = arith.maximumf %get3A_1499, %max3A_1501 : vector<16xf32>
        %jit3A_1503 = arith.constant 4 : i32
        %div3A_1504 = arith.divsi %add3A_1439, %jit3A_1503 : i32
        %sign3A_1505 = arith.constant 0 : i32
        %sign3A_1506 = arith.cmpi sgt, %add3A_1439, %sign3A_1505 : i32
        %sign3A_1507 = arith.extui %sign3A_1506 : i1 to i32
        %sign3A_1508 = arith.constant 0 : i32
        %sign3A_1509 = arith.cmpi slt, %add3A_1439, %sign3A_1508 : i32
        %sign3A_1510 = arith.extui %sign3A_1509 : i1 to i32
        %sign3A_1511 = arith.subi %sign3A_1507, %sign3A_1510 : i32
        %sign3A_1512 = arith.constant 0 : i32
        %sign3A_1513 = arith.cmpi sgt, %jit3A_1503, %sign3A_1512 : i32
        %sign3A_1514 = arith.extui %sign3A_1513 : i1 to i32
        %sign3A_1515 = arith.constant 0 : i32
        %sign3A_1516 = arith.cmpi slt, %jit3A_1503, %sign3A_1515 : i32
        %sign3A_1517 = arith.extui %sign3A_1516 : i1 to i32
        %sign3A_1518 = arith.subi %sign3A_1514, %sign3A_1517 : i32
        %ne3A_1519 = arith.cmpi ne, %sign3A_1511, %sign3A_1518 : i32
        %rem3A_1520 = arith.remsi %add3A_1439, %jit3A_1503 : i32
        %ne3A_1521 = arith.constant 0 : i32
        %ne3A_1522 = arith.cmpi ne, %rem3A_1520, %ne3A_1521 : i32
        %and3A_1523 = arith.andi %ne3A_1519, %ne3A_1522 : i1
        %sub3A_1524 = arith.constant 1 : i32
        %sub3A_1525 = arith.subi %div3A_1504, %sub3A_1524 : i32
        %select_n3A_1526 = arith.select %and3A_1523, %sub3A_1525, %div3A_1504 : i32
        %jit3A_1527 = arith.constant 4 : i32
        %eq3A_1528 = arith.constant 0 : i32
        %eq3A_1529 = arith.cmpi eq, %jit3A_1527, %eq3A_1528 : i32
        %jit3A_1530 = arith.constant 1 : i32
        %select_n3A_1531 = arith.select %eq3A_1529, %jit3A_1530, %jit3A_1527 : i32
        %rem3A_1532 = arith.remsi %add3A_1439, %select_n3A_1531 : i32
        %ne3A_1533 = arith.constant 0 : i32
        %ne3A_1534 = arith.cmpi ne, %rem3A_1532, %ne3A_1533 : i32
        %lt3A_1535 = arith.constant 0 : i32
        %lt3A_1536 = arith.cmpi slt, %rem3A_1532, %lt3A_1535 : i32
        %lt3A_1537 = arith.constant 0 : i32
        %lt3A_1538 = arith.cmpi slt, %select_n3A_1531, %lt3A_1537 : i32
        %ne3A_1539 = arith.xori %lt3A_1536, %lt3A_1538 : i1
        %and3A_1540 = arith.andi %ne3A_1539, %ne3A_1534 : i1
        %add3A_1541 = arith.addi %rem3A_1532, %select_n3A_1531 : i32
        %select_n3A_1542 = arith.select %and3A_1540, %add3A_1541, %rem3A_1532 : i32
        %mul3A_1543 = arith.constant 32 : i32
        %mul3A_1544 = arith.muli %select_n3A_1542, %mul3A_1543 : i32
        %add3A_1545 = arith.constant 0 : i32
        %add3A_1546 = arith.addi %mul3A_1544, %add3A_1545 : i32
        %swap3A_1547 = arith.index_cast %select_n3A_1526 : i32 to index
        %swap3A_1548 = arith.index_cast %add3A_1546 : i32 to index
        %swap3A_1549 = tpu.vector_load %arg11[%swap3A_1547, %swap3A_1548] {strides = array<i32>} : memref<128x128xf32, #tpu.memory_space<vmem>>, vector<16xf32>,
        tpu.vector_store %arg11[%swap3A_1547, %swap3A_1548], %max3A_1502 {strides = array<i32>} : memref<128x128xf32, #tpu.memory_space<vmem>>, vector<16xf32>,
        %mul3A_1550 = arith.constant 8 : i32
        %mul3A_1551 = arith.muli %add3A_1434, %mul3A_1550 : i32
        %add3A_1552 = arith.addi %mul3A_1551, %and3A_1438 : i32
        %get3A_1553 = arith.index_cast %add3A_1552 : i32 to index
        %get3A_1554 = arith.constant 16 : index
        %get3A_1555 = tpu.vector_load %arg9[%get3A_1553, %get3A_1554] {strides = array<i32>} : memref<256x32xf32, #tpu.memory_space<vmem>>, vector<16xf32>,
        %max3A_1556 = arith.constant 0.000000e+00 : f32
        %max3A_1557 = vector.broadcast %max3A_1556 : f32 to vector<16xf32>
        %max3A_1558 = arith.maximumf %get3A_1555, %max3A_1557 : vector<16xf32>
        %jit3A_1559 = arith.constant 4 : i32
        %div3A_1560 = arith.divsi %add3A_1439, %jit3A_1559 : i32
        %sign3A_1561 = arith.constant 0 : i32
        %sign3A_1562 = arith.cmpi sgt, %add3A_1439, %sign3A_1561 : i32
        %sign3A_1563 = arith.extui %sign3A_1562 : i1 to i32
        %sign3A_1564 = arith.constant 0 : i32
        %sign3A_1565 = arith.cmpi slt, %add3A_1439, %sign3A_1564 : i32
        %sign3A_1566 = arith.extui %sign3A_1565 : i1 to i32
        %sign3A_1567 = arith.subi %sign3A_1563, %sign3A_1566 : i32
        %sign3A_1568 = arith.constant 0 : i32
        %sign3A_1569 = arith.cmpi sgt, %jit3A_1559, %sign3A_1568 : i32
        %sign3A_1570 = arith.extui %sign3A_1569 : i1 to i32
        %sign3A_1571 = arith.constant 0 : i32
        %sign3A_1572 = arith.cmpi slt, %jit3A_1559, %sign3A_1571 : i32
        %sign3A_1573 = arith.extui %sign3A_1572 : i1 to i32
        %sign3A_1574 = arith.subi %sign3A_1570, %sign3A_1573 : i32
        %ne3A_1575 = arith.cmpi ne, %sign3A_1567, %sign3A_1574 : i32
        %rem3A_1576 = arith.remsi %add3A_1439, %jit3A_1559 : i32
        %ne3A_1577 = arith.constant 0 : i32
        %ne3A_1578 = arith.cmpi ne, %rem3A_1576, %ne3A_1577 : i32
        %and3A_1579 = arith.andi %ne3A_1575, %ne3A_1578 : i1
        %sub3A_1580 = arith.constant 1 : i32
        %sub3A_1581 = arith.subi %div3A_1560, %sub3A_1580 : i32
        %select_n3A_1582 = arith.select %and3A_1579, %sub3A_1581, %div3A_1560 : i32
        %jit3A_1583 = arith.constant 4 : i32
        %eq3A_1584 = arith.constant 0 : i32
        %eq3A_1585 = arith.cmpi eq, %jit3A_1583, %eq3A_1584 : i32
        %jit3A_1586 = arith.constant 1 : i32
        %select_n3A_1587 = arith.select %eq3A_1585, %jit3A_1586, %jit3A_1583 : i32
        %rem3A_1588 = arith.remsi %add3A_1439, %select_n3A_1587 : i32
        %ne3A_1589 = arith.constant 0 : i32
        %ne3A_1590 = arith.cmpi ne, %rem3A_1588, %ne3A_1589 : i32
        %lt3A_1591 = arith.constant 0 : i32
        %lt3A_1592 = arith.cmpi slt, %rem3A_1588, %lt3A_1591 : i32
        %lt3A_1593 = arith.constant 0 : i32
        %lt3A_1594 = arith.cmpi slt, %select_n3A_1587, %lt3A_1593 : i32
        %ne3A_1595 = arith.xori %lt3A_1592, %lt3A_1594 : i1
        %and3A_1596 = arith.andi %ne3A_1595, %ne3A_1590 : i1
        %add3A_1597 = arith.addi %rem3A_1588, %select_n3A_1587 : i32
        %select_n3A_1598 = arith.select %and3A_1596, %add3A_1597, %rem3A_1588 : i32
        %mul3A_1599 = arith.constant 32 : i32
        %mul3A_1600 = arith.muli %select_n3A_1598, %mul3A_1599 : i32
        %add3A_1601 = arith.constant 16 : i32
        %add3A_1602 = arith.addi %mul3A_1600, %add3A_1601 : i32
        %swap3A_1603 = arith.index_cast %select_n3A_1582 : i32 to index
        %swap3A_1604 = arith.index_cast %add3A_1602 : i32 to index
        %swap3A_1605 = tpu.vector_load %arg11[%swap3A_1603, %swap3A_1604] {strides = array<i32>} : memref<128x128xf32, #tpu.memory_space<vmem>>, vector<16xf32>,
        tpu.vector_store %arg11[%swap3A_1603, %swap3A_1604], %max3A_1558 {strides = array<i32>} : memref<128x128xf32, #tpu.memory_space<vmem>>, vector<16xf32>,
        %mul3A_1606 = arith.constant 16 : i32
        %mul3A_1607 = arith.muli %scan3A_40, %mul3A_1606 : i32
        %add3A_1608 = arith.constant 9 : i32
        %add3A_1609 = arith.addi %mul3A_1607, %add3A_1608 : i32
        %slice3A_1610 = vector.extract_strided_slice %get3A_44 {offsets = [9], sizes = [1], strides = [1]} : vector<16xi32> to vector<1xi32>
        %squeeze3A_1611 = vector.extract %slice3A_1610[0] : i32 from vector<1xi32>
        %and3A_1612 = arith.constant 7 : i32
        %and3A_1613 = arith.andi %squeeze3A_1611, %and3A_1612 : i32
        %add3A_1614 = arith.addi %mul3A_16, %add3A_1609 : i32
        %mul3A_1615 = arith.constant 8 : i32
        %mul3A_1616 = arith.muli %add3A_1609, %mul3A_1615 : i32
        %add3A_1617 = arith.addi %mul3A_1616, %and3A_1613 : i32
        %get3A_1618 = arith.index_cast %add3A_1617 : i32 to index
        %get3A_1619 = arith.constant 0 : index
        %get3A_1620 = tpu.vector_load %arg8[%get3A_1618, %get3A_1619] {strides = array<i32>} : memref<256x16xf32, #tpu.memory_space<vmem>>, vector<16xf32>,
        %max3A_1621 = arith.constant 0.000000e+00 : f32
        %max3A_1622 = vector.broadcast %max3A_1621 : f32 to vector<16xf32>
        %max3A_1623 = arith.maximumf %get3A_1620, %max3A_1622 : vector<16xf32>
        %jit3A_1624 = arith.constant 8 : i32
        %div3A_1625 = arith.divsi %add3A_1614, %jit3A_1624 : i32
        %sign3A_1626 = arith.constant 0 : i32
        %sign3A_1627 = arith.cmpi sgt, %add3A_1614, %sign3A_1626 : i32
        %sign3A_1628 = arith.extui %sign3A_1627 : i1 to i32
        %sign3A_1629 = arith.constant 0 : i32
        %sign3A_1630 = arith.cmpi slt, %add3A_1614, %sign3A_1629 : i32
        %sign3A_1631 = arith.extui %sign3A_1630 : i1 to i32
        %sign3A_1632 = arith.subi %sign3A_1628, %sign3A_1631 : i32
        %sign3A_1633 = arith.constant 0 : i32
        %sign3A_1634 = arith.cmpi sgt, %jit3A_1624, %sign3A_1633 : i32
        %sign3A_1635 = arith.extui %sign3A_1634 : i1 to i32
        %sign3A_1636 = arith.constant 0 : i32
        %sign3A_1637 = arith.cmpi slt, %jit3A_1624, %sign3A_1636 : i32
        %sign3A_1638 = arith.extui %sign3A_1637 : i1 to i32
        %sign3A_1639 = arith.subi %sign3A_1635, %sign3A_1638 : i32
        %ne3A_1640 = arith.cmpi ne, %sign3A_1632, %sign3A_1639 : i32
        %rem3A_1641 = arith.remsi %add3A_1614, %jit3A_1624 : i32
        %ne3A_1642 = arith.constant 0 : i32
        %ne3A_1643 = arith.cmpi ne, %rem3A_1641, %ne3A_1642 : i32
        %and3A_1644 = arith.andi %ne3A_1640, %ne3A_1643 : i1
        %sub3A_1645 = arith.constant 1 : i32
        %sub3A_1646 = arith.subi %div3A_1625, %sub3A_1645 : i32
        %select_n3A_1647 = arith.select %and3A_1644, %sub3A_1646, %div3A_1625 : i32
        %jit3A_1648 = arith.constant 8 : i32
        %eq3A_1649 = arith.constant 0 : i32
        %eq3A_1650 = arith.cmpi eq, %jit3A_1648, %eq3A_1649 : i32
        %jit3A_1651 = arith.constant 1 : i32
        %select_n3A_1652 = arith.select %eq3A_1650, %jit3A_1651, %jit3A_1648 : i32
        %rem3A_1653 = arith.remsi %add3A_1614, %select_n3A_1652 : i32
        %ne3A_1654 = arith.constant 0 : i32
        %ne3A_1655 = arith.cmpi ne, %rem3A_1653, %ne3A_1654 : i32
        %lt3A_1656 = arith.constant 0 : i32
        %lt3A_1657 = arith.cmpi slt, %rem3A_1653, %lt3A_1656 : i32
        %lt3A_1658 = arith.constant 0 : i32
        %lt3A_1659 = arith.cmpi slt, %select_n3A_1652, %lt3A_1658 : i32
        %ne3A_1660 = arith.xori %lt3A_1657, %lt3A_1659 : i1
        %and3A_1661 = arith.andi %ne3A_1660, %ne3A_1655 : i1
        %add3A_1662 = arith.addi %rem3A_1653, %select_n3A_1652 : i32
        %select_n3A_1663 = arith.select %and3A_1661, %add3A_1662, %rem3A_1653 : i32
        %mul3A_1664 = arith.constant 16 : i32
        %mul3A_1665 = arith.muli %select_n3A_1663, %mul3A_1664 : i32
        %swap3A_1666 = arith.index_cast %select_n3A_1647 : i32 to index
        %swap3A_1667 = arith.index_cast %mul3A_1665 : i32 to index
        %swap3A_1668 = tpu.vector_load %arg10[%swap3A_1666, %swap3A_1667] {strides = array<i32>} : memref<64x128xf32, #tpu.memory_space<vmem>>, vector<16xf32>,
        tpu.vector_store %arg10[%swap3A_1666, %swap3A_1667], %max3A_1623 {strides = array<i32>} : memref<64x128xf32, #tpu.memory_space<vmem>>, vector<16xf32>,
        %mul3A_1669 = arith.constant 8 : i32
        %mul3A_1670 = arith.muli %add3A_1609, %mul3A_1669 : i32
        %add3A_1671 = arith.addi %mul3A_1670, %and3A_1613 : i32
        %get3A_1672 = arith.index_cast %add3A_1671 : i32 to index
        %get3A_1673 = arith.constant 0 : index
        %get3A_1674 = tpu.vector_load %arg9[%get3A_1672, %get3A_1673] {strides = array<i32>} : memref<256x32xf32, #tpu.memory_space<vmem>>, vector<16xf32>,
        %max3A_1675 = arith.constant 0.000000e+00 : f32
        %max3A_1676 = vector.broadcast %max3A_1675 : f32 to vector<16xf32>
        %max3A_1677 = arith.maximumf %get3A_1674, %max3A_1676 : vector<16xf32>
        %jit3A_1678 = arith.constant 4 : i32
        %div3A_1679 = arith.divsi %add3A_1614, %jit3A_1678 : i32
        %sign3A_1680 = arith.constant 0 : i32
        %sign3A_1681 = arith.cmpi sgt, %add3A_1614, %sign3A_1680 : i32
        %sign3A_1682 = arith.extui %sign3A_1681 : i1 to i32
        %sign3A_1683 = arith.constant 0 : i32
        %sign3A_1684 = arith.cmpi slt, %add3A_1614, %sign3A_1683 : i32
        %sign3A_1685 = arith.extui %sign3A_1684 : i1 to i32
        %sign3A_1686 = arith.subi %sign3A_1682, %sign3A_1685 : i32
        %sign3A_1687 = arith.constant 0 : i32
        %sign3A_1688 = arith.cmpi sgt, %jit3A_1678, %sign3A_1687 : i32
        %sign3A_1689 = arith.extui %sign3A_1688 : i1 to i32
        %sign3A_1690 = arith.constant 0 : i32
        %sign3A_1691 = arith.cmpi slt, %jit3A_1678, %sign3A_1690 : i32
        %sign3A_1692 = arith.extui %sign3A_1691 : i1 to i32
        %sign3A_1693 = arith.subi %sign3A_1689, %sign3A_1692 : i32
        %ne3A_1694 = arith.cmpi ne, %sign3A_1686, %sign3A_1693 : i32
        %rem3A_1695 = arith.remsi %add3A_1614, %jit3A_1678 : i32
        %ne3A_1696 = arith.constant 0 : i32
        %ne3A_1697 = arith.cmpi ne, %rem3A_1695, %ne3A_1696 : i32
        %and3A_1698 = arith.andi %ne3A_1694, %ne3A_1697 : i1
        %sub3A_1699 = arith.constant 1 : i32
        %sub3A_1700 = arith.subi %div3A_1679, %sub3A_1699 : i32
        %select_n3A_1701 = arith.select %and3A_1698, %sub3A_1700, %div3A_1679 : i32
        %jit3A_1702 = arith.constant 4 : i32
        %eq3A_1703 = arith.constant 0 : i32
        %eq3A_1704 = arith.cmpi eq, %jit3A_1702, %eq3A_1703 : i32
        %jit3A_1705 = arith.constant 1 : i32
        %select_n3A_1706 = arith.select %eq3A_1704, %jit3A_1705, %jit3A_1702 : i32
        %rem3A_1707 = arith.remsi %add3A_1614, %select_n3A_1706 : i32
        %ne3A_1708 = arith.constant 0 : i32
        %ne3A_1709 = arith.cmpi ne, %rem3A_1707, %ne3A_1708 : i32
        %lt3A_1710 = arith.constant 0 : i32
        %lt3A_1711 = arith.cmpi slt, %rem3A_1707, %lt3A_1710 : i32
        %lt3A_1712 = arith.constant 0 : i32
        %lt3A_1713 = arith.cmpi slt, %select_n3A_1706, %lt3A_1712 : i32
        %ne3A_1714 = arith.xori %lt3A_1711, %lt3A_1713 : i1
        %and3A_1715 = arith.andi %ne3A_1714, %ne3A_1709 : i1
        %add3A_1716 = arith.addi %rem3A_1707, %select_n3A_1706 : i32
        %select_n3A_1717 = arith.select %and3A_1715, %add3A_1716, %rem3A_1707 : i32
        %mul3A_1718 = arith.constant 32 : i32
        %mul3A_1719 = arith.muli %select_n3A_1717, %mul3A_1718 : i32
        %add3A_1720 = arith.constant 0 : i32
        %add3A_1721 = arith.addi %mul3A_1719, %add3A_1720 : i32
        %swap3A_1722 = arith.index_cast %select_n3A_1701 : i32 to index
        %swap3A_1723 = arith.index_cast %add3A_1721 : i32 to index
        %swap3A_1724 = tpu.vector_load %arg11[%swap3A_1722, %swap3A_1723] {strides = array<i32>} : memref<128x128xf32, #tpu.memory_space<vmem>>, vector<16xf32>,
        tpu.vector_store %arg11[%swap3A_1722, %swap3A_1723], %max3A_1677 {strides = array<i32>} : memref<128x128xf32, #tpu.memory_space<vmem>>, vector<16xf32>,
        %mul3A_1725 = arith.constant 8 : i32
        %mul3A_1726 = arith.muli %add3A_1609, %mul3A_1725 : i32
        %add3A_1727 = arith.addi %mul3A_1726, %and3A_1613 : i32
        %get3A_1728 = arith.index_cast %add3A_1727 : i32 to index
        %get3A_1729 = arith.constant 16 : index
        %get3A_1730 = tpu.vector_load %arg9[%get3A_1728, %get3A_1729] {strides = array<i32>} : memref<256x32xf32, #tpu.memory_space<vmem>>, vector<16xf32>,
        %max3A_1731 = arith.constant 0.000000e+00 : f32
        %max3A_1732 = vector.broadcast %max3A_1731 : f32 to vector<16xf32>
        %max3A_1733 = arith.maximumf %get3A_1730, %max3A_1732 : vector<16xf32>
        %jit3A_1734 = arith.constant 4 : i32
        %div3A_1735 = arith.divsi %add3A_1614, %jit3A_1734 : i32
        %sign3A_1736 = arith.constant 0 : i32
        %sign3A_1737 = arith.cmpi sgt, %add3A_1614, %sign3A_1736 : i32
        %sign3A_1738 = arith.extui %sign3A_1737 : i1 to i32
        %sign3A_1739 = arith.constant 0 : i32
        %sign3A_1740 = arith.cmpi slt, %add3A_1614, %sign3A_1739 : i32
        %sign3A_1741 = arith.extui %sign3A_1740 : i1 to i32
        %sign3A_1742 = arith.subi %sign3A_1738, %sign3A_1741 : i32
        %sign3A_1743 = arith.constant 0 : i32
        %sign3A_1744 = arith.cmpi sgt, %jit3A_1734, %sign3A_1743 : i32
        %sign3A_1745 = arith.extui %sign3A_1744 : i1 to i32
        %sign3A_1746 = arith.constant 0 : i32
        %sign3A_1747 = arith.cmpi slt, %jit3A_1734, %sign3A_1746 : i32
        %sign3A_1748 = arith.extui %sign3A_1747 : i1 to i32
        %sign3A_1749 = arith.subi %sign3A_1745, %sign3A_1748 : i32
        %ne3A_1750 = arith.cmpi ne, %sign3A_1742, %sign3A_1749 : i32
        %rem3A_1751 = arith.remsi %add3A_1614, %jit3A_1734 : i32
        %ne3A_1752 = arith.constant 0 : i32
        %ne3A_1753 = arith.cmpi ne, %rem3A_1751, %ne3A_1752 : i32
        %and3A_1754 = arith.andi %ne3A_1750, %ne3A_1753 : i1
        %sub3A_1755 = arith.constant 1 : i32
        %sub3A_1756 = arith.subi %div3A_1735, %sub3A_1755 : i32
        %select_n3A_1757 = arith.select %and3A_1754, %sub3A_1756, %div3A_1735 : i32
        %jit3A_1758 = arith.constant 4 : i32
        %eq3A_1759 = arith.constant 0 : i32
        %eq3A_1760 = arith.cmpi eq, %jit3A_1758, %eq3A_1759 : i32
        %jit3A_1761 = arith.constant 1 : i32
        %select_n3A_1762 = arith.select %eq3A_1760, %jit3A_1761, %jit3A_1758 : i32
        %rem3A_1763 = arith.remsi %add3A_1614, %select_n3A_1762 : i32
        %ne3A_1764 = arith.constant 0 : i32
        %ne3A_1765 = arith.cmpi ne, %rem3A_1763, %ne3A_1764 : i32
        %lt3A_1766 = arith.constant 0 : i32
        %lt3A_1767 = arith.cmpi slt, %rem3A_1763, %lt3A_1766 : i32
        %lt3A_1768 = arith.constant 0 : i32
        %lt3A_1769 = arith.cmpi slt, %select_n3A_1762, %lt3A_1768 : i32
        %ne3A_1770 = arith.xori %lt3A_1767, %lt3A_1769 : i1
        %and3A_1771 = arith.andi %ne3A_1770, %ne3A_1765 : i1
        %add3A_1772 = arith.addi %rem3A_1763, %select_n3A_1762 : i32
        %select_n3A_1773 = arith.select %and3A_1771, %add3A_1772, %rem3A_1763 : i32
        %mul3A_1774 = arith.constant 32 : i32
        %mul3A_1775 = arith.muli %select_n3A_1773, %mul3A_1774 : i32
        %add3A_1776 = arith.constant 16 : i32
        %add3A_1777 = arith.addi %mul3A_1775, %add3A_1776 : i32
        %swap3A_1778 = arith.index_cast %select_n3A_1757 : i32 to index
        %swap3A_1779 = arith.index_cast %add3A_1777 : i32 to index
        %swap3A_1780 = tpu.vector_load %arg11[%swap3A_1778, %swap3A_1779] {strides = array<i32>} : memref<128x128xf32, #tpu.memory_space<vmem>>, vector<16xf32>,
        tpu.vector_store %arg11[%swap3A_1778, %swap3A_1779], %max3A_1733 {strides = array<i32>} : memref<128x128xf32, #tpu.memory_space<vmem>>, vector<16xf32>,
        %mul3A_1781 = arith.constant 16 : i32
        %mul3A_1782 = arith.muli %scan3A_40, %mul3A_1781 : i32
        %add3A_1783 = arith.constant 10 : i32
        %add3A_1784 = arith.addi %mul3A_1782, %add3A_1783 : i32
        %slice3A_1785 = vector.extract_strided_slice %get3A_44 {offsets = [10], sizes = [1], strides = [1]} : vector<16xi32> to vector<1xi32>
        %squeeze3A_1786 = vector.extract %slice3A_1785[0] : i32 from vector<1xi32>
        %and3A_1787 = arith.constant 7 : i32
        %and3A_1788 = arith.andi %squeeze3A_1786, %and3A_1787 : i32
        %add3A_1789 = arith.addi %mul3A_16, %add3A_1784 : i32
        %mul3A_1790 = arith.constant 8 : i32
        %mul3A_1791 = arith.muli %add3A_1784, %mul3A_1790 : i32
        %add3A_1792 = arith.addi %mul3A_1791, %and3A_1788 : i32
        %get3A_1793 = arith.index_cast %add3A_1792 : i32 to index
        %get3A_1794 = arith.constant 0 : index
        %get3A_1795 = tpu.vector_load %arg8[%get3A_1793, %get3A_1794] {strides = array<i32>} : memref<256x16xf32, #tpu.memory_space<vmem>>, vector<16xf32>,
        %max3A_1796 = arith.constant 0.000000e+00 : f32
        %max3A_1797 = vector.broadcast %max3A_1796 : f32 to vector<16xf32>
        %max3A_1798 = arith.maximumf %get3A_1795, %max3A_1797 : vector<16xf32>
        %jit3A_1799 = arith.constant 8 : i32
        %div3A_1800 = arith.divsi %add3A_1789, %jit3A_1799 : i32
        %sign3A_1801 = arith.constant 0 : i32
        %sign3A_1802 = arith.cmpi sgt, %add3A_1789, %sign3A_1801 : i32
        %sign3A_1803 = arith.extui %sign3A_1802 : i1 to i32
        %sign3A_1804 = arith.constant 0 : i32
        %sign3A_1805 = arith.cmpi slt, %add3A_1789, %sign3A_1804 : i32
        %sign3A_1806 = arith.extui %sign3A_1805 : i1 to i32
        %sign3A_1807 = arith.subi %sign3A_1803, %sign3A_1806 : i32
        %sign3A_1808 = arith.constant 0 : i32
        %sign3A_1809 = arith.cmpi sgt, %jit3A_1799, %sign3A_1808 : i32
        %sign3A_1810 = arith.extui %sign3A_1809 : i1 to i32
        %sign3A_1811 = arith.constant 0 : i32
        %sign3A_1812 = arith.cmpi slt, %jit3A_1799, %sign3A_1811 : i32
        %sign3A_1813 = arith.extui %sign3A_1812 : i1 to i32
        %sign3A_1814 = arith.subi %sign3A_1810, %sign3A_1813 : i32
        %ne3A_1815 = arith.cmpi ne, %sign3A_1807, %sign3A_1814 : i32
        %rem3A_1816 = arith.remsi %add3A_1789, %jit3A_1799 : i32
        %ne3A_1817 = arith.constant 0 : i32
        %ne3A_1818 = arith.cmpi ne, %rem3A_1816, %ne3A_1817 : i32
        %and3A_1819 = arith.andi %ne3A_1815, %ne3A_1818 : i1
        %sub3A_1820 = arith.constant 1 : i32
        %sub3A_1821 = arith.subi %div3A_1800, %sub3A_1820 : i32
        %select_n3A_1822 = arith.select %and3A_1819, %sub3A_1821, %div3A_1800 : i32
        %jit3A_1823 = arith.constant 8 : i32
        %eq3A_1824 = arith.constant 0 : i32
        %eq3A_1825 = arith.cmpi eq, %jit3A_1823, %eq3A_1824 : i32
        %jit3A_1826 = arith.constant 1 : i32
        %select_n3A_1827 = arith.select %eq3A_1825, %jit3A_1826, %jit3A_1823 : i32
        %rem3A_1828 = arith.remsi %add3A_1789, %select_n3A_1827 : i32
        %ne3A_1829 = arith.constant 0 : i32
        %ne3A_1830 = arith.cmpi ne, %rem3A_1828, %ne3A_1829 : i32
        %lt3A_1831 = arith.constant 0 : i32
        %lt3A_1832 = arith.cmpi slt, %rem3A_1828, %lt3A_1831 : i32
        %lt3A_1833 = arith.constant 0 : i32
        %lt3A_1834 = arith.cmpi slt, %select_n3A_1827, %lt3A_1833 : i32
        %ne3A_1835 = arith.xori %lt3A_1832, %lt3A_1834 : i1
        %and3A_1836 = arith.andi %ne3A_1835, %ne3A_1830 : i1
        %add3A_1837 = arith.addi %rem3A_1828, %select_n3A_1827 : i32
        %select_n3A_1838 = arith.select %and3A_1836, %add3A_1837, %rem3A_1828 : i32
        %mul3A_1839 = arith.constant 16 : i32
        %mul3A_1840 = arith.muli %select_n3A_1838, %mul3A_1839 : i32
        %swap3A_1841 = arith.index_cast %select_n3A_1822 : i32 to index
        %swap3A_1842 = arith.index_cast %mul3A_1840 : i32 to index
        %swap3A_1843 = tpu.vector_load %arg10[%swap3A_1841, %swap3A_1842] {strides = array<i32>} : memref<64x128xf32, #tpu.memory_space<vmem>>, vector<16xf32>,
        tpu.vector_store %arg10[%swap3A_1841, %swap3A_1842], %max3A_1798 {strides = array<i32>} : memref<64x128xf32, #tpu.memory_space<vmem>>, vector<16xf32>,
        %mul3A_1844 = arith.constant 8 : i32
        %mul3A_1845 = arith.muli %add3A_1784, %mul3A_1844 : i32
        %add3A_1846 = arith.addi %mul3A_1845, %and3A_1788 : i32
        %get3A_1847 = arith.index_cast %add3A_1846 : i32 to index
        %get3A_1848 = arith.constant 0 : index
        %get3A_1849 = tpu.vector_load %arg9[%get3A_1847, %get3A_1848] {strides = array<i32>} : memref<256x32xf32, #tpu.memory_space<vmem>>, vector<16xf32>,
        %max3A_1850 = arith.constant 0.000000e+00 : f32
        %max3A_1851 = vector.broadcast %max3A_1850 : f32 to vector<16xf32>
        %max3A_1852 = arith.maximumf %get3A_1849, %max3A_1851 : vector<16xf32>
        %jit3A_1853 = arith.constant 4 : i32
        %div3A_1854 = arith.divsi %add3A_1789, %jit3A_1853 : i32
        %sign3A_1855 = arith.constant 0 : i32
        %sign3A_1856 = arith.cmpi sgt, %add3A_1789, %sign3A_1855 : i32
        %sign3A_1857 = arith.extui %sign3A_1856 : i1 to i32
        %sign3A_1858 = arith.constant 0 : i32
        %sign3A_1859 = arith.cmpi slt, %add3A_1789, %sign3A_1858 : i32
        %sign3A_1860 = arith.extui %sign3A_1859 : i1 to i32
        %sign3A_1861 = arith.subi %sign3A_1857, %sign3A_1860 : i32
        %sign3A_1862 = arith.constant 0 : i32
        %sign3A_1863 = arith.cmpi sgt, %jit3A_1853, %sign3A_1862 : i32
        %sign3A_1864 = arith.extui %sign3A_1863 : i1 to i32
        %sign3A_1865 = arith.constant 0 : i32
        %sign3A_1866 = arith.cmpi slt, %jit3A_1853, %sign3A_1865 : i32
        %sign3A_1867 = arith.extui %sign3A_1866 : i1 to i32
        %sign3A_1868 = arith.subi %sign3A_1864, %sign3A_1867 : i32
        %ne3A_1869 = arith.cmpi ne, %sign3A_1861, %sign3A_1868 : i32
        %rem3A_1870 = arith.remsi %add3A_1789, %jit3A_1853 : i32
        %ne3A_1871 = arith.constant 0 : i32
        %ne3A_1872 = arith.cmpi ne, %rem3A_1870, %ne3A_1871 : i32
        %and3A_1873 = arith.andi %ne3A_1869, %ne3A_1872 : i1
        %sub3A_1874 = arith.constant 1 : i32
        %sub3A_1875 = arith.subi %div3A_1854, %sub3A_1874 : i32
        %select_n3A_1876 = arith.select %and3A_1873, %sub3A_1875, %div3A_1854 : i32
        %jit3A_1877 = arith.constant 4 : i32
        %eq3A_1878 = arith.constant 0 : i32
        %eq3A_1879 = arith.cmpi eq, %jit3A_1877, %eq3A_1878 : i32
        %jit3A_1880 = arith.constant 1 : i32
        %select_n3A_1881 = arith.select %eq3A_1879, %jit3A_1880, %jit3A_1877 : i32
        %rem3A_1882 = arith.remsi %add3A_1789, %select_n3A_1881 : i32
        %ne3A_1883 = arith.constant 0 : i32
        %ne3A_1884 = arith.cmpi ne, %rem3A_1882, %ne3A_1883 : i32
        %lt3A_1885 = arith.constant 0 : i32
        %lt3A_1886 = arith.cmpi slt, %rem3A_1882, %lt3A_1885 : i32
        %lt3A_1887 = arith.constant 0 : i32
        %lt3A_1888 = arith.cmpi slt, %select_n3A_1881, %lt3A_1887 : i32
        %ne3A_1889 = arith.xori %lt3A_1886, %lt3A_1888 : i1
        %and3A_1890 = arith.andi %ne3A_1889, %ne3A_1884 : i1
        %add3A_1891 = arith.addi %rem3A_1882, %select_n3A_1881 : i32
        %select_n3A_1892 = arith.select %and3A_1890, %add3A_1891, %rem3A_1882 : i32
        %mul3A_1893 = arith.constant 32 : i32
        %mul3A_1894 = arith.muli %select_n3A_1892, %mul3A_1893 : i32
        %add3A_1895 = arith.constant 0 : i32
        %add3A_1896 = arith.addi %mul3A_1894, %add3A_1895 : i32
        %swap3A_1897 = arith.index_cast %select_n3A_1876 : i32 to index
        %swap3A_1898 = arith.index_cast %add3A_1896 : i32 to index
        %swap3A_1899 = tpu.vector_load %arg11[%swap3A_1897, %swap3A_1898] {strides = array<i32>} : memref<128x128xf32, #tpu.memory_space<vmem>>, vector<16xf32>,
        tpu.vector_store %arg11[%swap3A_1897, %swap3A_1898], %max3A_1852 {strides = array<i32>} : memref<128x128xf32, #tpu.memory_space<vmem>>, vector<16xf32>,
        %mul3A_1900 = arith.constant 8 : i32
        %mul3A_1901 = arith.muli %add3A_1784, %mul3A_1900 : i32
        %add3A_1902 = arith.addi %mul3A_1901, %and3A_1788 : i32
        %get3A_1903 = arith.index_cast %add3A_1902 : i32 to index
        %get3A_1904 = arith.constant 16 : index
        %get3A_1905 = tpu.vector_load %arg9[%get3A_1903, %get3A_1904] {strides = array<i32>} : memref<256x32xf32, #tpu.memory_space<vmem>>, vector<16xf32>,
        %max3A_1906 = arith.constant 0.000000e+00 : f32
        %max3A_1907 = vector.broadcast %max3A_1906 : f32 to vector<16xf32>
        %max3A_1908 = arith.maximumf %get3A_1905, %max3A_1907 : vector<16xf32>
        %jit3A_1909 = arith.constant 4 : i32
        %div3A_1910 = arith.divsi %add3A_1789, %jit3A_1909 : i32
        %sign3A_1911 = arith.constant 0 : i32
        %sign3A_1912 = arith.cmpi sgt, %add3A_1789, %sign3A_1911 : i32
        %sign3A_1913 = arith.extui %sign3A_1912 : i1 to i32
        %sign3A_1914 = arith.constant 0 : i32
        %sign3A_1915 = arith.cmpi slt, %add3A_1789, %sign3A_1914 : i32
        %sign3A_1916 = arith.extui %sign3A_1915 : i1 to i32
        %sign3A_1917 = arith.subi %sign3A_1913, %sign3A_1916 : i32
        %sign3A_1918 = arith.constant 0 : i32
        %sign3A_1919 = arith.cmpi sgt, %jit3A_1909, %sign3A_1918 : i32
        %sign3A_1920 = arith.extui %sign3A_1919 : i1 to i32
        %sign3A_1921 = arith.constant 0 : i32
        %sign3A_1922 = arith.cmpi slt, %jit3A_1909, %sign3A_1921 : i32
        %sign3A_1923 = arith.extui %sign3A_1922 : i1 to i32
        %sign3A_1924 = arith.subi %sign3A_1920, %sign3A_1923 : i32
        %ne3A_1925 = arith.cmpi ne, %sign3A_1917, %sign3A_1924 : i32
        %rem3A_1926 = arith.remsi %add3A_1789, %jit3A_1909 : i32
        %ne3A_1927 = arith.constant 0 : i32
        %ne3A_1928 = arith.cmpi ne, %rem3A_1926, %ne3A_1927 : i32
        %and3A_1929 = arith.andi %ne3A_1925, %ne3A_1928 : i1
        %sub3A_1930 = arith.constant 1 : i32
        %sub3A_1931 = arith.subi %div3A_1910, %sub3A_1930 : i32
        %select_n3A_1932 = arith.select %and3A_1929, %sub3A_1931, %div3A_1910 : i32
        %jit3A_1933 = arith.constant 4 : i32
        %eq3A_1934 = arith.constant 0 : i32
        %eq3A_1935 = arith.cmpi eq, %jit3A_1933, %eq3A_1934 : i32
        %jit3A_1936 = arith.constant 1 : i32
        %select_n3A_1937 = arith.select %eq3A_1935, %jit3A_1936, %jit3A_1933 : i32
        %rem3A_1938 = arith.remsi %add3A_1789, %select_n3A_1937 : i32
        %ne3A_1939 = arith.constant 0 : i32
        %ne3A_1940 = arith.cmpi ne, %rem3A_1938, %ne3A_1939 : i32
        %lt3A_1941 = arith.constant 0 : i32
        %lt3A_1942 = arith.cmpi slt, %rem3A_1938, %lt3A_1941 : i32
        %lt3A_1943 = arith.constant 0 : i32
        %lt3A_1944 = arith.cmpi slt, %select_n3A_1937, %lt3A_1943 : i32
        %ne3A_1945 = arith.xori %lt3A_1942, %lt3A_1944 : i1
        %and3A_1946 = arith.andi %ne3A_1945, %ne3A_1940 : i1
        %add3A_1947 = arith.addi %rem3A_1938, %select_n3A_1937 : i32
        %select_n3A_1948 = arith.select %and3A_1946, %add3A_1947, %rem3A_1938 : i32
        %mul3A_1949 = arith.constant 32 : i32
        %mul3A_1950 = arith.muli %select_n3A_1948, %mul3A_1949 : i32
        %add3A_1951 = arith.constant 16 : i32
        %add3A_1952 = arith.addi %mul3A_1950, %add3A_1951 : i32
        %swap3A_1953 = arith.index_cast %select_n3A_1932 : i32 to index
        %swap3A_1954 = arith.index_cast %add3A_1952 : i32 to index
        %swap3A_1955 = tpu.vector_load %arg11[%swap3A_1953, %swap3A_1954] {strides = array<i32>} : memref<128x128xf32, #tpu.memory_space<vmem>>, vector<16xf32>,
        tpu.vector_store %arg11[%swap3A_1953, %swap3A_1954], %max3A_1908 {strides = array<i32>} : memref<128x128xf32, #tpu.memory_space<vmem>>, vector<16xf32>,
        %mul3A_1956 = arith.constant 16 : i32
        %mul3A_1957 = arith.muli %scan3A_40, %mul3A_1956 : i32
        %add3A_1958 = arith.constant 11 : i32
        %add3A_1959 = arith.addi %mul3A_1957, %add3A_1958 : i32
        %slice3A_1960 = vector.extract_strided_slice %get3A_44 {offsets = [11], sizes = [1], strides = [1]} : vector<16xi32> to vector<1xi32>
        %squeeze3A_1961 = vector.extract %slice3A_1960[0] : i32 from vector<1xi32>
        %and3A_1962 = arith.constant 7 : i32
        %and3A_1963 = arith.andi %squeeze3A_1961, %and3A_1962 : i32
        %add3A_1964 = arith.addi %mul3A_16, %add3A_1959 : i32
        %mul3A_1965 = arith.constant 8 : i32
        %mul3A_1966 = arith.muli %add3A_1959, %mul3A_1965 : i32
        %add3A_1967 = arith.addi %mul3A_1966, %and3A_1963 : i32
        %get3A_1968 = arith.index_cast %add3A_1967 : i32 to index
        %get3A_1969 = arith.constant 0 : index
        %get3A_1970 = tpu.vector_load %arg8[%get3A_1968, %get3A_1969] {strides = array<i32>} : memref<256x16xf32, #tpu.memory_space<vmem>>, vector<16xf32>,
        %max3A_1971 = arith.constant 0.000000e+00 : f32
        %max3A_1972 = vector.broadcast %max3A_1971 : f32 to vector<16xf32>
        %max3A_1973 = arith.maximumf %get3A_1970, %max3A_1972 : vector<16xf32>
        %jit3A_1974 = arith.constant 8 : i32
        %div3A_1975 = arith.divsi %add3A_1964, %jit3A_1974 : i32
        %sign3A_1976 = arith.constant 0 : i32
        %sign3A_1977 = arith.cmpi sgt, %add3A_1964, %sign3A_1976 : i32
        %sign3A_1978 = arith.extui %sign3A_1977 : i1 to i32
        %sign3A_1979 = arith.constant 0 : i32
        %sign3A_1980 = arith.cmpi slt, %add3A_1964, %sign3A_1979 : i32
        %sign3A_1981 = arith.extui %sign3A_1980 : i1 to i32
        %sign3A_1982 = arith.subi %sign3A_1978, %sign3A_1981 : i32
        %sign3A_1983 = arith.constant 0 : i32
        %sign3A_1984 = arith.cmpi sgt, %jit3A_1974, %sign3A_1983 : i32
        %sign3A_1985 = arith.extui %sign3A_1984 : i1 to i32
        %sign3A_1986 = arith.constant 0 : i32
        %sign3A_1987 = arith.cmpi slt, %jit3A_1974, %sign3A_1986 : i32
        %sign3A_1988 = arith.extui %sign3A_1987 : i1 to i32
        %sign3A_1989 = arith.subi %sign3A_1985, %sign3A_1988 : i32
        %ne3A_1990 = arith.cmpi ne, %sign3A_1982, %sign3A_1989 : i32
        %rem3A_1991 = arith.remsi %add3A_1964, %jit3A_1974 : i32
        %ne3A_1992 = arith.constant 0 : i32
        %ne3A_1993 = arith.cmpi ne, %rem3A_1991, %ne3A_1992 : i32
        %and3A_1994 = arith.andi %ne3A_1990, %ne3A_1993 : i1
        %sub3A_1995 = arith.constant 1 : i32
        %sub3A_1996 = arith.subi %div3A_1975, %sub3A_1995 : i32
        %select_n3A_1997 = arith.select %and3A_1994, %sub3A_1996, %div3A_1975 : i32
        %jit3A_1998 = arith.constant 8 : i32
        %eq3A_1999 = arith.constant 0 : i32
        %eq3A_2000 = arith.cmpi eq, %jit3A_1998, %eq3A_1999 : i32
        %jit3A_2001 = arith.constant 1 : i32
        %select_n3A_2002 = arith.select %eq3A_2000, %jit3A_2001, %jit3A_1998 : i32
        %rem3A_2003 = arith.remsi %add3A_1964, %select_n3A_2002 : i32
        %ne3A_2004 = arith.constant 0 : i32
        %ne3A_2005 = arith.cmpi ne, %rem3A_2003, %ne3A_2004 : i32
        %lt3A_2006 = arith.constant 0 : i32
        %lt3A_2007 = arith.cmpi slt, %rem3A_2003, %lt3A_2006 : i32
        %lt3A_2008 = arith.constant 0 : i32
        %lt3A_2009 = arith.cmpi slt, %select_n3A_2002, %lt3A_2008 : i32
        %ne3A_2010 = arith.xori %lt3A_2007, %lt3A_2009 : i1
        %and3A_2011 = arith.andi %ne3A_2010, %ne3A_2005 : i1
        %add3A_2012 = arith.addi %rem3A_2003, %select_n3A_2002 : i32
        %select_n3A_2013 = arith.select %and3A_2011, %add3A_2012, %rem3A_2003 : i32
        %mul3A_2014 = arith.constant 16 : i32
        %mul3A_2015 = arith.muli %select_n3A_2013, %mul3A_2014 : i32
        %swap3A_2016 = arith.index_cast %select_n3A_1997 : i32 to index
        %swap3A_2017 = arith.index_cast %mul3A_2015 : i32 to index
        %swap3A_2018 = tpu.vector_load %arg10[%swap3A_2016, %swap3A_2017] {strides = array<i32>} : memref<64x128xf32, #tpu.memory_space<vmem>>, vector<16xf32>,
        tpu.vector_store %arg10[%swap3A_2016, %swap3A_2017], %max3A_1973 {strides = array<i32>} : memref<64x128xf32, #tpu.memory_space<vmem>>, vector<16xf32>,
        %mul3A_2019 = arith.constant 8 : i32
        %mul3A_2020 = arith.muli %add3A_1959, %mul3A_2019 : i32
        %add3A_2021 = arith.addi %mul3A_2020, %and3A_1963 : i32
        %get3A_2022 = arith.index_cast %add3A_2021 : i32 to index
        %get3A_2023 = arith.constant 0 : index
        %get3A_2024 = tpu.vector_load %arg9[%get3A_2022, %get3A_2023] {strides = array<i32>} : memref<256x32xf32, #tpu.memory_space<vmem>>, vector<16xf32>,
        %max3A_2025 = arith.constant 0.000000e+00 : f32
        %max3A_2026 = vector.broadcast %max3A_2025 : f32 to vector<16xf32>
        %max3A_2027 = arith.maximumf %get3A_2024, %max3A_2026 : vector<16xf32>
        %jit3A_2028 = arith.constant 4 : i32
        %div3A_2029 = arith.divsi %add3A_1964, %jit3A_2028 : i32
        %sign3A_2030 = arith.constant 0 : i32
        %sign3A_2031 = arith.cmpi sgt, %add3A_1964, %sign3A_2030 : i32
        %sign3A_2032 = arith.extui %sign3A_2031 : i1 to i32
        %sign3A_2033 = arith.constant 0 : i32
        %sign3A_2034 = arith.cmpi slt, %add3A_1964, %sign3A_2033 : i32
        %sign3A_2035 = arith.extui %sign3A_2034 : i1 to i32
        %sign3A_2036 = arith.subi %sign3A_2032, %sign3A_2035 : i32
        %sign3A_2037 = arith.constant 0 : i32
        %sign3A_2038 = arith.cmpi sgt, %jit3A_2028, %sign3A_2037 : i32
        %sign3A_2039 = arith.extui %sign3A_2038 : i1 to i32
        %sign3A_2040 = arith.constant 0 : i32
        %sign3A_2041 = arith.cmpi slt, %jit3A_2028, %sign3A_2040 : i32
        %sign3A_2042 = arith.extui %sign3A_2041 : i1 to i32
        %sign3A_2043 = arith.subi %sign3A_2039, %sign3A_2042 : i32
        %ne3A_2044 = arith.cmpi ne, %sign3A_2036, %sign3A_2043 : i32
        %rem3A_2045 = arith.remsi %add3A_1964, %jit3A_2028 : i32
        %ne3A_2046 = arith.constant 0 : i32
        %ne3A_2047 = arith.cmpi ne, %rem3A_2045, %ne3A_2046 : i32
        %and3A_2048 = arith.andi %ne3A_2044, %ne3A_2047 : i1
        %sub3A_2049 = arith.constant 1 : i32
        %sub3A_2050 = arith.subi %div3A_2029, %sub3A_2049 : i32
        %select_n3A_2051 = arith.select %and3A_2048, %sub3A_2050, %div3A_2029 : i32
        %jit3A_2052 = arith.constant 4 : i32
        %eq3A_2053 = arith.constant 0 : i32
        %eq3A_2054 = arith.cmpi eq, %jit3A_2052, %eq3A_2053 : i32
        %jit3A_2055 = arith.constant 1 : i32
        %select_n3A_2056 = arith.select %eq3A_2054, %jit3A_2055, %jit3A_2052 : i32
        %rem3A_2057 = arith.remsi %add3A_1964, %select_n3A_2056 : i32
        %ne3A_2058 = arith.constant 0 : i32
        %ne3A_2059 = arith.cmpi ne, %rem3A_2057, %ne3A_2058 : i32
        %lt3A_2060 = arith.constant 0 : i32
        %lt3A_2061 = arith.cmpi slt, %rem3A_2057, %lt3A_2060 : i32
        %lt3A_2062 = arith.constant 0 : i32
        %lt3A_2063 = arith.cmpi slt, %select_n3A_2056, %lt3A_2062 : i32
        %ne3A_2064 = arith.xori %lt3A_2061, %lt3A_2063 : i1
        %and3A_2065 = arith.andi %ne3A_2064, %ne3A_2059 : i1
        %add3A_2066 = arith.addi %rem3A_2057, %select_n3A_2056 : i32
        %select_n3A_2067 = arith.select %and3A_2065, %add3A_2066, %rem3A_2057 : i32
        %mul3A_2068 = arith.constant 32 : i32
        %mul3A_2069 = arith.muli %select_n3A_2067, %mul3A_2068 : i32
        %add3A_2070 = arith.constant 0 : i32
        %add3A_2071 = arith.addi %mul3A_2069, %add3A_2070 : i32
        %swap3A_2072 = arith.index_cast %select_n3A_2051 : i32 to index
        %swap3A_2073 = arith.index_cast %add3A_2071 : i32 to index
        %swap3A_2074 = tpu.vector_load %arg11[%swap3A_2072, %swap3A_2073] {strides = array<i32>} : memref<128x128xf32, #tpu.memory_space<vmem>>, vector<16xf32>,
        tpu.vector_store %arg11[%swap3A_2072, %swap3A_2073], %max3A_2027 {strides = array<i32>} : memref<128x128xf32, #tpu.memory_space<vmem>>, vector<16xf32>,
        %mul3A_2075 = arith.constant 8 : i32
        %mul3A_2076 = arith.muli %add3A_1959, %mul3A_2075 : i32
        %add3A_2077 = arith.addi %mul3A_2076, %and3A_1963 : i32
        %get3A_2078 = arith.index_cast %add3A_2077 : i32 to index
        %get3A_2079 = arith.constant 16 : index
        %get3A_2080 = tpu.vector_load %arg9[%get3A_2078, %get3A_2079] {strides = array<i32>} : memref<256x32xf32, #tpu.memory_space<vmem>>, vector<16xf32>,
        %max3A_2081 = arith.constant 0.000000e+00 : f32
        %max3A_2082 = vector.broadcast %max3A_2081 : f32 to vector<16xf32>
        %max3A_2083 = arith.maximumf %get3A_2080, %max3A_2082 : vector<16xf32>
        %jit3A_2084 = arith.constant 4 : i32
        %div3A_2085 = arith.divsi %add3A_1964, %jit3A_2084 : i32
        %sign3A_2086 = arith.constant 0 : i32
        %sign3A_2087 = arith.cmpi sgt, %add3A_1964, %sign3A_2086 : i32
        %sign3A_2088 = arith.extui %sign3A_2087 : i1 to i32
        %sign3A_2089 = arith.constant 0 : i32
        %sign3A_2090 = arith.cmpi slt, %add3A_1964, %sign3A_2089 : i32
        %sign3A_2091 = arith.extui %sign3A_2090 : i1 to i32
        %sign3A_2092 = arith.subi %sign3A_2088, %sign3A_2091 : i32
        %sign3A_2093 = arith.constant 0 : i32
        %sign3A_2094 = arith.cmpi sgt, %jit3A_2084, %sign3A_2093 : i32
        %sign3A_2095 = arith.extui %sign3A_2094 : i1 to i32
        %sign3A_2096 = arith.constant 0 : i32
        %sign3A_2097 = arith.cmpi slt, %jit3A_2084, %sign3A_2096 : i32
        %sign3A_2098 = arith.extui %sign3A_2097 : i1 to i32
        %sign3A_2099 = arith.subi %sign3A_2095, %sign3A_2098 : i32
        %ne3A_2100 = arith.cmpi ne, %sign3A_2092, %sign3A_2099 : i32
        %rem3A_2101 = arith.remsi %add3A_1964, %jit3A_2084 : i32
        %ne3A_2102 = arith.constant 0 : i32
        %ne3A_2103 = arith.cmpi ne, %rem3A_2101, %ne3A_2102 : i32
        %and3A_2104 = arith.andi %ne3A_2100, %ne3A_2103 : i1
        %sub3A_2105 = arith.constant 1 : i32
        %sub3A_2106 = arith.subi %div3A_2085, %sub3A_2105 : i32
        %select_n3A_2107 = arith.select %and3A_2104, %sub3A_2106, %div3A_2085 : i32
        %jit3A_2108 = arith.constant 4 : i32
        %eq3A_2109 = arith.constant 0 : i32
        %eq3A_2110 = arith.cmpi eq, %jit3A_2108, %eq3A_2109 : i32
        %jit3A_2111 = arith.constant 1 : i32
        %select_n3A_2112 = arith.select %eq3A_2110, %jit3A_2111, %jit3A_2108 : i32
        %rem3A_2113 = arith.remsi %add3A_1964, %select_n3A_2112 : i32
        %ne3A_2114 = arith.constant 0 : i32
        %ne3A_2115 = arith.cmpi ne, %rem3A_2113, %ne3A_2114 : i32
        %lt3A_2116 = arith.constant 0 : i32
        %lt3A_2117 = arith.cmpi slt, %rem3A_2113, %lt3A_2116 : i32
        %lt3A_2118 = arith.constant 0 : i32
        %lt3A_2119 = arith.cmpi slt, %select_n3A_2112, %lt3A_2118 : i32
        %ne3A_2120 = arith.xori %lt3A_2117, %lt3A_2119 : i1
        %and3A_2121 = arith.andi %ne3A_2120, %ne3A_2115 : i1
        %add3A_2122 = arith.addi %rem3A_2113, %select_n3A_2112 : i32
        %select_n3A_2123 = arith.select %and3A_2121, %add3A_2122, %rem3A_2113 : i32
        %mul3A_2124 = arith.constant 32 : i32
        %mul3A_2125 = arith.muli %select_n3A_2123, %mul3A_2124 : i32
        %add3A_2126 = arith.constant 16 : i32
        %add3A_2127 = arith.addi %mul3A_2125, %add3A_2126 : i32
        %swap3A_2128 = arith.index_cast %select_n3A_2107 : i32 to index
        %swap3A_2129 = arith.index_cast %add3A_2127 : i32 to index
        %swap3A_2130 = tpu.vector_load %arg11[%swap3A_2128, %swap3A_2129] {strides = array<i32>} : memref<128x128xf32, #tpu.memory_space<vmem>>, vector<16xf32>,
        tpu.vector_store %arg11[%swap3A_2128, %swap3A_2129], %max3A_2083 {strides = array<i32>} : memref<128x128xf32, #tpu.memory_space<vmem>>, vector<16xf32>,
        %mul3A_2131 = arith.constant 16 : i32
        %mul3A_2132 = arith.muli %scan3A_40, %mul3A_2131 : i32
        %add3A_2133 = arith.constant 12 : i32
        %add3A_2134 = arith.addi %mul3A_2132, %add3A_2133 : i32
        %slice3A_2135 = vector.extract_strided_slice %get3A_44 {offsets = [12], sizes = [1], strides = [1]} : vector<16xi32> to vector<1xi32>
        %squeeze3A_2136 = vector.extract %slice3A_2135[0] : i32 from vector<1xi32>
        %and3A_2137 = arith.constant 7 : i32
        %and3A_2138 = arith.andi %squeeze3A_2136, %and3A_2137 : i32
        %add3A_2139 = arith.addi %mul3A_16, %add3A_2134 : i32
        %mul3A_2140 = arith.constant 8 : i32
        %mul3A_2141 = arith.muli %add3A_2134, %mul3A_2140 : i32
        %add3A_2142 = arith.addi %mul3A_2141, %and3A_2138 : i32
        %get3A_2143 = arith.index_cast %add3A_2142 : i32 to index
        %get3A_2144 = arith.constant 0 : index
        %get3A_2145 = tpu.vector_load %arg8[%get3A_2143, %get3A_2144] {strides = array<i32>} : memref<256x16xf32, #tpu.memory_space<vmem>>, vector<16xf32>,
        %max3A_2146 = arith.constant 0.000000e+00 : f32
        %max3A_2147 = vector.broadcast %max3A_2146 : f32 to vector<16xf32>
        %max3A_2148 = arith.maximumf %get3A_2145, %max3A_2147 : vector<16xf32>
        %jit3A_2149 = arith.constant 8 : i32
        %div3A_2150 = arith.divsi %add3A_2139, %jit3A_2149 : i32
        %sign3A_2151 = arith.constant 0 : i32
        %sign3A_2152 = arith.cmpi sgt, %add3A_2139, %sign3A_2151 : i32
        %sign3A_2153 = arith.extui %sign3A_2152 : i1 to i32
        %sign3A_2154 = arith.constant 0 : i32
        %sign3A_2155 = arith.cmpi slt, %add3A_2139, %sign3A_2154 : i32
        %sign3A_2156 = arith.extui %sign3A_2155 : i1 to i32
        %sign3A_2157 = arith.subi %sign3A_2153, %sign3A_2156 : i32
        %sign3A_2158 = arith.constant 0 : i32
        %sign3A_2159 = arith.cmpi sgt, %jit3A_2149, %sign3A_2158 : i32
        %sign3A_2160 = arith.extui %sign3A_2159 : i1 to i32
        %sign3A_2161 = arith.constant 0 : i32
        %sign3A_2162 = arith.cmpi slt, %jit3A_2149, %sign3A_2161 : i32
        %sign3A_2163 = arith.extui %sign3A_2162 : i1 to i32
        %sign3A_2164 = arith.subi %sign3A_2160, %sign3A_2163 : i32
        %ne3A_2165 = arith.cmpi ne, %sign3A_2157, %sign3A_2164 : i32
        %rem3A_2166 = arith.remsi %add3A_2139, %jit3A_2149 : i32
        %ne3A_2167 = arith.constant 0 : i32
        %ne3A_2168 = arith.cmpi ne, %rem3A_2166, %ne3A_2167 : i32
        %and3A_2169 = arith.andi %ne3A_2165, %ne3A_2168 : i1
        %sub3A_2170 = arith.constant 1 : i32
        %sub3A_2171 = arith.subi %div3A_2150, %sub3A_2170 : i32
        %select_n3A_2172 = arith.select %and3A_2169, %sub3A_2171, %div3A_2150 : i32
        %jit3A_2173 = arith.constant 8 : i32
        %eq3A_2174 = arith.constant 0 : i32
        %eq3A_2175 = arith.cmpi eq, %jit3A_2173, %eq3A_2174 : i32
        %jit3A_2176 = arith.constant 1 : i32
        %select_n3A_2177 = arith.select %eq3A_2175, %jit3A_2176, %jit3A_2173 : i32
        %rem3A_2178 = arith.remsi %add3A_2139, %select_n3A_2177 : i32
        %ne3A_2179 = arith.constant 0 : i32
        %ne3A_2180 = arith.cmpi ne, %rem3A_2178, %ne3A_2179 : i32
        %lt3A_2181 = arith.constant 0 : i32
        %lt3A_2182 = arith.cmpi slt, %rem3A_2178, %lt3A_2181 : i32
        %lt3A_2183 = arith.constant 0 : i32
        %lt3A_2184 = arith.cmpi slt, %select_n3A_2177, %lt3A_2183 : i32
        %ne3A_2185 = arith.xori %lt3A_2182, %lt3A_2184 : i1
        %and3A_2186 = arith.andi %ne3A_2185, %ne3A_2180 : i1
        %add3A_2187 = arith.addi %rem3A_2178, %select_n3A_2177 : i32
        %select_n3A_2188 = arith.select %and3A_2186, %add3A_2187, %rem3A_2178 : i32
        %mul3A_2189 = arith.constant 16 : i32
        %mul3A_2190 = arith.muli %select_n3A_2188, %mul3A_2189 : i32
        %swap3A_2191 = arith.index_cast %select_n3A_2172 : i32 to index
        %swap3A_2192 = arith.index_cast %mul3A_2190 : i32 to index
        %swap3A_2193 = tpu.vector_load %arg10[%swap3A_2191, %swap3A_2192] {strides = array<i32>} : memref<64x128xf32, #tpu.memory_space<vmem>>, vector<16xf32>,
        tpu.vector_store %arg10[%swap3A_2191, %swap3A_2192], %max3A_2148 {strides = array<i32>} : memref<64x128xf32, #tpu.memory_space<vmem>>, vector<16xf32>,
        %mul3A_2194 = arith.constant 8 : i32
        %mul3A_2195 = arith.muli %add3A_2134, %mul3A_2194 : i32
        %add3A_2196 = arith.addi %mul3A_2195, %and3A_2138 : i32
        %get3A_2197 = arith.index_cast %add3A_2196 : i32 to index
        %get3A_2198 = arith.constant 0 : index
        %get3A_2199 = tpu.vector_load %arg9[%get3A_2197, %get3A_2198] {strides = array<i32>} : memref<256x32xf32, #tpu.memory_space<vmem>>, vector<16xf32>,
        %max3A_2200 = arith.constant 0.000000e+00 : f32
        %max3A_2201 = vector.broadcast %max3A_2200 : f32 to vector<16xf32>
        %max3A_2202 = arith.maximumf %get3A_2199, %max3A_2201 : vector<16xf32>
        %jit3A_2203 = arith.constant 4 : i32
        %div3A_2204 = arith.divsi %add3A_2139, %jit3A_2203 : i32
        %sign3A_2205 = arith.constant 0 : i32
        %sign3A_2206 = arith.cmpi sgt, %add3A_2139, %sign3A_2205 : i32
        %sign3A_2207 = arith.extui %sign3A_2206 : i1 to i32
        %sign3A_2208 = arith.constant 0 : i32
        %sign3A_2209 = arith.cmpi slt, %add3A_2139, %sign3A_2208 : i32
        %sign3A_2210 = arith.extui %sign3A_2209 : i1 to i32
        %sign3A_2211 = arith.subi %sign3A_2207, %sign3A_2210 : i32
        %sign3A_2212 = arith.constant 0 : i32
        %sign3A_2213 = arith.cmpi sgt, %jit3A_2203, %sign3A_2212 : i32
        %sign3A_2214 = arith.extui %sign3A_2213 : i1 to i32
        %sign3A_2215 = arith.constant 0 : i32
        %sign3A_2216 = arith.cmpi slt, %jit3A_2203, %sign3A_2215 : i32
        %sign3A_2217 = arith.extui %sign3A_2216 : i1 to i32
        %sign3A_2218 = arith.subi %sign3A_2214, %sign3A_2217 : i32
        %ne3A_2219 = arith.cmpi ne, %sign3A_2211, %sign3A_2218 : i32
        %rem3A_2220 = arith.remsi %add3A_2139, %jit3A_2203 : i32
        %ne3A_2221 = arith.constant 0 : i32
        %ne3A_2222 = arith.cmpi ne, %rem3A_2220, %ne3A_2221 : i32
        %and3A_2223 = arith.andi %ne3A_2219, %ne3A_2222 : i1
        %sub3A_2224 = arith.constant 1 : i32
        %sub3A_2225 = arith.subi %div3A_2204, %sub3A_2224 : i32
        %select_n3A_2226 = arith.select %and3A_2223, %sub3A_2225, %div3A_2204 : i32
        %jit3A_2227 = arith.constant 4 : i32
        %eq3A_2228 = arith.constant 0 : i32
        %eq3A_2229 = arith.cmpi eq, %jit3A_2227, %eq3A_2228 : i32
        %jit3A_2230 = arith.constant 1 : i32
        %select_n3A_2231 = arith.select %eq3A_2229, %jit3A_2230, %jit3A_2227 : i32
        %rem3A_2232 = arith.remsi %add3A_2139, %select_n3A_2231 : i32
        %ne3A_2233 = arith.constant 0 : i32
        %ne3A_2234 = arith.cmpi ne, %rem3A_2232, %ne3A_2233 : i32
        %lt3A_2235 = arith.constant 0 : i32
        %lt3A_2236 = arith.cmpi slt, %rem3A_2232, %lt3A_2235 : i32
        %lt3A_2237 = arith.constant 0 : i32
        %lt3A_2238 = arith.cmpi slt, %select_n3A_2231, %lt3A_2237 : i32
        %ne3A_2239 = arith.xori %lt3A_2236, %lt3A_2238 : i1
        %and3A_2240 = arith.andi %ne3A_2239, %ne3A_2234 : i1
        %add3A_2241 = arith.addi %rem3A_2232, %select_n3A_2231 : i32
        %select_n3A_2242 = arith.select %and3A_2240, %add3A_2241, %rem3A_2232 : i32
        %mul3A_2243 = arith.constant 32 : i32
        %mul3A_2244 = arith.muli %select_n3A_2242, %mul3A_2243 : i32
        %add3A_2245 = arith.constant 0 : i32
        %add3A_2246 = arith.addi %mul3A_2244, %add3A_2245 : i32
        %swap3A_2247 = arith.index_cast %select_n3A_2226 : i32 to index
        %swap3A_2248 = arith.index_cast %add3A_2246 : i32 to index
        %swap3A_2249 = tpu.vector_load %arg11[%swap3A_2247, %swap3A_2248] {strides = array<i32>} : memref<128x128xf32, #tpu.memory_space<vmem>>, vector<16xf32>,
        tpu.vector_store %arg11[%swap3A_2247, %swap3A_2248], %max3A_2202 {strides = array<i32>} : memref<128x128xf32, #tpu.memory_space<vmem>>, vector<16xf32>,
        %mul3A_2250 = arith.constant 8 : i32
        %mul3A_2251 = arith.muli %add3A_2134, %mul3A_2250 : i32
        %add3A_2252 = arith.addi %mul3A_2251, %and3A_2138 : i32
        %get3A_2253 = arith.index_cast %add3A_2252 : i32 to index
        %get3A_2254 = arith.constant 16 : index
        %get3A_2255 = tpu.vector_load %arg9[%get3A_2253, %get3A_2254] {strides = array<i32>} : memref<256x32xf32, #tpu.memory_space<vmem>>, vector<16xf32>,
        %max3A_2256 = arith.constant 0.000000e+00 : f32
        %max3A_2257 = vector.broadcast %max3A_2256 : f32 to vector<16xf32>
        %max3A_2258 = arith.maximumf %get3A_2255, %max3A_2257 : vector<16xf32>
        %jit3A_2259 = arith.constant 4 : i32
        %div3A_2260 = arith.divsi %add3A_2139, %jit3A_2259 : i32
        %sign3A_2261 = arith.constant 0 : i32
        %sign3A_2262 = arith.cmpi sgt, %add3A_2139, %sign3A_2261 : i32
        %sign3A_2263 = arith.extui %sign3A_2262 : i1 to i32
        %sign3A_2264 = arith.constant 0 : i32
        %sign3A_2265 = arith.cmpi slt, %add3A_2139, %sign3A_2264 : i32
        %sign3A_2266 = arith.extui %sign3A_2265 : i1 to i32
        %sign3A_2267 = arith.subi %sign3A_2263, %sign3A_2266 : i32
        %sign3A_2268 = arith.constant 0 : i32
        %sign3A_2269 = arith.cmpi sgt, %jit3A_2259, %sign3A_2268 : i32
        %sign3A_2270 = arith.extui %sign3A_2269 : i1 to i32
        %sign3A_2271 = arith.constant 0 : i32
        %sign3A_2272 = arith.cmpi slt, %jit3A_2259, %sign3A_2271 : i32
        %sign3A_2273 = arith.extui %sign3A_2272 : i1 to i32
        %sign3A_2274 = arith.subi %sign3A_2270, %sign3A_2273 : i32
        %ne3A_2275 = arith.cmpi ne, %sign3A_2267, %sign3A_2274 : i32
        %rem3A_2276 = arith.remsi %add3A_2139, %jit3A_2259 : i32
        %ne3A_2277 = arith.constant 0 : i32
        %ne3A_2278 = arith.cmpi ne, %rem3A_2276, %ne3A_2277 : i32
        %and3A_2279 = arith.andi %ne3A_2275, %ne3A_2278 : i1
        %sub3A_2280 = arith.constant 1 : i32
        %sub3A_2281 = arith.subi %div3A_2260, %sub3A_2280 : i32
        %select_n3A_2282 = arith.select %and3A_2279, %sub3A_2281, %div3A_2260 : i32
        %jit3A_2283 = arith.constant 4 : i32
        %eq3A_2284 = arith.constant 0 : i32
        %eq3A_2285 = arith.cmpi eq, %jit3A_2283, %eq3A_2284 : i32
        %jit3A_2286 = arith.constant 1 : i32
        %select_n3A_2287 = arith.select %eq3A_2285, %jit3A_2286, %jit3A_2283 : i32
        %rem3A_2288 = arith.remsi %add3A_2139, %select_n3A_2287 : i32
        %ne3A_2289 = arith.constant 0 : i32
        %ne3A_2290 = arith.cmpi ne, %rem3A_2288, %ne3A_2289 : i32
        %lt3A_2291 = arith.constant 0 : i32
        %lt3A_2292 = arith.cmpi slt, %rem3A_2288, %lt3A_2291 : i32
        %lt3A_2293 = arith.constant 0 : i32
        %lt3A_2294 = arith.cmpi slt, %select_n3A_2287, %lt3A_2293 : i32
        %ne3A_2295 = arith.xori %lt3A_2292, %lt3A_2294 : i1
        %and3A_2296 = arith.andi %ne3A_2295, %ne3A_2290 : i1
        %add3A_2297 = arith.addi %rem3A_2288, %select_n3A_2287 : i32
        %select_n3A_2298 = arith.select %and3A_2296, %add3A_2297, %rem3A_2288 : i32
        %mul3A_2299 = arith.constant 32 : i32
        %mul3A_2300 = arith.muli %select_n3A_2298, %mul3A_2299 : i32
        %add3A_2301 = arith.constant 16 : i32
        %add3A_2302 = arith.addi %mul3A_2300, %add3A_2301 : i32
        %swap3A_2303 = arith.index_cast %select_n3A_2282 : i32 to index
        %swap3A_2304 = arith.index_cast %add3A_2302 : i32 to index
        %swap3A_2305 = tpu.vector_load %arg11[%swap3A_2303, %swap3A_2304] {strides = array<i32>} : memref<128x128xf32, #tpu.memory_space<vmem>>, vector<16xf32>,
        tpu.vector_store %arg11[%swap3A_2303, %swap3A_2304], %max3A_2258 {strides = array<i32>} : memref<128x128xf32, #tpu.memory_space<vmem>>, vector<16xf32>,
        %mul3A_2306 = arith.constant 16 : i32
        %mul3A_2307 = arith.muli %scan3A_40, %mul3A_2306 : i32
        %add3A_2308 = arith.constant 13 : i32
        %add3A_2309 = arith.addi %mul3A_2307, %add3A_2308 : i32
        %slice3A_2310 = vector.extract_strided_slice %get3A_44 {offsets = [13], sizes = [1], strides = [1]} : vector<16xi32> to vector<1xi32>
        %squeeze3A_2311 = vector.extract %slice3A_2310[0] : i32 from vector<1xi32>
        %and3A_2312 = arith.constant 7 : i32
        %and3A_2313 = arith.andi %squeeze3A_2311, %and3A_2312 : i32
        %add3A_2314 = arith.addi %mul3A_16, %add3A_2309 : i32
        %mul3A_2315 = arith.constant 8 : i32
        %mul3A_2316 = arith.muli %add3A_2309, %mul3A_2315 : i32
        %add3A_2317 = arith.addi %mul3A_2316, %and3A_2313 : i32
        %get3A_2318 = arith.index_cast %add3A_2317 : i32 to index
        %get3A_2319 = arith.constant 0 : index
        %get3A_2320 = tpu.vector_load %arg8[%get3A_2318, %get3A_2319] {strides = array<i32>} : memref<256x16xf32, #tpu.memory_space<vmem>>, vector<16xf32>,
        %max3A_2321 = arith.constant 0.000000e+00 : f32
        %max3A_2322 = vector.broadcast %max3A_2321 : f32 to vector<16xf32>
        %max3A_2323 = arith.maximumf %get3A_2320, %max3A_2322 : vector<16xf32>
        %jit3A_2324 = arith.constant 8 : i32
        %div3A_2325 = arith.divsi %add3A_2314, %jit3A_2324 : i32
        %sign3A_2326 = arith.constant 0 : i32
        %sign3A_2327 = arith.cmpi sgt, %add3A_2314, %sign3A_2326 : i32
        %sign3A_2328 = arith.extui %sign3A_2327 : i1 to i32
        %sign3A_2329 = arith.constant 0 : i32
        %sign3A_2330 = arith.cmpi slt, %add3A_2314, %sign3A_2329 : i32
        %sign3A_2331 = arith.extui %sign3A_2330 : i1 to i32
        %sign3A_2332 = arith.subi %sign3A_2328, %sign3A_2331 : i32
        %sign3A_2333 = arith.constant 0 : i32
        %sign3A_2334 = arith.cmpi sgt, %jit3A_2324, %sign3A_2333 : i32
        %sign3A_2335 = arith.extui %sign3A_2334 : i1 to i32
        %sign3A_2336 = arith.constant 0 : i32
        %sign3A_2337 = arith.cmpi slt, %jit3A_2324, %sign3A_2336 : i32
        %sign3A_2338 = arith.extui %sign3A_2337 : i1 to i32
        %sign3A_2339 = arith.subi %sign3A_2335, %sign3A_2338 : i32
        %ne3A_2340 = arith.cmpi ne, %sign3A_2332, %sign3A_2339 : i32
        %rem3A_2341 = arith.remsi %add3A_2314, %jit3A_2324 : i32
        %ne3A_2342 = arith.constant 0 : i32
        %ne3A_2343 = arith.cmpi ne, %rem3A_2341, %ne3A_2342 : i32
        %and3A_2344 = arith.andi %ne3A_2340, %ne3A_2343 : i1
        %sub3A_2345 = arith.constant 1 : i32
        %sub3A_2346 = arith.subi %div3A_2325, %sub3A_2345 : i32
        %select_n3A_2347 = arith.select %and3A_2344, %sub3A_2346, %div3A_2325 : i32
        %jit3A_2348 = arith.constant 8 : i32
        %eq3A_2349 = arith.constant 0 : i32
        %eq3A_2350 = arith.cmpi eq, %jit3A_2348, %eq3A_2349 : i32
        %jit3A_2351 = arith.constant 1 : i32
        %select_n3A_2352 = arith.select %eq3A_2350, %jit3A_2351, %jit3A_2348 : i32
        %rem3A_2353 = arith.remsi %add3A_2314, %select_n3A_2352 : i32
        %ne3A_2354 = arith.constant 0 : i32
        %ne3A_2355 = arith.cmpi ne, %rem3A_2353, %ne3A_2354 : i32
        %lt3A_2356 = arith.constant 0 : i32
        %lt3A_2357 = arith.cmpi slt, %rem3A_2353, %lt3A_2356 : i32
        %lt3A_2358 = arith.constant 0 : i32
        %lt3A_2359 = arith.cmpi slt, %select_n3A_2352, %lt3A_2358 : i32
        %ne3A_2360 = arith.xori %lt3A_2357, %lt3A_2359 : i1
        %and3A_2361 = arith.andi %ne3A_2360, %ne3A_2355 : i1
        %add3A_2362 = arith.addi %rem3A_2353, %select_n3A_2352 : i32
        %select_n3A_2363 = arith.select %and3A_2361, %add3A_2362, %rem3A_2353 : i32
        %mul3A_2364 = arith.constant 16 : i32
        %mul3A_2365 = arith.muli %select_n3A_2363, %mul3A_2364 : i32
        %swap3A_2366 = arith.index_cast %select_n3A_2347 : i32 to index
        %swap3A_2367 = arith.index_cast %mul3A_2365 : i32 to index
        %swap3A_2368 = tpu.vector_load %arg10[%swap3A_2366, %swap3A_2367] {strides = array<i32>} : memref<64x128xf32, #tpu.memory_space<vmem>>, vector<16xf32>,
        tpu.vector_store %arg10[%swap3A_2366, %swap3A_2367], %max3A_2323 {strides = array<i32>} : memref<64x128xf32, #tpu.memory_space<vmem>>, vector<16xf32>,
        %mul3A_2369 = arith.constant 8 : i32
        %mul3A_2370 = arith.muli %add3A_2309, %mul3A_2369 : i32
        %add3A_2371 = arith.addi %mul3A_2370, %and3A_2313 : i32
        %get3A_2372 = arith.index_cast %add3A_2371 : i32 to index
        %get3A_2373 = arith.constant 0 : index
        %get3A_2374 = tpu.vector_load %arg9[%get3A_2372, %get3A_2373] {strides = array<i32>} : memref<256x32xf32, #tpu.memory_space<vmem>>, vector<16xf32>,
        %max3A_2375 = arith.constant 0.000000e+00 : f32
        %max3A_2376 = vector.broadcast %max3A_2375 : f32 to vector<16xf32>
        %max3A_2377 = arith.maximumf %get3A_2374, %max3A_2376 : vector<16xf32>
        %jit3A_2378 = arith.constant 4 : i32
        %div3A_2379 = arith.divsi %add3A_2314, %jit3A_2378 : i32
        %sign3A_2380 = arith.constant 0 : i32
        %sign3A_2381 = arith.cmpi sgt, %add3A_2314, %sign3A_2380 : i32
        %sign3A_2382 = arith.extui %sign3A_2381 : i1 to i32
        %sign3A_2383 = arith.constant 0 : i32
        %sign3A_2384 = arith.cmpi slt, %add3A_2314, %sign3A_2383 : i32
        %sign3A_2385 = arith.extui %sign3A_2384 : i1 to i32
        %sign3A_2386 = arith.subi %sign3A_2382, %sign3A_2385 : i32
        %sign3A_2387 = arith.constant 0 : i32
        %sign3A_2388 = arith.cmpi sgt, %jit3A_2378, %sign3A_2387 : i32
        %sign3A_2389 = arith.extui %sign3A_2388 : i1 to i32
        %sign3A_2390 = arith.constant 0 : i32
        %sign3A_2391 = arith.cmpi slt, %jit3A_2378, %sign3A_2390 : i32
        %sign3A_2392 = arith.extui %sign3A_2391 : i1 to i32
        %sign3A_2393 = arith.subi %sign3A_2389, %sign3A_2392 : i32
        %ne3A_2394 = arith.cmpi ne, %sign3A_2386, %sign3A_2393 : i32
        %rem3A_2395 = arith.remsi %add3A_2314, %jit3A_2378 : i32
        %ne3A_2396 = arith.constant 0 : i32
        %ne3A_2397 = arith.cmpi ne, %rem3A_2395, %ne3A_2396 : i32
        %and3A_2398 = arith.andi %ne3A_2394, %ne3A_2397 : i1
        %sub3A_2399 = arith.constant 1 : i32
        %sub3A_2400 = arith.subi %div3A_2379, %sub3A_2399 : i32
        %select_n3A_2401 = arith.select %and3A_2398, %sub3A_2400, %div3A_2379 : i32
        %jit3A_2402 = arith.constant 4 : i32
        %eq3A_2403 = arith.constant 0 : i32
        %eq3A_2404 = arith.cmpi eq, %jit3A_2402, %eq3A_2403 : i32
        %jit3A_2405 = arith.constant 1 : i32
        %select_n3A_2406 = arith.select %eq3A_2404, %jit3A_2405, %jit3A_2402 : i32
        %rem3A_2407 = arith.remsi %add3A_2314, %select_n3A_2406 : i32
        %ne3A_2408 = arith.constant 0 : i32
        %ne3A_2409 = arith.cmpi ne, %rem3A_2407, %ne3A_2408 : i32
        %lt3A_2410 = arith.constant 0 : i32
        %lt3A_2411 = arith.cmpi slt, %rem3A_2407, %lt3A_2410 : i32
        %lt3A_2412 = arith.constant 0 : i32
        %lt3A_2413 = arith.cmpi slt, %select_n3A_2406, %lt3A_2412 : i32
        %ne3A_2414 = arith.xori %lt3A_2411, %lt3A_2413 : i1
        %and3A_2415 = arith.andi %ne3A_2414, %ne3A_2409 : i1
        %add3A_2416 = arith.addi %rem3A_2407, %select_n3A_2406 : i32
        %select_n3A_2417 = arith.select %and3A_2415, %add3A_2416, %rem3A_2407 : i32
        %mul3A_2418 = arith.constant 32 : i32
        %mul3A_2419 = arith.muli %select_n3A_2417, %mul3A_2418 : i32
        %add3A_2420 = arith.constant 0 : i32
        %add3A_2421 = arith.addi %mul3A_2419, %add3A_2420 : i32
        %swap3A_2422 = arith.index_cast %select_n3A_2401 : i32 to index
        %swap3A_2423 = arith.index_cast %add3A_2421 : i32 to index
        %swap3A_2424 = tpu.vector_load %arg11[%swap3A_2422, %swap3A_2423] {strides = array<i32>} : memref<128x128xf32, #tpu.memory_space<vmem>>, vector<16xf32>,
        tpu.vector_store %arg11[%swap3A_2422, %swap3A_2423], %max3A_2377 {strides = array<i32>} : memref<128x128xf32, #tpu.memory_space<vmem>>, vector<16xf32>,
        %mul3A_2425 = arith.constant 8 : i32
        %mul3A_2426 = arith.muli %add3A_2309, %mul3A_2425 : i32
        %add3A_2427 = arith.addi %mul3A_2426, %and3A_2313 : i32
        %get3A_2428 = arith.index_cast %add3A_2427 : i32 to index
        %get3A_2429 = arith.constant 16 : index
        %get3A_2430 = tpu.vector_load %arg9[%get3A_2428, %get3A_2429] {strides = array<i32>} : memref<256x32xf32, #tpu.memory_space<vmem>>, vector<16xf32>,
        %max3A_2431 = arith.constant 0.000000e+00 : f32
        %max3A_2432 = vector.broadcast %max3A_2431 : f32 to vector<16xf32>
        %max3A_2433 = arith.maximumf %get3A_2430, %max3A_2432 : vector<16xf32>
        %jit3A_2434 = arith.constant 4 : i32
        %div3A_2435 = arith.divsi %add3A_2314, %jit3A_2434 : i32
        %sign3A_2436 = arith.constant 0 : i32
        %sign3A_2437 = arith.cmpi sgt, %add3A_2314, %sign3A_2436 : i32
        %sign3A_2438 = arith.extui %sign3A_2437 : i1 to i32
        %sign3A_2439 = arith.constant 0 : i32
        %sign3A_2440 = arith.cmpi slt, %add3A_2314, %sign3A_2439 : i32
        %sign3A_2441 = arith.extui %sign3A_2440 : i1 to i32
        %sign3A_2442 = arith.subi %sign3A_2438, %sign3A_2441 : i32
        %sign3A_2443 = arith.constant 0 : i32
        %sign3A_2444 = arith.cmpi sgt, %jit3A_2434, %sign3A_2443 : i32
        %sign3A_2445 = arith.extui %sign3A_2444 : i1 to i32
        %sign3A_2446 = arith.constant 0 : i32
        %sign3A_2447 = arith.cmpi slt, %jit3A_2434, %sign3A_2446 : i32
        %sign3A_2448 = arith.extui %sign3A_2447 : i1 to i32
        %sign3A_2449 = arith.subi %sign3A_2445, %sign3A_2448 : i32
        %ne3A_2450 = arith.cmpi ne, %sign3A_2442, %sign3A_2449 : i32
        %rem3A_2451 = arith.remsi %add3A_2314, %jit3A_2434 : i32
        %ne3A_2452 = arith.constant 0 : i32
        %ne3A_2453 = arith.cmpi ne, %rem3A_2451, %ne3A_2452 : i32
        %and3A_2454 = arith.andi %ne3A_2450, %ne3A_2453 : i1
        %sub3A_2455 = arith.constant 1 : i32
        %sub3A_2456 = arith.subi %div3A_2435, %sub3A_2455 : i32
        %select_n3A_2457 = arith.select %and3A_2454, %sub3A_2456, %div3A_2435 : i32
        %jit3A_2458 = arith.constant 4 : i32
        %eq3A_2459 = arith.constant 0 : i32
        %eq3A_2460 = arith.cmpi eq, %jit3A_2458, %eq3A_2459 : i32
        %jit3A_2461 = arith.constant 1 : i32
        %select_n3A_2462 = arith.select %eq3A_2460, %jit3A_2461, %jit3A_2458 : i32
        %rem3A_2463 = arith.remsi %add3A_2314, %select_n3A_2462 : i32
        %ne3A_2464 = arith.constant 0 : i32
        %ne3A_2465 = arith.cmpi ne, %rem3A_2463, %ne3A_2464 : i32
        %lt3A_2466 = arith.constant 0 : i32
        %lt3A_2467 = arith.cmpi slt, %rem3A_2463, %lt3A_2466 : i32
        %lt3A_2468 = arith.constant 0 : i32
        %lt3A_2469 = arith.cmpi slt, %select_n3A_2462, %lt3A_2468 : i32
        %ne3A_2470 = arith.xori %lt3A_2467, %lt3A_2469 : i1
        %and3A_2471 = arith.andi %ne3A_2470, %ne3A_2465 : i1
        %add3A_2472 = arith.addi %rem3A_2463, %select_n3A_2462 : i32
        %select_n3A_2473 = arith.select %and3A_2471, %add3A_2472, %rem3A_2463 : i32
        %mul3A_2474 = arith.constant 32 : i32
        %mul3A_2475 = arith.muli %select_n3A_2473, %mul3A_2474 : i32
        %add3A_2476 = arith.constant 16 : i32
        %add3A_2477 = arith.addi %mul3A_2475, %add3A_2476 : i32
        %swap3A_2478 = arith.index_cast %select_n3A_2457 : i32 to index
        %swap3A_2479 = arith.index_cast %add3A_2477 : i32 to index
        %swap3A_2480 = tpu.vector_load %arg11[%swap3A_2478, %swap3A_2479] {strides = array<i32>} : memref<128x128xf32, #tpu.memory_space<vmem>>, vector<16xf32>,
        tpu.vector_store %arg11[%swap3A_2478, %swap3A_2479], %max3A_2433 {strides = array<i32>} : memref<128x128xf32, #tpu.memory_space<vmem>>, vector<16xf32>,
        %mul3A_2481 = arith.constant 16 : i32
        %mul3A_2482 = arith.muli %scan3A_40, %mul3A_2481 : i32
        %add3A_2483 = arith.constant 14 : i32
        %add3A_2484 = arith.addi %mul3A_2482, %add3A_2483 : i32
        %slice3A_2485 = vector.extract_strided_slice %get3A_44 {offsets = [14], sizes = [1], strides = [1]} : vector<16xi32> to vector<1xi32>
        %squeeze3A_2486 = vector.extract %slice3A_2485[0] : i32 from vector<1xi32>
        %and3A_2487 = arith.constant 7 : i32
        %and3A_2488 = arith.andi %squeeze3A_2486, %and3A_2487 : i32
        %add3A_2489 = arith.addi %mul3A_16, %add3A_2484 : i32
        %mul3A_2490 = arith.constant 8 : i32
        %mul3A_2491 = arith.muli %add3A_2484, %mul3A_2490 : i32
        %add3A_2492 = arith.addi %mul3A_2491, %and3A_2488 : i32
        %get3A_2493 = arith.index_cast %add3A_2492 : i32 to index
        %get3A_2494 = arith.constant 0 : index
        %get3A_2495 = tpu.vector_load %arg8[%get3A_2493, %get3A_2494] {strides = array<i32>} : memref<256x16xf32, #tpu.memory_space<vmem>>, vector<16xf32>,
        %max3A_2496 = arith.constant 0.000000e+00 : f32
        %max3A_2497 = vector.broadcast %max3A_2496 : f32 to vector<16xf32>
        %max3A_2498 = arith.maximumf %get3A_2495, %max3A_2497 : vector<16xf32>
        %jit3A_2499 = arith.constant 8 : i32
        %div3A_2500 = arith.divsi %add3A_2489, %jit3A_2499 : i32
        %sign3A_2501 = arith.constant 0 : i32
        %sign3A_2502 = arith.cmpi sgt, %add3A_2489, %sign3A_2501 : i32
        %sign3A_2503 = arith.extui %sign3A_2502 : i1 to i32
        %sign3A_2504 = arith.constant 0 : i32
        %sign3A_2505 = arith.cmpi slt, %add3A_2489, %sign3A_2504 : i32
        %sign3A_2506 = arith.extui %sign3A_2505 : i1 to i32
        %sign3A_2507 = arith.subi %sign3A_2503, %sign3A_2506 : i32
        %sign3A_2508 = arith.constant 0 : i32
        %sign3A_2509 = arith.cmpi sgt, %jit3A_2499, %sign3A_2508 : i32
        %sign3A_2510 = arith.extui %sign3A_2509 : i1 to i32
        %sign3A_2511 = arith.constant 0 : i32
        %sign3A_2512 = arith.cmpi slt, %jit3A_2499, %sign3A_2511 : i32
        %sign3A_2513 = arith.extui %sign3A_2512 : i1 to i32
        %sign3A_2514 = arith.subi %sign3A_2510, %sign3A_2513 : i32
        %ne3A_2515 = arith.cmpi ne, %sign3A_2507, %sign3A_2514 : i32
        %rem3A_2516 = arith.remsi %add3A_2489, %jit3A_2499 : i32
        %ne3A_2517 = arith.constant 0 : i32
        %ne3A_2518 = arith.cmpi ne, %rem3A_2516, %ne3A_2517 : i32
        %and3A_2519 = arith.andi %ne3A_2515, %ne3A_2518 : i1
        %sub3A_2520 = arith.constant 1 : i32
        %sub3A_2521 = arith.subi %div3A_2500, %sub3A_2520 : i32
        %select_n3A_2522 = arith.select %and3A_2519, %sub3A_2521, %div3A_2500 : i32
        %jit3A_2523 = arith.constant 8 : i32
        %eq3A_2524 = arith.constant 0 : i32
        %eq3A_2525 = arith.cmpi eq, %jit3A_2523, %eq3A_2524 : i32
        %jit3A_2526 = arith.constant 1 : i32
        %select_n3A_2527 = arith.select %eq3A_2525, %jit3A_2526, %jit3A_2523 : i32
        %rem3A_2528 = arith.remsi %add3A_2489, %select_n3A_2527 : i32
        %ne3A_2529 = arith.constant 0 : i32
        %ne3A_2530 = arith.cmpi ne, %rem3A_2528, %ne3A_2529 : i32
        %lt3A_2531 = arith.constant 0 : i32
        %lt3A_2532 = arith.cmpi slt, %rem3A_2528, %lt3A_2531 : i32
        %lt3A_2533 = arith.constant 0 : i32
        %lt3A_2534 = arith.cmpi slt, %select_n3A_2527, %lt3A_2533 : i32
        %ne3A_2535 = arith.xori %lt3A_2532, %lt3A_2534 : i1
        %and3A_2536 = arith.andi %ne3A_2535, %ne3A_2530 : i1
        %add3A_2537 = arith.addi %rem3A_2528, %select_n3A_2527 : i32
        %select_n3A_2538 = arith.select %and3A_2536, %add3A_2537, %rem3A_2528 : i32
        %mul3A_2539 = arith.constant 16 : i32
        %mul3A_2540 = arith.muli %select_n3A_2538, %mul3A_2539 : i32
        %swap3A_2541 = arith.index_cast %select_n3A_2522 : i32 to index
        %swap3A_2542 = arith.index_cast %mul3A_2540 : i32 to index
        %swap3A_2543 = tpu.vector_load %arg10[%swap3A_2541, %swap3A_2542] {strides = array<i32>} : memref<64x128xf32, #tpu.memory_space<vmem>>, vector<16xf32>,
        tpu.vector_store %arg10[%swap3A_2541, %swap3A_2542], %max3A_2498 {strides = array<i32>} : memref<64x128xf32, #tpu.memory_space<vmem>>, vector<16xf32>,
        %mul3A_2544 = arith.constant 8 : i32
        %mul3A_2545 = arith.muli %add3A_2484, %mul3A_2544 : i32
        %add3A_2546 = arith.addi %mul3A_2545, %and3A_2488 : i32
        %get3A_2547 = arith.index_cast %add3A_2546 : i32 to index
        %get3A_2548 = arith.constant 0 : index
        %get3A_2549 = tpu.vector_load %arg9[%get3A_2547, %get3A_2548] {strides = array<i32>} : memref<256x32xf32, #tpu.memory_space<vmem>>, vector<16xf32>,
        %max3A_2550 = arith.constant 0.000000e+00 : f32
        %max3A_2551 = vector.broadcast %max3A_2550 : f32 to vector<16xf32>
        %max3A_2552 = arith.maximumf %get3A_2549, %max3A_2551 : vector<16xf32>
        %jit3A_2553 = arith.constant 4 : i32
        %div3A_2554 = arith.divsi %add3A_2489, %jit3A_2553 : i32
        %sign3A_2555 = arith.constant 0 : i32
        %sign3A_2556 = arith.cmpi sgt, %add3A_2489, %sign3A_2555 : i32
        %sign3A_2557 = arith.extui %sign3A_2556 : i1 to i32
        %sign3A_2558 = arith.constant 0 : i32
        %sign3A_2559 = arith.cmpi slt, %add3A_2489, %sign3A_2558 : i32
        %sign3A_2560 = arith.extui %sign3A_2559 : i1 to i32
        %sign3A_2561 = arith.subi %sign3A_2557, %sign3A_2560 : i32
        %sign3A_2562 = arith.constant 0 : i32
        %sign3A_2563 = arith.cmpi sgt, %jit3A_2553, %sign3A_2562 : i32
        %sign3A_2564 = arith.extui %sign3A_2563 : i1 to i32
        %sign3A_2565 = arith.constant 0 : i32
        %sign3A_2566 = arith.cmpi slt, %jit3A_2553, %sign3A_2565 : i32
        %sign3A_2567 = arith.extui %sign3A_2566 : i1 to i32
        %sign3A_2568 = arith.subi %sign3A_2564, %sign3A_2567 : i32
        %ne3A_2569 = arith.cmpi ne, %sign3A_2561, %sign3A_2568 : i32
        %rem3A_2570 = arith.remsi %add3A_2489, %jit3A_2553 : i32
        %ne3A_2571 = arith.constant 0 : i32
        %ne3A_2572 = arith.cmpi ne, %rem3A_2570, %ne3A_2571 : i32
        %and3A_2573 = arith.andi %ne3A_2569, %ne3A_2572 : i1
        %sub3A_2574 = arith.constant 1 : i32
        %sub3A_2575 = arith.subi %div3A_2554, %sub3A_2574 : i32
        %select_n3A_2576 = arith.select %and3A_2573, %sub3A_2575, %div3A_2554 : i32
        %jit3A_2577 = arith.constant 4 : i32
        %eq3A_2578 = arith.constant 0 : i32
        %eq3A_2579 = arith.cmpi eq, %jit3A_2577, %eq3A_2578 : i32
        %jit3A_2580 = arith.constant 1 : i32
        %select_n3A_2581 = arith.select %eq3A_2579, %jit3A_2580, %jit3A_2577 : i32
        %rem3A_2582 = arith.remsi %add3A_2489, %select_n3A_2581 : i32
        %ne3A_2583 = arith.constant 0 : i32
        %ne3A_2584 = arith.cmpi ne, %rem3A_2582, %ne3A_2583 : i32
        %lt3A_2585 = arith.constant 0 : i32
        %lt3A_2586 = arith.cmpi slt, %rem3A_2582, %lt3A_2585 : i32
        %lt3A_2587 = arith.constant 0 : i32
        %lt3A_2588 = arith.cmpi slt, %select_n3A_2581, %lt3A_2587 : i32
        %ne3A_2589 = arith.xori %lt3A_2586, %lt3A_2588 : i1
        %and3A_2590 = arith.andi %ne3A_2589, %ne3A_2584 : i1
        %add3A_2591 = arith.addi %rem3A_2582, %select_n3A_2581 : i32
        %select_n3A_2592 = arith.select %and3A_2590, %add3A_2591, %rem3A_2582 : i32
        %mul3A_2593 = arith.constant 32 : i32
        %mul3A_2594 = arith.muli %select_n3A_2592, %mul3A_2593 : i32
        %add3A_2595 = arith.constant 0 : i32
        %add3A_2596 = arith.addi %mul3A_2594, %add3A_2595 : i32
        %swap3A_2597 = arith.index_cast %select_n3A_2576 : i32 to index
        %swap3A_2598 = arith.index_cast %add3A_2596 : i32 to index
        %swap3A_2599 = tpu.vector_load %arg11[%swap3A_2597, %swap3A_2598] {strides = array<i32>} : memref<128x128xf32, #tpu.memory_space<vmem>>, vector<16xf32>,
        tpu.vector_store %arg11[%swap3A_2597, %swap3A_2598], %max3A_2552 {strides = array<i32>} : memref<128x128xf32, #tpu.memory_space<vmem>>, vector<16xf32>,
        %mul3A_2600 = arith.constant 8 : i32
        %mul3A_2601 = arith.muli %add3A_2484, %mul3A_2600 : i32
        %add3A_2602 = arith.addi %mul3A_2601, %and3A_2488 : i32
        %get3A_2603 = arith.index_cast %add3A_2602 : i32 to index
        %get3A_2604 = arith.constant 16 : index
        %get3A_2605 = tpu.vector_load %arg9[%get3A_2603, %get3A_2604] {strides = array<i32>} : memref<256x32xf32, #tpu.memory_space<vmem>>, vector<16xf32>,
        %max3A_2606 = arith.constant 0.000000e+00 : f32
        %max3A_2607 = vector.broadcast %max3A_2606 : f32 to vector<16xf32>
        %max3A_2608 = arith.maximumf %get3A_2605, %max3A_2607 : vector<16xf32>
        %jit3A_2609 = arith.constant 4 : i32
        %div3A_2610 = arith.divsi %add3A_2489, %jit3A_2609 : i32
        %sign3A_2611 = arith.constant 0 : i32
        %sign3A_2612 = arith.cmpi sgt, %add3A_2489, %sign3A_2611 : i32
        %sign3A_2613 = arith.extui %sign3A_2612 : i1 to i32
        %sign3A_2614 = arith.constant 0 : i32
        %sign3A_2615 = arith.cmpi slt, %add3A_2489, %sign3A_2614 : i32
        %sign3A_2616 = arith.extui %sign3A_2615 : i1 to i32
        %sign3A_2617 = arith.subi %sign3A_2613, %sign3A_2616 : i32
        %sign3A_2618 = arith.constant 0 : i32
        %sign3A_2619 = arith.cmpi sgt, %jit3A_2609, %sign3A_2618 : i32
        %sign3A_2620 = arith.extui %sign3A_2619 : i1 to i32
        %sign3A_2621 = arith.constant 0 : i32
        %sign3A_2622 = arith.cmpi slt, %jit3A_2609, %sign3A_2621 : i32
        %sign3A_2623 = arith.extui %sign3A_2622 : i1 to i32
        %sign3A_2624 = arith.subi %sign3A_2620, %sign3A_2623 : i32
        %ne3A_2625 = arith.cmpi ne, %sign3A_2617, %sign3A_2624 : i32
        %rem3A_2626 = arith.remsi %add3A_2489, %jit3A_2609 : i32
        %ne3A_2627 = arith.constant 0 : i32
        %ne3A_2628 = arith.cmpi ne, %rem3A_2626, %ne3A_2627 : i32
        %and3A_2629 = arith.andi %ne3A_2625, %ne3A_2628 : i1
        %sub3A_2630 = arith.constant 1 : i32
        %sub3A_2631 = arith.subi %div3A_2610, %sub3A_2630 : i32
        %select_n3A_2632 = arith.select %and3A_2629, %sub3A_2631, %div3A_2610 : i32
        %jit3A_2633 = arith.constant 4 : i32
        %eq3A_2634 = arith.constant 0 : i32
        %eq3A_2635 = arith.cmpi eq, %jit3A_2633, %eq3A_2634 : i32
        %jit3A_2636 = arith.constant 1 : i32
        %select_n3A_2637 = arith.select %eq3A_2635, %jit3A_2636, %jit3A_2633 : i32
        %rem3A_2638 = arith.remsi %add3A_2489, %select_n3A_2637 : i32
        %ne3A_2639 = arith.constant 0 : i32
        %ne3A_2640 = arith.cmpi ne, %rem3A_2638, %ne3A_2639 : i32
        %lt3A_2641 = arith.constant 0 : i32
        %lt3A_2642 = arith.cmpi slt, %rem3A_2638, %lt3A_2641 : i32
        %lt3A_2643 = arith.constant 0 : i32
        %lt3A_2644 = arith.cmpi slt, %select_n3A_2637, %lt3A_2643 : i32
        %ne3A_2645 = arith.xori %lt3A_2642, %lt3A_2644 : i1
        %and3A_2646 = arith.andi %ne3A_2645, %ne3A_2640 : i1
        %add3A_2647 = arith.addi %rem3A_2638, %select_n3A_2637 : i32
        %select_n3A_2648 = arith.select %and3A_2646, %add3A_2647, %rem3A_2638 : i32
        %mul3A_2649 = arith.constant 32 : i32
        %mul3A_2650 = arith.muli %select_n3A_2648, %mul3A_2649 : i32
        %add3A_2651 = arith.constant 16 : i32
        %add3A_2652 = arith.addi %mul3A_2650, %add3A_2651 : i32
        %swap3A_2653 = arith.index_cast %select_n3A_2632 : i32 to index
        %swap3A_2654 = arith.index_cast %add3A_2652 : i32 to index
        %swap3A_2655 = tpu.vector_load %arg11[%swap3A_2653, %swap3A_2654] {strides = array<i32>} : memref<128x128xf32, #tpu.memory_space<vmem>>, vector<16xf32>,
        tpu.vector_store %arg11[%swap3A_2653, %swap3A_2654], %max3A_2608 {strides = array<i32>} : memref<128x128xf32, #tpu.memory_space<vmem>>, vector<16xf32>,
        %mul3A_2656 = arith.constant 16 : i32
        %mul3A_2657 = arith.muli %scan3A_40, %mul3A_2656 : i32
        %add3A_2658 = arith.constant 15 : i32
        %add3A_2659 = arith.addi %mul3A_2657, %add3A_2658 : i32
        %slice3A_2660 = vector.extract_strided_slice %get3A_44 {offsets = [15], sizes = [1], strides = [1]} : vector<16xi32> to vector<1xi32>
        %squeeze3A_2661 = vector.extract %slice3A_2660[0] : i32 from vector<1xi32>
        %and3A_2662 = arith.constant 7 : i32
        %and3A_2663 = arith.andi %squeeze3A_2661, %and3A_2662 : i32
        %add3A_2664 = arith.addi %mul3A_16, %add3A_2659 : i32
        %mul3A_2665 = arith.constant 8 : i32
        %mul3A_2666 = arith.muli %add3A_2659, %mul3A_2665 : i32
        %add3A_2667 = arith.addi %mul3A_2666, %and3A_2663 : i32
        %get3A_2668 = arith.index_cast %add3A_2667 : i32 to index
        %get3A_2669 = arith.constant 0 : index
        %get3A_2670 = tpu.vector_load %arg8[%get3A_2668, %get3A_2669] {strides = array<i32>} : memref<256x16xf32, #tpu.memory_space<vmem>>, vector<16xf32>,
        %max3A_2671 = arith.constant 0.000000e+00 : f32
        %max3A_2672 = vector.broadcast %max3A_2671 : f32 to vector<16xf32>
        %max3A_2673 = arith.maximumf %get3A_2670, %max3A_2672 : vector<16xf32>
        %jit3A_2674 = arith.constant 8 : i32
        %div3A_2675 = arith.divsi %add3A_2664, %jit3A_2674 : i32
        %sign3A_2676 = arith.constant 0 : i32
        %sign3A_2677 = arith.cmpi sgt, %add3A_2664, %sign3A_2676 : i32
        %sign3A_2678 = arith.extui %sign3A_2677 : i1 to i32
        %sign3A_2679 = arith.constant 0 : i32
        %sign3A_2680 = arith.cmpi slt, %add3A_2664, %sign3A_2679 : i32
        %sign3A_2681 = arith.extui %sign3A_2680 : i1 to i32
        %sign3A_2682 = arith.subi %sign3A_2678, %sign3A_2681 : i32
        %sign3A_2683 = arith.constant 0 : i32
        %sign3A_2684 = arith.cmpi sgt, %jit3A_2674, %sign3A_2683 : i32
        %sign3A_2685 = arith.extui %sign3A_2684 : i1 to i32
        %sign3A_2686 = arith.constant 0 : i32
        %sign3A_2687 = arith.cmpi slt, %jit3A_2674, %sign3A_2686 : i32
        %sign3A_2688 = arith.extui %sign3A_2687 : i1 to i32
        %sign3A_2689 = arith.subi %sign3A_2685, %sign3A_2688 : i32
        %ne3A_2690 = arith.cmpi ne, %sign3A_2682, %sign3A_2689 : i32
        %rem3A_2691 = arith.remsi %add3A_2664, %jit3A_2674 : i32
        %ne3A_2692 = arith.constant 0 : i32
        %ne3A_2693 = arith.cmpi ne, %rem3A_2691, %ne3A_2692 : i32
        %and3A_2694 = arith.andi %ne3A_2690, %ne3A_2693 : i1
        %sub3A_2695 = arith.constant 1 : i32
        %sub3A_2696 = arith.subi %div3A_2675, %sub3A_2695 : i32
        %select_n3A_2697 = arith.select %and3A_2694, %sub3A_2696, %div3A_2675 : i32
        %jit3A_2698 = arith.constant 8 : i32
        %eq3A_2699 = arith.constant 0 : i32
        %eq3A_2700 = arith.cmpi eq, %jit3A_2698, %eq3A_2699 : i32
        %jit3A_2701 = arith.constant 1 : i32
        %select_n3A_2702 = arith.select %eq3A_2700, %jit3A_2701, %jit3A_2698 : i32
        %rem3A_2703 = arith.remsi %add3A_2664, %select_n3A_2702 : i32
        %ne3A_2704 = arith.constant 0 : i32
        %ne3A_2705 = arith.cmpi ne, %rem3A_2703, %ne3A_2704 : i32
        %lt3A_2706 = arith.constant 0 : i32
        %lt3A_2707 = arith.cmpi slt, %rem3A_2703, %lt3A_2706 : i32
        %lt3A_2708 = arith.constant 0 : i32
        %lt3A_2709 = arith.cmpi slt, %select_n3A_2702, %lt3A_2708 : i32
        %ne3A_2710 = arith.xori %lt3A_2707, %lt3A_2709 : i1
        %and3A_2711 = arith.andi %ne3A_2710, %ne3A_2705 : i1
        %add3A_2712 = arith.addi %rem3A_2703, %select_n3A_2702 : i32
        %select_n3A_2713 = arith.select %and3A_2711, %add3A_2712, %rem3A_2703 : i32
        %mul3A_2714 = arith.constant 16 : i32
        %mul3A_2715 = arith.muli %select_n3A_2713, %mul3A_2714 : i32
        %swap3A_2716 = arith.index_cast %select_n3A_2697 : i32 to index
        %swap3A_2717 = arith.index_cast %mul3A_2715 : i32 to index
        %swap3A_2718 = tpu.vector_load %arg10[%swap3A_2716, %swap3A_2717] {strides = array<i32>} : memref<64x128xf32, #tpu.memory_space<vmem>>, vector<16xf32>,
        tpu.vector_store %arg10[%swap3A_2716, %swap3A_2717], %max3A_2673 {strides = array<i32>} : memref<64x128xf32, #tpu.memory_space<vmem>>, vector<16xf32>,
        %mul3A_2719 = arith.constant 8 : i32
        %mul3A_2720 = arith.muli %add3A_2659, %mul3A_2719 : i32
        %add3A_2721 = arith.addi %mul3A_2720, %and3A_2663 : i32
        %get3A_2722 = arith.index_cast %add3A_2721 : i32 to index
        %get3A_2723 = arith.constant 0 : index
        %get3A_2724 = tpu.vector_load %arg9[%get3A_2722, %get3A_2723] {strides = array<i32>} : memref<256x32xf32, #tpu.memory_space<vmem>>, vector<16xf32>,
        %max3A_2725 = arith.constant 0.000000e+00 : f32
        %max3A_2726 = vector.broadcast %max3A_2725 : f32 to vector<16xf32>
        %max3A_2727 = arith.maximumf %get3A_2724, %max3A_2726 : vector<16xf32>
        %jit3A_2728 = arith.constant 4 : i32
        %div3A_2729 = arith.divsi %add3A_2664, %jit3A_2728 : i32
        %sign3A_2730 = arith.constant 0 : i32
        %sign3A_2731 = arith.cmpi sgt, %add3A_2664, %sign3A_2730 : i32
        %sign3A_2732 = arith.extui %sign3A_2731 : i1 to i32
        %sign3A_2733 = arith.constant 0 : i32
        %sign3A_2734 = arith.cmpi slt, %add3A_2664, %sign3A_2733 : i32
        %sign3A_2735 = arith.extui %sign3A_2734 : i1 to i32
        %sign3A_2736 = arith.subi %sign3A_2732, %sign3A_2735 : i32
        %sign3A_2737 = arith.constant 0 : i32
        %sign3A_2738 = arith.cmpi sgt, %jit3A_2728, %sign3A_2737 : i32
        %sign3A_2739 = arith.extui %sign3A_2738 : i1 to i32
        %sign3A_2740 = arith.constant 0 : i32
        %sign3A_2741 = arith.cmpi slt, %jit3A_2728, %sign3A_2740 : i32
        %sign3A_2742 = arith.extui %sign3A_2741 : i1 to i32
        %sign3A_2743 = arith.subi %sign3A_2739, %sign3A_2742 : i32
        %ne3A_2744 = arith.cmpi ne, %sign3A_2736, %sign3A_2743 : i32
        %rem3A_2745 = arith.remsi %add3A_2664, %jit3A_2728 : i32
        %ne3A_2746 = arith.constant 0 : i32
        %ne3A_2747 = arith.cmpi ne, %rem3A_2745, %ne3A_2746 : i32
        %and3A_2748 = arith.andi %ne3A_2744, %ne3A_2747 : i1
        %sub3A_2749 = arith.constant 1 : i32
        %sub3A_2750 = arith.subi %div3A_2729, %sub3A_2749 : i32
        %select_n3A_2751 = arith.select %and3A_2748, %sub3A_2750, %div3A_2729 : i32
        %jit3A_2752 = arith.constant 4 : i32
        %eq3A_2753 = arith.constant 0 : i32
        %eq3A_2754 = arith.cmpi eq, %jit3A_2752, %eq3A_2753 : i32
        %jit3A_2755 = arith.constant 1 : i32
        %select_n3A_2756 = arith.select %eq3A_2754, %jit3A_2755, %jit3A_2752 : i32
        %rem3A_2757 = arith.remsi %add3A_2664, %select_n3A_2756 : i32
        %ne3A_2758 = arith.constant 0 : i32
        %ne3A_2759 = arith.cmpi ne, %rem3A_2757, %ne3A_2758 : i32
        %lt3A_2760 = arith.constant 0 : i32
        %lt3A_2761 = arith.cmpi slt, %rem3A_2757, %lt3A_2760 : i32
        %lt3A_2762 = arith.constant 0 : i32
        %lt3A_2763 = arith.cmpi slt, %select_n3A_2756, %lt3A_2762 : i32
        %ne3A_2764 = arith.xori %lt3A_2761, %lt3A_2763 : i1
        %and3A_2765 = arith.andi %ne3A_2764, %ne3A_2759 : i1
        %add3A_2766 = arith.addi %rem3A_2757, %select_n3A_2756 : i32
        %select_n3A_2767 = arith.select %and3A_2765, %add3A_2766, %rem3A_2757 : i32
        %mul3A_2768 = arith.constant 32 : i32
        %mul3A_2769 = arith.muli %select_n3A_2767, %mul3A_2768 : i32
        %add3A_2770 = arith.constant 0 : i32
        %add3A_2771 = arith.addi %mul3A_2769, %add3A_2770 : i32
        %swap3A_2772 = arith.index_cast %select_n3A_2751 : i32 to index
        %swap3A_2773 = arith.index_cast %add3A_2771 : i32 to index
        %swap3A_2774 = tpu.vector_load %arg11[%swap3A_2772, %swap3A_2773] {strides = array<i32>} : memref<128x128xf32, #tpu.memory_space<vmem>>, vector<16xf32>,
        tpu.vector_store %arg11[%swap3A_2772, %swap3A_2773], %max3A_2727 {strides = array<i32>} : memref<128x128xf32, #tpu.memory_space<vmem>>, vector<16xf32>,
        %mul3A_2775 = arith.constant 8 : i32
        %mul3A_2776 = arith.muli %add3A_2659, %mul3A_2775 : i32
        %add3A_2777 = arith.addi %mul3A_2776, %and3A_2663 : i32
        %get3A_2778 = arith.index_cast %add3A_2777 : i32 to index
        %get3A_2779 = arith.constant 16 : index
        %get3A_2780 = tpu.vector_load %arg9[%get3A_2778, %get3A_2779] {strides = array<i32>} : memref<256x32xf32, #tpu.memory_space<vmem>>, vector<16xf32>,
        %max3A_2781 = arith.constant 0.000000e+00 : f32
        %max3A_2782 = vector.broadcast %max3A_2781 : f32 to vector<16xf32>
        %max3A_2783 = arith.maximumf %get3A_2780, %max3A_2782 : vector<16xf32>
        %jit3A_2784 = arith.constant 4 : i32
        %div3A_2785 = arith.divsi %add3A_2664, %jit3A_2784 : i32
        %sign3A_2786 = arith.constant 0 : i32
        %sign3A_2787 = arith.cmpi sgt, %add3A_2664, %sign3A_2786 : i32
        %sign3A_2788 = arith.extui %sign3A_2787 : i1 to i32
        %sign3A_2789 = arith.constant 0 : i32
        %sign3A_2790 = arith.cmpi slt, %add3A_2664, %sign3A_2789 : i32
        %sign3A_2791 = arith.extui %sign3A_2790 : i1 to i32
        %sign3A_2792 = arith.subi %sign3A_2788, %sign3A_2791 : i32
        %sign3A_2793 = arith.constant 0 : i32
        %sign3A_2794 = arith.cmpi sgt, %jit3A_2784, %sign3A_2793 : i32
        %sign3A_2795 = arith.extui %sign3A_2794 : i1 to i32
        %sign3A_2796 = arith.constant 0 : i32
        %sign3A_2797 = arith.cmpi slt, %jit3A_2784, %sign3A_2796 : i32
        %sign3A_2798 = arith.extui %sign3A_2797 : i1 to i32
        %sign3A_2799 = arith.subi %sign3A_2795, %sign3A_2798 : i32
        %ne3A_2800 = arith.cmpi ne, %sign3A_2792, %sign3A_2799 : i32
        %rem3A_2801 = arith.remsi %add3A_2664, %jit3A_2784 : i32
        %ne3A_2802 = arith.constant 0 : i32
        %ne3A_2803 = arith.cmpi ne, %rem3A_2801, %ne3A_2802 : i32
        %and3A_2804 = arith.andi %ne3A_2800, %ne3A_2803 : i1
        %sub3A_2805 = arith.constant 1 : i32
        %sub3A_2806 = arith.subi %div3A_2785, %sub3A_2805 : i32
        %select_n3A_2807 = arith.select %and3A_2804, %sub3A_2806, %div3A_2785 : i32
        %jit3A_2808 = arith.constant 4 : i32
        %eq3A_2809 = arith.constant 0 : i32
        %eq3A_2810 = arith.cmpi eq, %jit3A_2808, %eq3A_2809 : i32
        %jit3A_2811 = arith.constant 1 : i32
        %select_n3A_2812 = arith.select %eq3A_2810, %jit3A_2811, %jit3A_2808 : i32
        %rem3A_2813 = arith.remsi %add3A_2664, %select_n3A_2812 : i32
        %ne3A_2814 = arith.constant 0 : i32
        %ne3A_2815 = arith.cmpi ne, %rem3A_2813, %ne3A_2814 : i32
        %lt3A_2816 = arith.constant 0 : i32
        %lt3A_2817 = arith.cmpi slt, %rem3A_2813, %lt3A_2816 : i32
        %lt3A_2818 = arith.constant 0 : i32
        %lt3A_2819 = arith.cmpi slt, %select_n3A_2812, %lt3A_2818 : i32
        %ne3A_2820 = arith.xori %lt3A_2817, %lt3A_2819 : i1
        %and3A_2821 = arith.andi %ne3A_2820, %ne3A_2815 : i1
        %add3A_2822 = arith.addi %rem3A_2813, %select_n3A_2812 : i32
        %select_n3A_2823 = arith.select %and3A_2821, %add3A_2822, %rem3A_2813 : i32
        %mul3A_2824 = arith.constant 32 : i32
        %mul3A_2825 = arith.muli %select_n3A_2823, %mul3A_2824 : i32
        %add3A_2826 = arith.constant 16 : i32
        %add3A_2827 = arith.addi %mul3A_2825, %add3A_2826 : i32
        %swap3A_2828 = arith.index_cast %select_n3A_2807 : i32 to index
        %swap3A_2829 = arith.index_cast %add3A_2827 : i32 to index
        %swap3A_2830 = tpu.vector_load %arg11[%swap3A_2828, %swap3A_2829] {strides = array<i32>} : memref<128x128xf32, #tpu.memory_space<vmem>>, vector<16xf32>,
        tpu.vector_store %arg11[%swap3A_2828, %swap3A_2829], %max3A_2783 {strides = array<i32>} : memref<128x128xf32, #tpu.memory_space<vmem>>, vector<16xf32>,
      }
      %scan3A_39 = arith.constant 2 : i32
    }
    %scan3A_7 = arith.constant 16 : i32
    %mul3A_8 = arith.constant 64 : i32
    %mul3A_9 = arith.muli %add3A, %mul3A_8 : i32
    %multiple_of3A_10 = tpu.assume_multiple %mul3A_9, 64 : i32
    "tpu.region"() ({
      %run_scoped3A = tpu.sem_alloc : memref<!tpu.dma_semaphore, #tpu.memory_space<semaphore_mem>>
      %dma_start3A = arith.constant 0 : i32
      %dma_start3A_14 = tpu.memref_slice %arg5[%multiple_of3A_10, %dma_start3A] : memref<2048x128xf32, #tpu.memory_space<hbm>> -> memref<64x128xf32, #tpu.memory_space<hbm>>
      %dma_start3A_15 = arith.constant 0 : i32
      %dma_start3A_16 = tpu.memref_slice %arg5[%multiple_of3A_10, %dma_start3A_15] : memref<2048x128xf32, #tpu.memory_space<hbm>> -> memref<64x128xf32, #tpu.memory_space<hbm>>
      tpu.enqueue_dma source(%arg10 : memref<64x128xf32, #tpu.memory_space<vmem>>) target(%dma_start3A_16 : memref<64x128xf32, #tpu.memory_space<hbm>>) target_semaphore(%run_scoped3A : memref<!tpu.dma_semaphore, #tpu.memory_space<semaphore_mem>>)
      %dma_wait3A = arith.constant 0 : i32
      %dma_wait3A_17 = tpu.memref_slice %arg5[%multiple_of3A_10, %dma_wait3A] : memref<2048x128xf32, #tpu.memory_space<hbm>> -> memref<64x128xf32, #tpu.memory_space<hbm>>
      %dma_wait3A_18 = arith.constant 0 : i32
      %dma_wait3A_19 = tpu.memref_slice %arg5[%multiple_of3A_10, %dma_wait3A_18] : memref<2048x128xf32, #tpu.memory_space<hbm>> -> memref<64x128xf32, #tpu.memory_space<hbm>>
      tpu.wait_dma2 semaphore(%run_scoped3A : memref<!tpu.dma_semaphore, #tpu.memory_space<semaphore_mem>>) src(%arg10 : memref<64x128xf32, #tpu.memory_space<vmem>>) dst(%dma_wait3A_19 : memref<64x128xf32, #tpu.memory_space<hbm>>)
      tpu.yield
    }) : () -> ()
    %mul3A_11 = arith.constant 128 : i32
    %mul3A_12 = arith.muli %add3A, %mul3A_11 : i32
    %multiple_of3A_13 = tpu.assume_multiple %mul3A_12, 128 : i32
    "tpu.region"() ({
      %run_scoped3A = tpu.sem_alloc : memref<!tpu.dma_semaphore, #tpu.memory_space<semaphore_mem>>
      %dma_start3A = arith.constant 0 : i32
      %dma_start3A_14 = tpu.memref_slice %arg6[%multiple_of3A_13, %dma_start3A] : memref<4096x128xf32, #tpu.memory_space<hbm>> -> memref<128x128xf32, #tpu.memory_space<hbm>>
      %dma_start3A_15 = arith.constant 0 : i32
      %dma_start3A_16 = tpu.memref_slice %arg6[%multiple_of3A_13, %dma_start3A_15] : memref<4096x128xf32, #tpu.memory_space<hbm>> -> memref<128x128xf32, #tpu.memory_space<hbm>>
      tpu.enqueue_dma source(%arg11 : memref<128x128xf32, #tpu.memory_space<vmem>>) target(%dma_start3A_16 : memref<128x128xf32, #tpu.memory_space<hbm>>) target_semaphore(%run_scoped3A : memref<!tpu.dma_semaphore, #tpu.memory_space<semaphore_mem>>)
      %dma_wait3A = arith.constant 0 : i32
      %dma_wait3A_17 = tpu.memref_slice %arg6[%multiple_of3A_13, %dma_wait3A] : memref<4096x128xf32, #tpu.memory_space<hbm>> -> memref<128x128xf32, #tpu.memory_space<hbm>>
      %dma_wait3A_18 = arith.constant 0 : i32
      %dma_wait3A_19 = tpu.memref_slice %arg6[%multiple_of3A_13, %dma_wait3A_18] : memref<4096x128xf32, #tpu.memory_space<hbm>> -> memref<128x128xf32, #tpu.memory_space<hbm>>
      tpu.wait_dma2 semaphore(%run_scoped3A : memref<!tpu.dma_semaphore, #tpu.memory_space<semaphore_mem>>) src(%arg11 : memref<128x128xf32, #tpu.memory_space<vmem>>) dst(%dma_wait3A_19 : memref<128x128xf32, #tpu.memory_space<hbm>>)
      tpu.yield
    }) : () -> ()
    return
  }
}

</mosaic_0001>

<sc_bundles>
// kernel: _statenet_sc.3.cloned.1.call-start
scs
__scs_entry_jumppad:
0x0: {  	(pc) =	sbr.rel $0x88, $3  }
0x1: {  	(tag) =	ssettag $0x0;
	lr =	simm.s32 $0x1  }
0x2: {  	[smem:$0x3F9E] =	sst lr;
	_ =	strace $0xD0000000  }
0x3: {  	_ = 	snop  }
0x4: {  	_ = 	snop  }
0x5: {  	_ = 	snop  }
0x6: {  	_ = 	snop  }
0x7: {  	_ = 	snop  }
__scs_overlays_trampoline_lowered:
0x8: {  	[smem:$0x3FAD] =	sst s0  }
0x9: {  	[smem:$0x3FAE] =	sst s1  }
0xa: {  	[smem:$0x3FAF] =	sst s2  }
0xb: {  	[smem:$0x3FB0] =	sst s3  }
0xc: {  	[smem:$0x3FB1] =	sst s4  }
0xd: {  	[smem:$0x3FB2] =	sst s5  }
0xe: {  	[smem:$0x3FB3] =	sst s6  }
0xf: {  	[smem:$0x3FB4] =	sst s7  }
0x10: {  	[smem:$0x3FB5] =	sst s8  }
0x11: {  	[smem:$0x3FB6] =	sst s9;
	s0 =	simm.s32 @!p0 $0x0  }
0x12: {  	s1 =	sld [smem:$0x3F9C];
	s0 =	simm.s32 @p0 $0x1  }
0x13: {  	[smem:$0x3FB7] =	sst s0;
	s0 =	simm.s32 @!p1 $0x0  }
0x14: {  	s2 =	sld [smem:$0x3F9B];
	s0 =	simm.s32 @p1 $0x1  }
0x15: {  	[smem:$0x3FB8] =	sst s0;
	s0 =	simm.s32 @!p2 $0x0  }
0x16: {  	s3 =	sld [smem:$0x3FDB];
	s0 =	simm.s32 @p2 $0x1  }
0x17: {  	s4 =	simm.s32 $0x1BF5;
	[smem:$0x3FBA] =	sst s0  }
0x18: {  	s0 =	sld [smem:$0x3F9D];
	_ =	swait.ge [sflag:s4], $0x0  }
0x19: {  	s7 =	sld [smem:$0x3F9E]  }
0x1a: {  	s8 =	sadd.s32 $0xFFFFE003, lr  }
0x1b: {  	s9 =	sadd.s32 $0xFFFFFEF7, lr;
	s5 =	simm.s32 $0xFFFFFFFF;
	p2 =	slt.u32 s8, $0xFFFFF086  }
0x1c: {  	p1 =	slt.u32 s9, $0xF7A;
	s5 =	simm.s32 @!p2 $0x0  }
0x1d: {  	s5 =	simm.s32 @p1 $0x1;
	p0 =	seq.s32 s7, s2  }
0x1e: {  	s7 =	smul.u32 @!p0 $0xF7A, s2;
	p2 =	seq.s32 @!p0 s5, $0x0  }
0x1f: {  	s9 =	smul.u32 $0xF7A, s1;
	s8 =	simm.s32 @!p0 $0x1BF5;
	p2 =	por !p2, p0  }
0x20: {  	[sflag:s8] =	ssyncset.s32 @!p0 $0xFFFFF086;
	s6 =	sadd.s32 @!p0 s3, s7;
	s7 =	simm.s32 @!p0 $0x108  }
0x21: {  	s3 =	sadd.s32 s3, s9;
	s6 =	sadd.s32 @!p0 $0x88, s6;
	s7 =	simm.s32 @p2 $0x1082  }
0x22: {  	[simem:s7], [sflag:s8] =	dma.local @!p0 [hbm:s6], $0xF7A  }
0x23: {  	s9 =	sor.u32 $0xD0000000, s2;
	s6 =	simm.s32 $0x108;
	_ =	swait.ge @!p0 [sflag:s8], $0x0  }
0x24: {  	s3 =	sadd.s32 $0x88, s3;
	s6 =	simm.s32 @!p1 $0x1082;
	[sflag:s4] =	ssyncset.s32 $0xFFFFF086  }
0x25: {  	[simem:s6], [sflag:s4] =	dma.local [hbm:s3], $0xF7A  }
0x26: {  	[smem:$0x3F9E] =	sst s1;
	(tag) =	ssettag s2;
	_ =	strace s9  }
0x27: {  	s1 =	sld [smem:$0x3FAE]  }
0x28: {  	s2 =	sld [smem:$0x3FAF]  }
0x29: {  	s4 =	sld [smem:$0x3FB1]  }
0x2a: {  	p0 =	seq.s32 s5, $0x0;
	s5 =	sld [smem:$0x3FB2]  }
0x2b: {  	s6 =	sld [smem:$0x3FB3]  }
0x2c: {  	s7 =	sld [smem:$0x3FB4]  }
0x2d: {  	s3 =	simm.s32 $0x108;
	s8 =	sld [smem:$0x3FB5]  }
0x2e: {  	s3 =	simm.s32 @!p0 $0x1082;
	s9 =	sld [smem:$0x3FB6]  }
0x2f: {  	lr =	sadd.s32 s0, s3;
	s0 =	sld [smem:$0x3FAD]  }
0x30: {  	s3 =	sld [smem:$0x3FB0]  }
0x31: {  	[smem:$0x3FB9] =	sst s10  }
0x32: {  	s10 =	sld [smem:$0x3FB7];
	_ =	sdelay $0x3  }
0x33: {  	p0 =	seq.s32 s10, $0x1;
	s10 =	sld [smem:$0x3FB9];
	_ =	sdelay $0x3  }
0x34: {  	[smem:$0x3FB9] =	sst s10  }
0x35: {  	s10 =	sld [smem:$0x3FB8];
	_ =	sdelay $0x3  }
0x36: {  	p1 =	seq.s32 s10, $0x1;
	s10 =	sld [smem:$0x3FB9];
	_ =	sdelay $0x3  }
0x37: {  	[smem:$0x3FB9] =	sst s10  }
0x38: {  	s10 =	sld [smem:$0x3FBA]  }
0x39: {  	_ = 	snop;
	(pc) =	sbr.ind lr, $3  }
0x3a: {  	_ = 	snop  }
0x3b: {  	_ = 	snop  }
0x3c: {  	p2 =	seq.s32 s10, $0x1;
	s10 =	sld [smem:$0x3FB9]  }
0x3d: {  	_ =	shalt  }
0x3e: {  	_ =	shalt  }
0x3f: {  	_ =	shalt  }
0x40: {  	_ =	shalt  }
0x41: {  	_ =	shalt  }
0x42: {  	_ =	shalt  }
0x43: {  	_ =	shalt  }
0x44: {  	_ =	shalt  }
0x45: {  	_ =	shalt  }
0x46: {  	_ =	shalt  }
0x47: {  	_ =	shalt  }
0x48: {  	_ =	shalt  }
0x49: {  	_ =	shalt  }
0x4a: {  	_ =	shalt  }
0x4b: {  	_ =	shalt  }
0x4c: {  	_ =	shalt  }
0x4d: {  	_ =	shalt  }
0x4e: {  	_ =	shalt  }
0x4f: {  	_ =	shalt  }
0x50: {  	_ =	shalt  }
0x51: {  	_ =	shalt  }
0x52: {  	_ =	shalt  }
0x53: {  	_ =	shalt  }
0x54: {  	_ =	shalt  }
0x55: {  	_ =	shalt  }
0x56: {  	_ =	shalt  }
0x57: {  	_ =	shalt  }
0x58: {  	_ =	shalt  }
0x59: {  	_ =	shalt  }
0x5a: {  	_ =	shalt  }
0x5b: {  	_ =	shalt  }
0x5c: {  	_ =	shalt  }
0x5d: {  	_ =	shalt  }
0x5e: {  	_ =	shalt  }
0x5f: {  	_ =	shalt  }
0x60: {  	_ =	shalt  }
0x61: {  	_ =	shalt  }
0x62: {  	_ =	shalt  }
0x63: {  	_ =	shalt  }
0x64: {  	_ =	shalt  }
0x65: {  	_ =	shalt  }
0x66: {  	_ =	shalt  }
0x67: {  	_ =	shalt  }
0x68: {  	_ =	shalt  }
0x69: {  	_ =	shalt  }
0x6a: {  	_ =	shalt  }
0x6b: {  	_ =	shalt  }
0x6c: {  	_ =	shalt  }
0x6d: {  	_ =	shalt  }
0x6e: {  	_ =	shalt  }
0x6f: {  	_ =	shalt  }
0x70: {  	_ =	shalt  }
0x71: {  	_ =	shalt  }
0x72: {  	_ =	shalt  }
0x73: {  	_ =	shalt  }
0x74: {  	_ =	shalt  }
0x75: {  	_ =	shalt  }
0x76: {  	_ =	shalt  }
0x77: {  	_ =	shalt  }
0x78: {  	_ =	shalt  }
0x79: {  	_ =	shalt  }
0x7a: {  	_ =	shalt  }
0x7b: {  	_ =	shalt  }
0x7c: {  	_ =	shalt  }
0x7d: {  	_ =	shalt  }
0x7e: {  	_ =	shalt  }
0x7f: {  	_ =	shalt  }
0x80: {  	_ =	shalt  }
0x81: {  	_ =	shalt  }
0x82: {  	_ =	shalt  }
0x83: {  	_ =	shalt  }
0x84: {  	_ =	shalt  }
0x85: {  	_ =	shalt  }
0x86: {  	_ =	shalt  }
0x87: {  	_ =	shalt  }
.Lfunc_end0:
.L_simem_size_0:
called_computation_lowered:
.L_overlay_start_0:
0x88: {  	s2 =	sld [smem:$0x3FD9]  }
0x89: {  	s3 =	sld [smem:$0x3FFE];
	_ =	sdelay $0x1  }
0x8a: {  	s1 =	srdreg.scid  }
0x8b: {  	s0 =	sand.u32 $0x1, s1  }
0x8c: {  	s14 =	sshll.u32 s0, $0xA;
	s2 =	sadd.s32 s3, s2  }
0x8d: {  	s2 =	sadd.s32 s2, s14  }
0x8e: {  	[smem:$0x3FC5] =	sst s2  }
0x8f: {  	_ = 	snop  }
0x90: {  	s2 =	sld [smem:$0x3FD0];
	_ =	sdelay $0x2  }
0x91: {  	s4 =	simm.s32 $0xA;
	s5 =	simm.s32 $0x10;
	s15 =	sld [smem:$0x3FC7]  }
0x92: {  	[smem:s5], [sflag:s4] =	dma.local [hbm:s2], $0x1  }
0x93: {  	_ =	swait.eq [sflag:s4], $0x1  }
0x94: {  	[sflag:s4] =	ssyncset.done $0x0  }
0x95: {  	s16 =	sld [smem:$0x10];
	[sflag:s4] =	ssyncadd.s32 $0xFFFFFFFF  }
0x96: {  	s17 =	sld [smem:$0x11];
	(tm) =	ssettm $0x1  }
0x97: {  	s18 =	sld [smem:$0x3FFB];
	_ =	sdelay $0x3  }
0x98: {  	_ =	strace s18  }
0x99: {  	s5 =	sld [smem:$0x3FFC];
	_ =	sdelay $0x3  }
0x9a: {  	_ =	strace s5  }
0x9b: {  	s5 =	sld [smem:$0x3FFD];
	_ =	sdelay $0x3  }
0x9c: {  	_ =	strace s5  }
0x9d: {  	_ =	strace $0x8FFFFFFF  }
0x9e: {  	s19 =	sld [smem:$0x3FDB];
	_ =	sdelay $0x1  }
0x9f: {  	s6 =	simm.s32 $_scs_section_size  }
0xa0: {  	s7 =	simm.s32 $_size__tile_overlayer_lowered;
	s8 =	simm.s32 $_tile_overlayer_lowered  }
0xa1: {  	s22 =	simm.s32 $0x1BFF;
	s21 =	sshll.u32 s8, $0x1;
	s5 =	sadd.s32 s6, s19  }
0xa2: {  	s9 =	simm.s32 $0x0;
	s20 =	sshll.u32 s7, $0x1;
	s7 =	sadd.s32 s21, s5  }
0xa3: {  	[timem:s9], [sflag:s22] =	dma.local [hbm:s7], s20  }
0xa4: {  	_ =	swait.ge [sflag:s22], s20  }
0xa5: {  	s6 =	ssub.s32 $0x0, s20;
	[sflag:s22] =	ssyncset.done $0x0  }
0xa6: {  	[sflag:s22] =	ssyncadd.s32 s6;
	_ =	sdelay $0x1  }
0xa7: {  	s23 =	simm.s32 $0x1B8B  }
0xa8: {  	_ =	swait.ge [sflag:s23], $0x1  }
0xa9: {  	[sflag:s23] =	ssyncset.done $0x0  }
0xaa: {  	s25 =	simm.s32 $0x1B8E;
	s24 =	sld [smem:$0x3FFE];
	[sflag:s23] =	ssyncadd.s32 $0xFFFFFFFF  }
0xab: {  	s26 =	simm.s32 $execute0_lowered;
	[smem:$0x3FD2] =	sst s25  }
0xac: {  	s7 =	sshll.u32 s26, $0x1;
	_ =	strace $0x80000046;
	[dreg:$0x1] =	wrdreg $0xFFFFFFFF  }
0xad: {  	s28 =	simm.s32 $_size_execute0_lowered;
	s5 =	sadd.s32 s5, s7;
	[dreg:$0x0] =	wrdreg $0x0  }
0xae: {  	s7 =	sshll.u32 s28, $0x1;
	[dreg:$0x2] =	wrdreg s5  }
0xaf: {  	[dreg:$0x3] =	wrdreg s7  }
0xb0: {  	[dreg:$0x4] =	wrdreg $0xC0  }
0xb1: {  	_ =	task [dreg:s9], $0x5FFFF  }
0xb2: {  	[dreg:$0x1] =	wrdreg $0xFFFFFFFF  }
0xb3: {  	[dreg:$0x0] =	wrdreg $0x60  }
0xb4: {  	[dreg:$0x2] =	wrdreg s24  }
0xb5: {  	[dreg:$0x3] =	wrdreg s15  }
0xb6: {  	[dreg:$0x4] =	wrdreg s16  }
0xb7: {  	[dreg:$0x5] =	wrdreg s17  }
0xb8: {  	[dreg:$0x6] =	wrdreg $0x9  }
0xb9: {  	_ =	task.clear_ibuf [dreg:s9], $0x7FFFF;
	_ =	strace $0x90000046  }
0xba: {  	s29 =	simm.s32 $0x9;
	_ =	strace $0x80000048  }
0xbb: {  	_ =	swait.ge [sflag:s29], $0x1  }
0xbc: {  	[sflag:s29] =	ssyncadd.s32 $0xFFFFFFFF  }
0xbd: {  	_ =	strace $0x90000048  }
0xbe: {  	_ =	sfence  }
0xbf: {  	s30 =	sld [smem:$0x0];
	_ =	sdelay $0x2  }
0xc0: {  	s31 =	sshll.u32 s1, $0xD;
	s1 =	sshrl.u32 s1, $0x2  }
0xc1: {  	s3 =	sand.u32 $0x4000, s31;
	s1 =	sadd.s32 s1, s30  }
0xc2: {  	s0 =	sor.u32 s3, s0;
	s1 =	sshll.u32 s1, $0x11  }
0xc3: {  	s0 =	sor.u32 s1, s0  }
0xc4: {  	s0 =	sadd.s32 $0x8F2B, s0  }
0xc5: {  	[sflag:s0] =	ssyncadd.remote.s32 $0x1  }
0xc6: {  	_ =	sfence.sel $0xFFFF  }
0xc7: {  	[dreg:$0x0] =	wrdreg $0xFFFFFFFF;
	(pc) =	sbr.abs _section_cstart, $3  }
0xc8: {  	[dreg:$0x1] =	wrdreg $0xFFFFFFFF  }
0xc9: {  	_ =	task.clear_ibuf [dreg:s9], $0x2FFFF;
	_ =	strace $0x9FFFFFFF  }
0xca: {  	(tm) =	ssettm $0x7FFFFFFF  }
0xcb: {  	_ =	shalt  }
tec
execute0_lowered:
.L_overlay_start_1:
0x0: {  	(tag) =	ssettag $0x1  }
0x1: {  	s4 =	rddreg [dreg:$0x0]  }
0x2: {  	s5 =	rddreg [dreg:$0x1]  }
0x3: {  	s6 =	rddreg [dreg:$0x2]  }
0x4: {  	s7 =	rddreg [dreg:$0x3]  }
0x5: {  	s0 =	rddreg [dreg:$0x4];
	s2 =	simm.s32 $0x0;
	s3 =	srdreg.scid  }
0x6: {  	s1 =	stileid.u32;
	s12 =	simm.s32 $0x10200;
	s13 =	simm.s32 $0x12200  }
0x7: {  	s14 =	simm.s32 $0x0;
	[smem:$0x7FF] =	sst s2;
	s8 =	sand.u32 $0x1, s3  }
0x8: {  	s10 =	sshll.u32 s1, $0x1;
	s3 =	sadd.s32 $0x600, s4;
	s4 =	sadd.s32 $0xF42A00, s4  }
0x9: {  	_ =	strace $0x80000047;
	s9 =	ssub.s32 $0x2, s8;
	s8 =	sor.u32 s8, s10  }
0xa: {  	s11 =	sshrl.u32 s9, $0x1;
	s10 =	sshll.u32 s8, $0x6;
	s31 =	sshll.u32 s8, $0xA  }
0xb: {  	s8 =	sshll.u32 s8, $0xB;
	s9 =	ssub.s32 s9, s11;
	s5 =	sadd.s32 s5, s10  }
0xc: {  	s6 =	sadd.s32 s6, s31;
	s7 =	sadd.s32 s7, s8;
	s10 =	simm.s32 $0x1  }
0xd: {  	s11 =	simm.s32 $0x2;
	s8 =	smax.u32 s9, $0x1;
	s9 =	simm.s32 $0x3  }
.LBB2_1:
0xe: {  	[tilespmem:s2], [sflag:$0x3] =	stream.linear.gather [hbm4b:s5+s2], $0x200, $0x38;
	[tilespmem:$0x16200] =	vst v63  }
0xf: {  	_ =	swait.ge [sflag:s9], $0x200  }
0x10: {  	[sflag:s9] =	ssyncset.done $0x0  }
0x11: {  	s15 =	simm.s32 $0x0;
	[sflag:s9] =	ssyncadd.s32 $0xFFFFFE00  }
.LBB2_2:
0x12: {  	s16 =	sshll.u32 s15, $0x5  }
0x13: {  	v0 =	vmov s16;
	_ =	sdelay $0x1  }
0x14: {  	s17 =	simm.s32 $0x0;
	p0 =	por $0x1, $0x1  }
.LBB2_3:
0x15: {  	s18 =	sshll.u32 s17, $0x4  }
0x16: {  	s18 =	sand.u32 $0x3FFFFFF0, s18  }
0x17: {  	v1 =	vld.idx.msk [tilespmem:v0+s18+$0x0 ss:$0x1], $0xffff;
	_ =	sdelay $0x4  }
0x18: {  	v1 =	vshll.u32 v1, $0x4  }
0x19: {  	(v2sf) =	vpush v1, $0x0;
	_ =	sdelay $0x2  }
0x1a: {  	(v2sf) =	vpush v1, $0x1;
	_ =	sdelay $0x3  }
0x1b: {  	(v2sf) =	vpush v1, $0x2;
	_ =	sdelay $0x7  }
0x1c: {  	s25 =	spop (v2sf);
	(v2sf) =	vpush v1, $0x3;
	_ =	sdelay $0x1  }
0x1d: {  	s17 =	sshll.u32 s17, $0xE;
	s18 =	sand.u32 $0xFFFFF80, s25  }
0x1e: {  	s19 =	sor.u32 $0x200, s17;
	s28 =	spop (v2sf);
	(v2sf) =	vpush v1, $0x4;
	s20 =	sadd.s32 s3, s18  }
0x1f: {  	[tilespmem:s19], [sflag:$0x1] =	stream.linear.gather [hbm4b:s20+s2], $0x400, $0x38;
	[tilespmem:$0x16200] =	vst v63  }
0x20: {  	s26 =	sadd.s32 $0x8200, s17;
	s18 =	sadd.s32 s4, s18  }
0x21: {  	[tilespmem:s26], [sflag:$0x2] =	stream.linear.gather [hbm4b:s18+s2], $0x400, $0x38;
	[tilespmem:$0x16200] =	vst v63  }
0x22: {  	s19 =	spop (v2sf);
	(v2sf) =	vpush v1, $0x5;
	s18 =	sand.u32 $0xFFFFF80, s28  }
0x23: {  	s29 =	sor.u32 $0x600, s17;
	s30 =	sadd.s32 s3, s18  }
0x24: {  	[tilespmem:s29], [sflag:$0x1] =	stream.linear.gather [hbm4b:s30+s2], $0x400, $0x38;
	[tilespmem:$0x16200] =	vst v63  }
0x25: {  	s31 =	sadd.s32 $0x8600, s17;
	s18 =	sadd.s32 s4, s18  }
0x26: {  	[tilespmem:s31], [sflag:$0x2] =	stream.linear.gather [hbm4b:s18+s2], $0x400, $0x38;
	[tilespmem:$0x16200] =	vst v63  }
0x27: {  	s18 =	sand.u32 $0xFFFFF80, s19  }
0x28: {  	s20 =	sor.u32 $0xA00, s17;
	s21 =	sadd.s32 s3, s18  }
0x29: {  	[tilespmem:s20], [sflag:$0x1] =	stream.linear.gather [hbm4b:s21+s2], $0x400, $0x38;
	[tilespmem:$0x16200] =	vst v63  }
0x2a: {  	s22 =	sadd.s32 $0x8A00, s17;
	s18 =	sadd.s32 s4, s18;
	s23 =	spop (v2sf);
	(v2sf) =	vpush v1, $0x6  }
0x2b: {  	[tilespmem:s22], [sflag:$0x2] =	stream.linear.gather [hbm4b:s18+s2], $0x400, $0x38;
	[tilespmem:$0x16200] =	vst v63  }
0x2c: {  	s18 =	sand.u32 $0xFFFFF80, s23  }
0x2d: {  	s24 =	sor.u32 $0xE00, s17;
	s28 =	spop (v2sf);
	(v2sf) =	vpush v1, $0x7;
	s25 =	sadd.s32 s3, s18  }
0x2e: {  	[tilespmem:s24], [sflag:$0x1] =	stream.linear.gather [hbm4b:s25+s2], $0x400, $0x38;
	[tilespmem:$0x16200] =	vst v63  }
0x2f: {  	s26 =	sadd.s32 $0x8E00, s17;
	s18 =	sadd.s32 s4, s18  }
0x30: {  	[tilespmem:s26], [sflag:$0x2] =	stream.linear.gather [hbm4b:s18+s2], $0x400, $0x38;
	[tilespmem:$0x16200] =	vst v63  }
0x31: {  	s19 =	spop (v2sf);
	(v2sf) =	vpush v1, $0x8;
	s18 =	sand.u32 $0xFFFFF80, s28  }
0x32: {  	s29 =	sor.u32 $0x1200, s17;
	s30 =	sadd.s32 s3, s18  }
0x33: {  	[tilespmem:s29], [sflag:$0x1] =	stream.linear.gather [hbm4b:s30+s2], $0x400, $0x38;
	[tilespmem:$0x16200] =	vst v63  }
0x34: {  	s31 =	sadd.s32 $0x9200, s17;
	s18 =	sadd.s32 s4, s18  }
0x35: {  	[tilespmem:s31], [sflag:$0x2] =	stream.linear.gather [hbm4b:s18+s2], $0x400, $0x38;
	[tilespmem:$0x16200] =	vst v63  }
0x36: {  	s18 =	sand.u32 $0xFFFFF80, s19  }
0x37: {  	s20 =	sor.u32 $0x1600, s17;
	s21 =	sadd.s32 s3, s18  }
0x38: {  	[tilespmem:s20], [sflag:$0x1] =	stream.linear.gather [hbm4b:s21+s2], $0x400, $0x38;
	[tilespmem:$0x16200] =	vst v63  }
0x39: {  	s22 =	sadd.s32 $0x9600, s17;
	s18 =	sadd.s32 s4, s18;
	s23 =	spop (v2sf);
	(v2sf) =	vpush v1, $0x9  }
0x3a: {  	[tilespmem:s22], [sflag:$0x2] =	stream.linear.gather [hbm4b:s18+s2], $0x400, $0x38;
	[tilespmem:$0x16200] =	vst v63  }
0x3b: {  	s18 =	sand.u32 $0xFFFFF80, s23  }
0x3c: {  	s24 =	sor.u32 $0x1A00, s17;
	s28 =	spop (v2sf);
	(v2sf) =	vpush v1, $0xA;
	s25 =	sadd.s32 s3, s18  }
0x3d: {  	[tilespmem:s24], [sflag:$0x1] =	stream.linear.gather [hbm4b:s25+s2], $0x400, $0x38;
	[tilespmem:$0x16200] =	vst v63  }
0x3e: {  	s26 =	sadd.s32 $0x9A00, s17;
	s18 =	sadd.s32 s4, s18  }
0x3f: {  	[tilespmem:s26], [sflag:$0x2] =	stream.linear.gather [hbm4b:s18+s2], $0x400, $0x38;
	[tilespmem:$0x16200] =	vst v63  }
0x40: {  	s20 =	spop (v2sf);
	(v2sf) =	vpush v1, $0xB;
	s18 =	sand.u32 $0xFFFFF80, s28  }
0x41: {  	s29 =	sor.u32 $0x1E00, s17;
	s30 =	sadd.s32 s3, s18  }
0x42: {  	[tilespmem:s29], [sflag:$0x1] =	stream.linear.gather [hbm4b:s30+s2], $0x400, $0x38;
	[tilespmem:$0x16200] =	vst v63  }
0x43: {  	s31 =	sadd.s32 $0x9E00, s17;
	s18 =	sadd.s32 s4, s18  }
0x44: {  	[tilespmem:s31], [sflag:$0x2] =	stream.linear.gather [hbm4b:s18+s2], $0x400, $0x38;
	[tilespmem:$0x16200] =	vst v63  }
0x45: {  	s18 =	sand.u32 $0xFFFFF80, s20  }
0x46: {  	s21 =	sor.u32 $0x2200, s17;
	s22 =	sadd.s32 s3, s18  }
0x47: {  	[tilespmem:s21], [sflag:$0x1] =	stream.linear.gather [hbm4b:s22+s2], $0x400, $0x38;
	[tilespmem:$0x16200] =	vst v63  }
0x48: {  	s23 =	sadd.s32 $0xA200, s17;
	s18 =	sadd.s32 s4, s18;
	s24 =	spop (v2sf);
	(v2sf) =	vpush v1, $0xC  }
0x49: {  	[tilespmem:s23], [sflag:$0x2] =	stream.linear.gather [hbm4b:s18+s2], $0x400, $0x38;
	[tilespmem:$0x16200] =	vst v63  }
0x4a: {  	s18 =	sand.u32 $0xFFFFF80, s24  }
0x4b: {  	s25 =	sor.u32 $0x2600, s17;
	s29 =	spop (v2sf);
	(v2sf) =	vpush v1, $0xD;
	s26 =	sadd.s32 s3, s18  }
0x4c: {  	[tilespmem:s25], [sflag:$0x1] =	stream.linear.gather [hbm4b:s26+s2], $0x400, $0x38;
	[tilespmem:$0x16200] =	vst v63  }
0x4d: {  	s28 =	sadd.s32 $0xA600, s17;
	s18 =	sadd.s32 s4, s18  }
0x4e: {  	[tilespmem:s28], [sflag:$0x2] =	stream.linear.gather [hbm4b:s18+s2], $0x400, $0x38;
	[tilespmem:$0x16200] =	vst v63  }
0x4f: {  	s21 =	spop (v2sf);
	(v2sf) =	vpush v1, $0xE;
	s18 =	sand.u32 $0xFFFFF80, s29  }
0x50: {  	s30 =	sor.u32 $0x2A00, s17;
	s31 =	sadd.s32 s3, s18  }
0x51: {  	[tilespmem:s30], [sflag:$0x1] =	stream.linear.gather [hbm4b:s31+s2], $0x400, $0x38;
	[tilespmem:$0x16200] =	vst v63  }
0x52: {  	s20 =	sadd.s32 $0xAA00, s17;
	s18 =	sadd.s32 s4, s18  }
0x53: {  	[tilespmem:s20], [sflag:$0x2] =	stream.linear.gather [hbm4b:s18+s2], $0x400, $0x38;
	[tilespmem:$0x16200] =	vst v63  }
0x54: {  	s18 =	sand.u32 $0xFFFFF80, s21  }
0x55: {  	s22 =	sor.u32 $0x2E00, s17;
	s23 =	sadd.s32 s3, s18  }
0x56: {  	[tilespmem:s22], [sflag:$0x1] =	stream.linear.gather [hbm4b:s23+s2], $0x400, $0x38;
	[tilespmem:$0x16200] =	vst v63  }
0x57: {  	s24 =	sadd.s32 $0xAE00, s17;
	s18 =	sadd.s32 s4, s18;
	s25 =	spop (v2sf);
	(v2sf) =	vpush v1, $0xF  }
0x58: {  	[tilespmem:s24], [sflag:$0x2] =	stream.linear.gather [hbm4b:s18+s2], $0x400, $0x38;
	[tilespmem:$0x16200] =	vst v63  }
0x59: {  	s18 =	sand.u32 $0xFFFFF80, s25  }
0x5a: {  	s26 =	sor.u32 $0x3200, s17;
	s29 =	spop (v2sf);
	s28 =	sadd.s32 s3, s18  }
0x5b: {  	[tilespmem:s26], [sflag:$0x1] =	stream.linear.gather [hbm4b:s28+s2], $0x400, $0x38;
	[tilespmem:$0x16200] =	vst v63  }
0x5c: {  	s30 =	sadd.s32 $0xB200, s17;
	s18 =	sadd.s32 s4, s18;
	s31 =	sand.u32 $0xFFFFF80, s29  }
0x5d: {  	[tilespmem:s30], [sflag:$0x2] =	stream.linear.gather [hbm4b:s18+s2], $0x400, $0x38;
	[tilespmem:$0x16200] =	vst v63  }
0x5e: {  	s20 =	sor.u32 $0x3600, s17;
	s21 =	sadd.s32 s3, s31;
	s22 =	spop (v2sf)  }
0x5f: {  	[tilespmem:s20], [sflag:$0x1] =	stream.linear.gather [hbm4b:s21+s2], $0x400, $0x38;
	[tilespmem:$0x16200] =	vst v63  }
0x60: {  	s23 =	sadd.s32 $0xB600, s17;
	s24 =	sand.u32 $0xFFFFF80, s22;
	s18 =	sadd.s32 s4, s31  }
0x61: {  	[tilespmem:s23], [sflag:$0x2] =	stream.linear.gather [hbm4b:s18+s2], $0x400, $0x38;
	[tilespmem:$0x16200] =	vst v63  }
0x62: {  	s25 =	sor.u32 $0x3A00, s17;
	s26 =	sadd.s32 s3, s24  }
0x63: {  	[tilespmem:s25], [sflag:$0x1] =	stream.linear.gather [hbm4b:s26+s2], $0x400, $0x38;
	[tilespmem:$0x16200] =	vst v63  }
0x64: {  	s28 =	sadd.s32 $0xBA00, s17;
	s18 =	sadd.s32 s4, s24  }
0x65: {  	[tilespmem:s28], [sflag:$0x2] =	stream.linear.gather [hbm4b:s18+s2], $0x400, $0x38;
	[tilespmem:$0x16200] =	vst v63  }
0x66: {  	s29 =	spop (v2sf)  }
0x67: {  	p1 =	por p0, p0;
	s18 =	sand.u32 $0xFFFFF80, s29  }
.Ltmp0:
0x68: {  	s30 =	sor.u32 $0x3E00, s17;
	s31 =	sadd.s32 s3, s18;
	(pc) =	sbr.rel @p1 .LBB2_3-.Ltmp0, $4  }
0x69: {  	[tilespmem:s30], [sflag:$0x1] =	stream.linear.gather [hbm4b:s31+s2], $0x400, $0x38;
	[tilespmem:$0x16200] =	vst v63  }
0x6a: {  	s17 =	sadd.s32 $0xBE00, s17;
	s18 =	sadd.s32 s4, s18  }
0x6b: {  	[tilespmem:s17], [sflag:$0x2] =	stream.linear.gather [hbm4b:s18+s2], $0x400, $0x38;
	[tilespmem:$0x16200] =	vst v63  }
0x6c: {  	p0 =	por $0x0, $0x0;
	s17 =	simm.s32 $0x1  }
0x6d: {  	_ =	swait.ge [sflag:s10], $0x8000  }
0x6e: {  	[sflag:s10] =	ssyncset.done $0x0  }
0x6f: {  	[sflag:s10] =	ssyncadd.s32 $0xFFFF8000  }
0x70: {  	_ =	swait.ge [sflag:s11], $0x8000  }
0x71: {  	[sflag:s11] =	ssyncset.done $0x0  }
0x72: {  	s17 =	simm.s32 $0x0;
	p0 =	por $0x1, $0x1;
	[sflag:s11] =	ssyncadd.s32 $0xFFFF8000  }
.LBB2_5:
0x73: {  	s18 =	sshll.u32 s17, $0x4  }
0x74: {  	s19 =	sor.u32 s16, s18  }
0x75: {  	v0 =	vld [tilespmem:s19+$0x0];
	_ =	sdelay $0x4  }
0x76: {  	v0 =	vshll.u32 v0, $0x7  }
0x77: {  	(v2sf) =	vpush v0, $0x0;
	_ =	sdelay $0xe  }
0x78: {  	s20 =	spop (v2sf)  }
0x79: {  	s21 =	sshll.u32 s17, $0xE;
	s20 =	sand.u32 $0x380, s20  }
0x7a: {  	s20 =	sor.u32 s21, s20  }
0x7b: {  	v1 =	vld [tilespmem:s20+$0x200];
	_ =	sdelay $0x2  }
0x7c: {  	(v2sf) =	vpush v0, $0x1  }
0x7d: {  	s25 =	sshll.u32 s19, $0x4  }
0x7e: {  	s21 =	sand.u32 $0x3FFFFFF0, s25;
	v1 =	vmax.f32 v1, $0.0e+00  }
0x7f: {  	[tilespmem:s21+$0x10200] =	vst v1  }
0x80: {  	v1 =	vld [tilespmem:s20+$0x8200];
	_ =	sdelay $0x3  }
0x81: {  	s19 =	sshll.u32 s19, $0x5  }
0x82: {  	s19 =	sand.u32 $0x3FFFFFE0, s19;
	v1 =	vmax.f32 v1, $0.0e+00  }
0x83: {  	[tilespmem:s19+$0x12200] =	vst v1  }
0x84: {  	v1 =	vld [tilespmem:s20+$0x8210];
	_ =	sdelay $0x3  }
0x85: {  	s26 =	sor.u32 $0x1, s18;
	s28 =	spop (v2sf)  }
0x86: {  	s22 =	sshll.u32 s26, $0xA;
	s21 =	sand.u32 $0x380, s28;
	v1 =	vmax.f32 v1, $0.0e+00  }
0x87: {  	s29 =	sor.u32 s22, s21;
	[tilespmem:s19+$0x12210] =	vst v1  }
0x88: {  	v1 =	vld [tilespmem:s29+$0x200];
	_ =	sdelay $0x2  }
0x89: {  	(v2sf) =	vpush v0, $0x2;
	s20 =	sor.u32 s16, s26  }
0x8a: {  	s30 =	sshll.u32 s20, $0x4  }
0x8b: {  	s21 =	sand.u32 $0x1F00, s30;
	v1 =	vmax.f32 v1, $0.0e+00  }
0x8c: {  	[tilespmem:s21+$0x10210] =	vst v1  }
0x8d: {  	v1 =	vld [tilespmem:s29+$0x8200];
	_ =	sdelay $0x3  }
0x8e: {  	s20 =	sshll.u32 s20, $0x5  }
0x8f: {  	s20 =	sand.u32 $0x3E00, s20;
	v1 =	vmax.f32 v1, $0.0e+00  }
0x90: {  	[tilespmem:s20+$0x12220] =	vst v1  }
0x91: {  	v1 =	vld [tilespmem:s29+$0x8210];
	_ =	sdelay $0x3  }
0x92: {  	s31 =	sor.u32 $0x2, s18;
	s23 =	spop (v2sf)  }
0x93: {  	s24 =	sshll.u32 s31, $0xA;
	s21 =	sand.u32 $0x380, s23;
	v1 =	vmax.f32 v1, $0.0e+00  }
0x94: {  	s25 =	sor.u32 s24, s21;
	[tilespmem:s20+$0x12230] =	vst v1  }
0x95: {  	v1 =	vld [tilespmem:s25+$0x200];
	_ =	sdelay $0x2  }
0x96: {  	s19 =	sor.u32 s16, s31;
	(v2sf) =	vpush v0, $0x3  }
0x97: {  	s26 =	sshll.u32 s19, $0x4  }
0x98: {  	s21 =	sand.u32 $0x1F00, s26;
	v1 =	vmax.f32 v1, $0.0e+00  }
0x99: {  	[tilespmem:s21+$0x10220] =	vst v1  }
0x9a: {  	v1 =	vld [tilespmem:s25+$0x8200];
	_ =	sdelay $0x3  }
0x9b: {  	s19 =	sshll.u32 s19, $0x5  }
0x9c: {  	s19 =	sand.u32 $0x3E00, s19;
	v1 =	vmax.f32 v1, $0.0e+00  }
0x9d: {  	[tilespmem:s19+$0x12240] =	vst v1  }
0x9e: {  	v1 =	vld [tilespmem:s25+$0x8210];
	_ =	sdelay $0x3  }
0x9f: {  	s28 =	sor.u32 $0x3, s18;
	s29 =	spop (v2sf)  }
0xa0: {  	s30 =	sshll.u32 s28, $0xA;
	s21 =	sand.u32 $0x380, s29;
	v1 =	vmax.f32 v1, $0.0e+00  }
0xa1: {  	s31 =	sor.u32 s30, s21;
	[tilespmem:s19+$0x12250] =	vst v1  }
0xa2: {  	v1 =	vld [tilespmem:s31+$0x200];
	_ =	sdelay $0x2  }
0xa3: {  	s20 =	sor.u32 s16, s28;
	(v2sf) =	vpush v0, $0x4  }
0xa4: {  	s22 =	sshll.u32 s20, $0x4  }
0xa5: {  	s21 =	sand.u32 $0x1F00, s22;
	v1 =	vmax.f32 v1, $0.0e+00  }
0xa6: {  	[tilespmem:s21+$0x10230] =	vst v1  }
0xa7: {  	v1 =	vld [tilespmem:s31+$0x8200];
	_ =	sdelay $0x3  }
0xa8: {  	s20 =	sshll.u32 s20, $0x5  }
0xa9: {  	s20 =	sand.u32 $0x3E00, s20;
	v1 =	vmax.f32 v1, $0.0e+00  }
0xaa: {  	[tilespmem:s20+$0x12260] =	vst v1  }
0xab: {  	v1 =	vld [tilespmem:s31+$0x8210];
	_ =	sdelay $0x3  }
0xac: {  	s23 =	sor.u32 $0x4, s18;
	s24 =	spop (v2sf)  }
0xad: {  	s25 =	sshll.u32 s23, $0xA;
	s21 =	sand.u32 $0x380, s24;
	v1 =	vmax.f32 v1, $0.0e+00  }
0xae: {  	s26 =	sor.u32 s25, s21;
	[tilespmem:s20+$0x12270] =	vst v1  }
0xaf: {  	v1 =	vld [tilespmem:s26+$0x200];
	_ =	sdelay $0x2  }
0xb0: {  	(v2sf) =	vpush v0, $0x5;
	s19 =	sor.u32 s16, s23  }
0xb1: {  	s28 =	sshll.u32 s19, $0x4  }
0xb2: {  	s21 =	sand.u32 $0x1F00, s28;
	v1 =	vmax.f32 v1, $0.0e+00  }
0xb3: {  	[tilespmem:s21+$0x10240] =	vst v1  }
0xb4: {  	v1 =	vld [tilespmem:s26+$0x8200];
	_ =	sdelay $0x3  }
0xb5: {  	s19 =	sshll.u32 s19, $0x5  }
0xb6: {  	s19 =	sand.u32 $0x3FFFFFE0, s19;
	v1 =	vmax.f32 v1, $0.0e+00  }
0xb7: {  	[tilespmem:s19+$0x12200] =	vst v1  }
0xb8: {  	v1 =	vld [tilespmem:s26+$0x8210];
	_ =	sdelay $0x3  }
0xb9: {  	s29 =	sor.u32 $0x5, s18;
	s30 =	spop (v2sf)  }
0xba: {  	s31 =	sshll.u32 s29, $0xA;
	s21 =	sand.u32 $0x380, s30;
	v1 =	vmax.f32 v1, $0.0e+00  }
0xbb: {  	s23 =	sor.u32 s31, s21;
	[tilespmem:s19+$0x12210] =	vst v1  }
0xbc: {  	v1 =	vld [tilespmem:s23+$0x200];
	_ =	sdelay $0x2  }
0xbd: {  	(v2sf) =	vpush v0, $0x6;
	s20 =	sor.u32 s16, s29  }
0xbe: {  	s24 =	sshll.u32 s20, $0x4  }
0xbf: {  	s21 =	sand.u32 $0x1F00, s24;
	v1 =	vmax.f32 v1, $0.0e+00  }
0xc0: {  	[tilespmem:s21+$0x10250] =	vst v1  }
0xc1: {  	v1 =	vld [tilespmem:s23+$0x8200];
	_ =	sdelay $0x3  }
0xc2: {  	s20 =	sshll.u32 s20, $0x5  }
0xc3: {  	s20 =	sand.u32 $0x3E80, s20;
	v1 =	vmax.f32 v1, $0.0e+00  }
0xc4: {  	[tilespmem:s20+$0x12220] =	vst v1  }
0xc5: {  	v1 =	vld [tilespmem:s23+$0x8210];
	_ =	sdelay $0x3  }
0xc6: {  	s25 =	sor.u32 $0x6, s18;
	s26 =	spop (v2sf)  }
0xc7: {  	s28 =	sshll.u32 s25, $0xA;
	s21 =	sand.u32 $0x380, s26;
	v1 =	vmax.f32 v1, $0.0e+00  }
0xc8: {  	s29 =	sor.u32 s28, s21;
	[tilespmem:s20+$0x12230] =	vst v1  }
0xc9: {  	v1 =	vld [tilespmem:s29+$0x200];
	_ =	sdelay $0x2  }
0xca: {  	(v2sf) =	vpush v0, $0x7;
	s19 =	sor.u32 s16, s25  }
0xcb: {  	s30 =	sshll.u32 s19, $0x4  }
0xcc: {  	s21 =	sand.u32 $0x1F00, s30;
	v1 =	vmax.f32 v1, $0.0e+00  }
0xcd: {  	[tilespmem:s21+$0x10260] =	vst v1  }
0xce: {  	v1 =	vld [tilespmem:s29+$0x8200];
	_ =	sdelay $0x3  }
0xcf: {  	s19 =	sshll.u32 s19, $0x5  }
0xd0: {  	s19 =	sand.u32 $0x3E80, s19;
	v1 =	vmax.f32 v1, $0.0e+00  }
0xd1: {  	[tilespmem:s19+$0x12240] =	vst v1  }
0xd2: {  	v1 =	vld [tilespmem:s29+$0x8210];
	_ =	sdelay $0x3  }
0xd3: {  	s31 =	sor.u32 $0x7, s18;
	s23 =	spop (v2sf)  }
0xd4: {  	s24 =	sshll.u32 s31, $0xA;
	s21 =	sand.u32 $0x380, s23;
	v1 =	vmax.f32 v1, $0.0e+00  }
0xd5: {  	s25 =	sor.u32 s24, s21;
	[tilespmem:s19+$0x12250] =	vst v1  }
0xd6: {  	v1 =	vld [tilespmem:s25+$0x200];
	_ =	sdelay $0x2  }
0xd7: {  	(v2sf) =	vpush v0, $0x8;
	s20 =	sor.u32 s16, s31  }
0xd8: {  	s26 =	sshll.u32 s20, $0x4  }
0xd9: {  	s21 =	sand.u32 $0x1F00, s26;
	v1 =	vmax.f32 v1, $0.0e+00  }
0xda: {  	[tilespmem:s21+$0x10270] =	vst v1  }
0xdb: {  	v1 =	vld [tilespmem:s25+$0x8200];
	_ =	sdelay $0x3  }
0xdc: {  	s20 =	sshll.u32 s20, $0x5  }
0xdd: {  	s20 =	sand.u32 $0x3E80, s20;
	v1 =	vmax.f32 v1, $0.0e+00  }
0xde: {  	[tilespmem:s20+$0x12260] =	vst v1  }
0xdf: {  	v1 =	vld [tilespmem:s25+$0x8210];
	_ =	sdelay $0x3  }
0xe0: {  	s28 =	sor.u32 $0x8, s18;
	s29 =	spop (v2sf)  }
0xe1: {  	s30 =	sshll.u32 s28, $0xA;
	s21 =	sand.u32 $0x380, s29;
	v1 =	vmax.f32 v1, $0.0e+00  }
0xe2: {  	s31 =	sor.u32 s30, s21;
	[tilespmem:s20+$0x12270] =	vst v1  }
0xe3: {  	v1 =	vld [tilespmem:s31+$0x200];
	_ =	sdelay $0x2  }
0xe4: {  	(v2sf) =	vpush v0, $0x9;
	s19 =	sor.u32 s16, s28  }
0xe5: {  	s22 =	sshll.u32 s19, $0x4  }
0xe6: {  	s21 =	sand.u32 $0x3FFFFFF0, s22;
	v1 =	vmax.f32 v1, $0.0e+00  }
0xe7: {  	[tilespmem:s21+$0x10200] =	vst v1  }
0xe8: {  	v1 =	vld [tilespmem:s31+$0x8200];
	_ =	sdelay $0x3  }
0xe9: {  	s19 =	sshll.u32 s19, $0x5  }
0xea: {  	s19 =	sand.u32 $0x3FFFFFE0, s19;
	v1 =	vmax.f32 v1, $0.0e+00  }
0xeb: {  	[tilespmem:s19+$0x12200] =	vst v1  }
0xec: {  	v1 =	vld [tilespmem:s31+$0x8210];
	_ =	sdelay $0x3  }
0xed: {  	s23 =	sor.u32 $0x9, s18;
	s24 =	spop (v2sf)  }
0xee: {  	s25 =	sshll.u32 s23, $0xA;
	s21 =	sand.u32 $0x380, s24;
	v1 =	vmax.f32 v1, $0.0e+00  }
0xef: {  	s26 =	sor.u32 s25, s21;
	[tilespmem:s19+$0x12210] =	vst v1  }
0xf0: {  	v1 =	vld [tilespmem:s26+$0x200];
	_ =	sdelay $0x2  }
0xf1: {  	(v2sf) =	vpush v0, $0xA;
	s20 =	sor.u32 s16, s23  }
0xf2: {  	s28 =	sshll.u32 s20, $0x4  }
0xf3: {  	s21 =	sand.u32 $0x1F80, s28;
	v1 =	vmax.f32 v1, $0.0e+00  }
0xf4: {  	[tilespmem:s21+$0x10210] =	vst v1  }
0xf5: {  	v1 =	vld [tilespmem:s26+$0x8200];
	_ =	sdelay $0x3  }
0xf6: {  	s20 =	sshll.u32 s20, $0x5  }
0xf7: {  	s20 =	sand.u32 $0x3F00, s20;
	v1 =	vmax.f32 v1, $0.0e+00  }
0xf8: {  	[tilespmem:s20+$0x12220] =	vst v1  }
0xf9: {  	v1 =	vld [tilespmem:s26+$0x8210];
	_ =	sdelay $0x3  }
0xfa: {  	s29 =	sor.u32 $0xA, s18;
	s30 =	spop (v2sf)  }
0xfb: {  	s31 =	sshll.u32 s29, $0xA;
	s21 =	sand.u32 $0x380, s30;
	v1 =	vmax.f32 v1, $0.0e+00  }
0xfc: {  	s23 =	sor.u32 s31, s21;
	[tilespmem:s20+$0x12230] =	vst v1  }
0xfd: {  	v1 =	vld [tilespmem:s23+$0x200];
	_ =	sdelay $0x2  }
0xfe: {  	(v2sf) =	vpush v0, $0xB;
	s19 =	sor.u32 s16, s29  }
0xff: {  	s24 =	sshll.u32 s19, $0x4  }
0x100: {  	s21 =	sand.u32 $0x1F80, s24;
	v1 =	vmax.f32 v1, $0.0e+00  }
0x101: {  	[tilespmem:s21+$0x10220] =	vst v1  }
0x102: {  	v1 =	vld [tilespmem:s23+$0x8200];
	_ =	sdelay $0x3  }
0x103: {  	s19 =	sshll.u32 s19, $0x5  }
0x104: {  	s19 =	sand.u32 $0x3F00, s19;
	v1 =	vmax.f32 v1, $0.0e+00  }
0x105: {  	[tilespmem:s19+$0x12240] =	vst v1  }
0x106: {  	v1 =	vld [tilespmem:s23+$0x8210];
	_ =	sdelay $0x3  }
0x107: {  	s25 =	sor.u32 $0xB, s18;
	s26 =	spop (v2sf)  }
0x108: {  	s28 =	sshll.u32 s25, $0xA;
	s21 =	sand.u32 $0x380, s26;
	v1 =	vmax.f32 v1, $0.0e+00  }
0x109: {  	s29 =	sor.u32 s28, s21;
	[tilespmem:s19+$0x12250] =	vst v1  }
0x10a: {  	v1 =	vld [tilespmem:s29+$0x200];
	_ =	sdelay $0x2  }
0x10b: {  	(v2sf) =	vpush v0, $0xC;
	s20 =	sor.u32 s16, s25  }
0x10c: {  	s30 =	sshll.u32 s20, $0x4  }
0x10d: {  	s21 =	sand.u32 $0x1F80, s30;
	v1 =	vmax.f32 v1, $0.0e+00  }
0x10e: {  	[tilespmem:s21+$0x10230] =	vst v1  }
0x10f: {  	v1 =	vld [tilespmem:s29+$0x8200];
	_ =	sdelay $0x3  }
0x110: {  	s20 =	sshll.u32 s20, $0x5  }
0x111: {  	s20 =	sand.u32 $0x3F00, s20;
	v1 =	vmax.f32 v1, $0.0e+00  }
0x112: {  	[tilespmem:s20+$0x12260] =	vst v1  }
0x113: {  	v1 =	vld [tilespmem:s29+$0x8210];
	_ =	sdelay $0x3  }
0x114: {  	s31 =	sor.u32 $0xC, s18;
	s23 =	spop (v2sf)  }
0x115: {  	s24 =	sshll.u32 s31, $0xA;
	s21 =	sand.u32 $0x380, s23;
	v1 =	vmax.f32 v1, $0.0e+00  }
0x116: {  	s25 =	sor.u32 s24, s21;
	[tilespmem:s20+$0x12270] =	vst v1  }
0x117: {  	v1 =	vld [tilespmem:s25+$0x200];
	_ =	sdelay $0x2  }
0x118: {  	(v2sf) =	vpush v0, $0xD;
	s19 =	sor.u32 s16, s31  }
0x119: {  	s26 =	sshll.u32 s19, $0x4  }
0x11a: {  	s21 =	sand.u32 $0x1F80, s26;
	v1 =	vmax.f32 v1, $0.0e+00  }
0x11b: {  	[tilespmem:s21+$0x10240] =	vst v1  }
0x11c: {  	v1 =	vld [tilespmem:s25+$0x8200];
	_ =	sdelay $0x3  }
0x11d: {  	s19 =	sshll.u32 s19, $0x5  }
0x11e: {  	s19 =	sand.u32 $0x3FFFFFE0, s19;
	v1 =	vmax.f32 v1, $0.0e+00  }
0x11f: {  	[tilespmem:s19+$0x12200] =	vst v1  }
0x120: {  	v1 =	vld [tilespmem:s25+$0x8210];
	_ =	sdelay $0x3  }
0x121: {  	s28 =	sor.u32 $0xD, s18;
	s29 =	spop (v2sf)  }
0x122: {  	s30 =	sshll.u32 s28, $0xA;
	s21 =	sand.u32 $0x380, s29;
	v1 =	vmax.f32 v1, $0.0e+00  }
0x123: {  	s31 =	sor.u32 s30, s21;
	[tilespmem:s19+$0x12210] =	vst v1  }
0x124: {  	v1 =	vld [tilespmem:s31+$0x200];
	_ =	sdelay $0x2  }
0x125: {  	(v2sf) =	vpush v0, $0xE;
	s20 =	sor.u32 s16, s28  }
0x126: {  	s22 =	sshll.u32 s20, $0x4  }
0x127: {  	s21 =	sand.u32 $0x1F80, s22;
	v1 =	vmax.f32 v1, $0.0e+00  }
0x128: {  	[tilespmem:s21+$0x10250] =	vst v1  }
0x129: {  	v1 =	vld [tilespmem:s31+$0x8200];
	_ =	sdelay $0x3  }
0x12a: {  	s20 =	sshll.u32 s20, $0x5  }
0x12b: {  	s20 =	sand.u32 $0x3F80, s20;
	v1 =	vmax.f32 v1, $0.0e+00  }
0x12c: {  	[tilespmem:s20+$0x12220] =	vst v1  }
0x12d: {  	v1 =	vld [tilespmem:s31+$0x8210];
	_ =	sdelay $0x3  }
0x12e: {  	s18 =	sor.u32 $0xE, s18;
	s23 =	spop (v2sf)  }
0x12f: {  	s24 =	sshll.u32 s18, $0xA;
	s19 =	sand.u32 $0x380, s23;
	v1 =	vmax.f32 v1, $0.0e+00  }
0x130: {  	s19 =	sor.u32 s24, s19;
	[tilespmem:s20+$0x12230] =	vst v1  }
0x131: {  	v1 =	vld [tilespmem:s19+$0x200];
	_ =	sdelay $0x2  }
0x132: {  	s18 =	sor.u32 s16, s18;
	(v2sf) =	vpush v0, $0xF  }
0x133: {  	s25 =	sshll.u32 s18, $0x4  }
0x134: {  	s20 =	sand.u32 $0x1F80, s25;
	v63 =	vmax.f32 v1, $0.0e+00  }
0x135: {  	[tilespmem:s20+$0x10260] =	vst v63  }
0x136: {  	v0 =	vld [tilespmem:s19+$0x8200];
	_ =	sdelay $0x3  }
0x137: {  	s18 =	sshll.u32 s18, $0x5  }
0x138: {  	s18 =	sand.u32 $0x3F80, s18;
	v0 =	vmax.f32 v0, $0.0e+00  }
0x139: {  	[tilespmem:s18+$0x12240] =	vst v0  }
0x13a: {  	v0 =	vld [tilespmem:s19+$0x8210];
	_ =	sdelay $0x3  }
0x13b: {  	s26 =	sshllo.u32 s17, $0x4;
	s28 =	spop (v2sf)  }
0x13c: {  	s29 =	sshll.u32 s26, $0xA;
	s19 =	sand.u32 $0x380, s28;
	v0 =	vmax.f32 v0, $0.0e+00  }
0x13d: {  	s30 =	sor.u32 s29, s19;
	[tilespmem:s18+$0x12250] =	vst v0  }
0x13e: {  	v0 =	vld [tilespmem:s30+$0x200];
	_ =	sdelay $0x2  }
0x13f: {  	s17 =	sor.u32 s16, s26  }
0x140: {  	s31 =	sshll.u32 s17, $0x4  }
0x141: {  	s19 =	sand.u32 $0x1F80, s31;
	v0 =	vmax.f32 v0, $0.0e+00  }
0x142: {  	[tilespmem:s19+$0x10270] =	vst v0  }
0x143: {  	v0 =	vld [tilespmem:s30+$0x8200];
	_ =	sdelay $0x3  }
0x144: {  	s17 =	sshll.u32 s17, $0x5  }
0x145: {  	s17 =	sand.u32 $0x3F80, s17;
	v0 =	vmax.f32 v0, $0.0e+00  }
0x146: {  	[tilespmem:s17+$0x12260] =	vst v0  }
0x147: {  	v0 =	vld [tilespmem:s30+$0x8210]  }
0x148: {  	p1 =	por p0, p0  }
.Ltmp1:
0x149: {  	_ = 	snop;
	(pc) =	sbr.rel @p1 .LBB2_5-.Ltmp1, $3  }
0x14a: {  	_ =	sdelay $0x1  }
0x14b: {  	v0 =	vmax.f32 v0, $0.0e+00  }
0x14c: {  	p0 =	por $0x0, $0x0;
	[tilespmem:s17+$0x12270] =	vst v0;
	s17 =	simm.s32 $0x1  }
0x14d: {  	s15 =	sadd.s32 $0x1, s15  }
0x14e: {  	p0 =	sne.s32 s15, $0x10  }
.Ltmp2:
0x14f: {  	_ = 	snop;
	(pc) =	sbr.rel @p0 .LBB2_2-.Ltmp2, $1  }
0x150: {  	_ =	sdelay $0x3  }
0x151: {  	[hbm4b:s6+s2] =	stream.linear.scatter [tilespmem:s12], [sflag:$0x3], $0x2000, $0x38;
	[tilespmem:$0x16200] =	vst v63  }
0x152: {  	s14 =	sadd.s32 $0x1, s14;
	_ =	swait.ge [sflag:s9], $0x2000  }
0x153: {  	p0 =	sne.s32 s14, s8;
	[sflag:s9] =	ssyncset.done $0x0  }
.Ltmp3:
0x154: {  	[sflag:s9] =	ssyncadd.s32 $0xFFFFE000;
	(pc) =	sbr.rel @p0 .LBB2_1-.Ltmp3, $4  }
0x155: {  	[hbm4b:s7+s2] =	stream.linear.scatter [tilespmem:s13], [sflag:$0x3], $0x4000, $0x38;
	[tilespmem:$0x16200] =	vst v63  }
0x156: {  	_ =	swait.ge [sflag:s9], $0x4000  }
0x157: {  	[sflag:s9] =	ssyncset.done $0x0  }
0x158: {  	[sflag:s9] =	ssyncadd.s32 $0xFFFFC000  }
0x159: {  	_ =	sfence.sel $0x180000  }
0x15a: {  	[bflag:$0x0] =	sbarrier.arrive $0xFFFF  }
0x15b: {  	p0 =	sne.s32 s1, $0x0;
	_ =	strace $0x90000047  }
0x15c: {  	s0 =	sadd.s32 @!p0 $0x100000, s0;
	[bflag:$0x2] =	sbarrier.arrive $0xFFFF  }
0x15d: {  	[sflag:s0] =	ssyncadd.tile.s32 @!p0 $0x1;
	_ =	shalt  }
.Lfunc_end2:
_tile_overlayer_lowered:
.L_overlay_start_2:
0x15e: {  	(tag) =	ssettag $0x2  }
0x15f: {  	s0 =	rddreg [dreg:$0x0];
	s2 =	stileid.u32  }
0x160: {  	s1 =	rddreg [dreg:$0x1];
	p0 =	sne.s32 s2, $0x0  }
0x161: {  	s3 =	rddreg [dreg:$0x2];
	[bflag:$0x3] =	sbarrier.arrive $0xFFFF;
	s2 =	simm.s32 @!p0 $0x1C03  }
0x162: {  	[timem:s3], [sflag:s2] =	dma.local @!p0 [hbm:s0], s1  }
0x163: {  	s0 =	simm.s32 @!p0 $0x3  }
0x164: {  	_ =	swait.ge @!p0 [sflag:s0], s1  }
0x165: {  	s1 =	ssub.s32 @!p0 $0x0, s1;
	[sflag:s0] =	ssyncset.done @!p0 $0x0  }
0x166: {  	[sflag:s0] =	ssyncadd.s32 @!p0 s1  }
0x167: {  	[bflag:$0x3] =	sbarrier.arrive $0xFFFF  }
0x168: {  	_ =	shalt  }

</sc_bundles>
